<compile_context>
chip_gen: v7x
topology: tpu7x:2x2x1
jax: 0.10.2.dev20260603
libtpu: 0.0.44.dev20260713+nightly
codegen_flags: <defaults>
</compile_context>

<pallas_src>
import functools
import math

import jax
import jax.numpy as jnp
from jax import lax
from jax.experimental import pallas as pl
from jax.experimental.pallas import tpu as pltpu
from jax.experimental.pallas import tpu_sc as plsc

N = 10000
E = 320000
D = 128
BN_SCALE = 1.0 / math.sqrt(1.0 + 1e-5)

NC = 2
NS = 16
NW = NC * NS
CHUNK = 128
NCHUNK = 80
EPT = NCHUNK * CHUNK
E_PAD = NW * EPT
N_PAD = 10240
ROWS_PT = N_PAD // NS

R = 2000
GRID = N // R

_MESH = plsc.VectorSubcoreMesh(
    core_axis_name="c", subcore_axis_name="s", num_cores=NC, num_subcores=NS)



@functools.partial(
    pl.kernel,
    out_type=jax.ShapeDtypeStruct((NC, N_PAD), jnp.float32),
    mesh=_MESH,
    scratch_types=[
        pltpu.VMEM((NCHUNK, CHUNK), jnp.int32),
        pltpu.VMEM((CHUNK,), jnp.float32),
        pltpu.VMEM_SHARED((N_PAD,), jnp.float32),
    ],
)
def _sc_deg(dst_hbm, zeros1_hbm, ones_hbm, out_hbm, dst_v, ones_v, acc_sh):
    c = lax.axis_index("c")
    s = lax.axis_index("s")
    wid = c * NS + s
    pltpu.sync_copy(zeros1_hbm, acc_sh.at[pl.ds(s * ROWS_PT, ROWS_PT)])
    pltpu.sync_copy(dst_hbm.at[wid], dst_v)
    pltpu.sync_copy(ones_hbm, ones_v)
    plsc.subcore_barrier()

    def body(j, carry):
        pltpu.sync_copy(ones_v, acc_sh.at[dst_v.at[j]], add=True)
        return carry

    lax.fori_loop(0, NCHUNK, body, 0)
    plsc.subcore_barrier()
    pltpu.sync_copy(acc_sh.at[pl.ds(s * ROWS_PT, ROWS_PT)],
                    out_hbm.at[c, pl.ds(s * ROWS_PT, ROWS_PT)])


NBUF = 2
NPHASE = 2
NCHUNK_P = NCHUNK // NPHASE
NGRP = NCHUNK_P // NBUF


@functools.partial(
    pl.kernel,
    out_type=jax.ShapeDtypeStruct((E_PAD, D), jnp.float32),
    mesh=_MESH,
    scratch_types=[
        pltpu.VMEM((NCHUNK_P, CHUNK), jnp.int32),
        pltpu.VMEM((CHUNK, D), jnp.float32),
        pltpu.VMEM((CHUNK, D), jnp.float32),
        pltpu.SemaphoreType.DMA,
        pltpu.SemaphoreType.DMA,
        pltpu.SemaphoreType.DMA,
        pltpu.SemaphoreType.DMA,
        pltpu.VMEM_SHARED((N_PAD, D), jnp.float32),
    ],
)
def _sc_msg(g_hbm, src_hbm, msg_hbm,
            src_v, r0, r1, sg0, sg1, sw0, sw1, tab_sh):
    rows_v = [r0, r1]
    semg = [sg0, sg1]
    semw = [sw0, sw1]
    c = lax.axis_index("c")
    s = lax.axis_index("s")
    wid = c * NS + s
    pltpu.sync_copy(g_hbm.at[pl.ds(s * ROWS_PT, ROWS_PT)],
                    tab_sh.at[pl.ds(s * ROWS_PT, ROWS_PT)])
    plsc.subcore_barrier()

    def gather(j, b):
        pltpu.async_copy(tab_sh.at[src_v.at[j]], rows_v[b], semg[b])

    def gather_wait(j, b):
        pltpu.make_async_copy(
            tab_sh.at[src_v.at[j]], rows_v[b], semg[b]).wait()

    def mwrite(p, j, b):
        base = wid * (NCHUNK * CHUNK) + (p * NCHUNK_P + j) * CHUNK
        pltpu.async_copy(rows_v[b], msg_hbm.at[pl.ds(base, CHUNK)], semw[b])

    def mwrite_wait(b):
        pltpu.make_async_copy(rows_v[b], msg_hbm.at[pl.ds(0, CHUNK)],
                              semw[b]).wait()

    for p in range(NPHASE):
        pltpu.sync_copy(src_hbm.at[wid, pl.ds(p * NCHUNK_P, NCHUNK_P)], src_v)
        for b in range(NBUF):
            gather(b, b)

        def body(g, carry):
            base = g * NBUF
            for b in range(NBUF):
                gather_wait(base + b, b)
                mwrite(p, base + b, b)
            for b in range(NBUF):
                mwrite_wait(b)

                @pl.when(g + 1 < NGRP)
                def _():
                    gather(base + NBUF + b, b)

            return carry

        lax.fori_loop(0, NGRP, body, 0)


@functools.partial(
    pl.kernel,
    out_type=jax.ShapeDtypeStruct((NC, N_PAD, D), jnp.float32),
    mesh=_MESH,
    scratch_types=[
        pltpu.VMEM((NCHUNK_P, CHUNK), jnp.int32),
        pltpu.VMEM((CHUNK, D), jnp.float32),
        pltpu.VMEM((CHUNK, D), jnp.float32),
        pltpu.SemaphoreType.DMA,
        pltpu.SemaphoreType.DMA,
        pltpu.SemaphoreType.DMA,
        pltpu.SemaphoreType.DMA,
        pltpu.VMEM_SHARED((N_PAD, D), jnp.float32),
    ],
)
def _sc_acc(msg_hbm, dst_hbm, zeros_hbm, out_hbm,
            dst_v, r0, r1, sr0, sr1, ss0, ss1, acc_sh):
    rows_v = [r0, r1]
    semr = [sr0, sr1]
    sems = [ss0, ss1]
    c = lax.axis_index("c")
    s = lax.axis_index("s")
    wid = c * NS + s
    pltpu.sync_copy(zeros_hbm, acc_sh.at[pl.ds(s * ROWS_PT, ROWS_PT)])
    plsc.subcore_barrier()

    def mread(p, j, b):
        base = wid * (NCHUNK * CHUNK) + (p * NCHUNK_P + j) * CHUNK
        pltpu.async_copy(msg_hbm.at[pl.ds(base, CHUNK)], rows_v[b], semr[b])

    def mread_wait(b):
        pltpu.make_async_copy(msg_hbm.at[pl.ds(0, CHUNK)], rows_v[b],
                              semr[b]).wait()

    def scatter(j, b):
        pltpu.async_copy(rows_v[b], acc_sh.at[dst_v.at[j]], sems[b],
                         add=True)

    def scatter_wait(b):
        pltpu.make_async_copy(rows_v[b], acc_sh.at[dst_v.at[0]],
                              sems[b]).wait()

    for p in range(NPHASE):
        pltpu.sync_copy(dst_hbm.at[wid, pl.ds(p * NCHUNK_P, NCHUNK_P)], dst_v)
        for b in range(NBUF):
            mread(p, b, b)

        def body(g, carry):
            base = g * NBUF
            for b in range(NBUF):
                mread_wait(b)
                scatter(base + b, b)
            for b in range(NBUF):
                scatter_wait(b)

                @pl.when(g + 1 < NGRP)
                def _():
                    mread(p, base + NBUF + b, b)

            return carry

        lax.fori_loop(0, NGRP, body, 0)

    plsc.subcore_barrier()
    pltpu.sync_copy(acc_sh.at[pl.ds(s * ROWS_PT, ROWS_PT)],
                    out_hbm.at[c, pl.ds(s * ROWS_PT, ROWS_PT)])



def _dinv_of(dpt_ref):
    deg = dpt_ref[:, 0] + dpt_ref[:, 1] + 1.0
    return lax.rsqrt(deg)


def _tc1_body(x_ref, w_ref, dpt_ref, g_ref):
    dinv = _dinv_of(dpt_ref)
    h = jnp.dot(x_ref[...], w_ref[...], preferred_element_type=jnp.float32)
    g_ref[...] = h * dinv[:, None]


def _tc2_body(sp_ref, g1_ref, dpt_ref, b1_ref, gam_ref, bet_ref, w2_ref,
              g2_ref):
    dinv = _dinv_of(dpt_ref)
    z = (sp_ref[0] + sp_ref[1] + g1_ref[...]) * dinv[:, None] + b1_ref[...]
    h = jnp.maximum(z * BN_SCALE * gam_ref[...] + bet_ref[...], 0.0)
    h2 = jnp.dot(h, w2_ref[...], preferred_element_type=jnp.float32)
    g2_ref[...] = h2 * dinv[:, None]


def _tc3_body(sp_ref, g2_ref, dpt_ref, b2_ref, out_ref):
    dinv = _dinv_of(dpt_ref)
    out_ref[...] = ((sp_ref[0] + sp_ref[1] + g2_ref[...]) * dinv[:, None]
                    + b2_ref[...])


def _row_spec(shape2):
    return pl.BlockSpec(shape2, lambda i: (i, 0))


def _bcast_spec(shape2):
    return pl.BlockSpec(shape2, lambda i: (0, 0))


def _part_spec():
    return pl.BlockSpec((NC, R, D), lambda i: (0, i, 0))



def kernel(x, edge_index, W1, b1, W2, b2, gamma, beta):
    f32 = jnp.float32
    npad = E_PAD - E
    src = jnp.concatenate([edge_index[0],
                           jnp.zeros((npad,), jnp.int32)]).reshape(
        NW, NCHUNK, CHUNK)
    dst = jnp.concatenate([edge_index[1],
                           N + (jnp.arange(npad, dtype=jnp.int32) % (N_PAD - N))
                           ]).reshape(NW, NCHUNK, CHUNK)
    zeros_rows = jnp.zeros((ROWS_PT, D), f32)
    zeros_1d = jnp.zeros((ROWS_PT,), f32)
    ones_1d = jnp.ones((CHUNK,), f32)
    b1r = b1.reshape(1, D)
    b2r = b2.reshape(1, D)
    gammar = gamma.reshape(1, D)
    betar = beta.reshape(1, D)

    deg_parts = _sc_deg(dst, zeros_1d, ones_1d)
    dpt = jnp.swapaxes(deg_parts, 0, 1)

    g1 = pl.pallas_call(
        _tc1_body,
        grid=(GRID,),
        in_specs=[_row_spec((R, D)), _bcast_spec((D, D)), _row_spec((R, NC))],
        out_specs=_row_spec((R, D)),
        out_shape=jax.ShapeDtypeStruct((N, D), f32),
    )(x, W1, dpt)

    g1p = jnp.pad(g1, ((0, N_PAD - N), (0, 0)))
    m1 = _sc_msg(g1p, src)
    s1 = _sc_acc(m1, dst, zeros_rows)

    g2 = pl.pallas_call(
        _tc2_body,
        grid=(GRID,),
        in_specs=[_part_spec(), _row_spec((R, D)), _row_spec((R, NC)),
                  _bcast_spec((1, D)), _bcast_spec((1, D)),
                  _bcast_spec((1, D)), _bcast_spec((D, D))],
        out_specs=_row_spec((R, D)),
        out_shape=jax.ShapeDtypeStruct((N, D), f32),
    )(s1, g1, dpt, b1r, gammar, betar, W2)

    g2p = jnp.pad(g2, ((0, N_PAD - N), (0, 0)))
    m2 = _sc_msg(g2p, src)
    s2 = _sc_acc(m2, dst, zeros_rows)

    out = pl.pallas_call(
        _tc3_body,
        grid=(GRID,),
        in_specs=[_part_spec(), _row_spec((R, D)), _row_spec((R, NC)),
                  _bcast_spec((1, D))],
        out_specs=_row_spec((R, D)),
        out_shape=jax.ShapeDtypeStruct((N, D), f32),
    )(s2, g2, dpt, b2r)

    return out

# --- scband reference (transcript-rebuilt; emitter-appended) ---
"""Pipeline reference for scband-gcn2-80676665688548 (READ-ONLY COPY).

The authoritative reference and input builder live on the scoring server;
editing this copy changes nothing except your own understanding.
"""

import jax, jax.numpy as jnp
import numpy as np

N = 10000
E = 320000
D_IN = 128
D_HID = 128
D_OUT = 128
BN_EPS = 1e-5


def setup_inputs(seed: int = 0) -> dict:
    key = jax.random.key(seed)
    ks = jax.random.split(key, 8)
    x = jax.random.normal(ks[0], (N, D_IN), dtype=jnp.float32)
    edge_index = jax.random.randint(ks[1], (2, E), 0, N, dtype=jnp.int32)
    W1 = jax.random.normal(ks[2], (D_IN, D_HID), dtype=jnp.float32) * (1.0 / np.sqrt(D_IN))
    b1 = jnp.zeros((D_HID,), dtype=jnp.float32)
    W2 = jax.random.normal(ks[3], (D_HID, D_OUT), dtype=jnp.float32) * (1.0 / np.sqrt(D_HID))
    b2 = jnp.zeros((D_OUT,), dtype=jnp.float32)
    gamma = jnp.ones((D_HID,), dtype=jnp.float32)
    beta = jnp.zeros((D_HID,), dtype=jnp.float32)
    return {"x": x, "edge_index": edge_index, "W1": W1, "b1": b1, "W2": W2, "b2": b2, "gamma": gamma, "beta": beta}


def gcn_conv(x, edge_index, W, b):
    # PyG-style GCNConv: h = D^{-1/2} (A + I) D^{-1/2} (x @ W) + b
    h = x @ W
    src = edge_index[0]
    dst = edge_index[1]
    loop = jnp.arange(N, dtype=edge_index.dtype)
    src = jnp.concatenate([src, loop])
    dst = jnp.concatenate([dst, loop])
    deg = jnp.zeros((N,), h.dtype).at[dst].add(jnp.ones(src.shape[0], h.dtype))
    dinv = jnp.where(deg > 0, jax.lax.rsqrt(deg), 0.0)
    norm = dinv[src] * dinv[dst]
    msg = jnp.take(h, src, axis=0) * norm[:, None]
    out = jnp.zeros((N, h.shape[1]), h.dtype).at[dst].add(msg)
    return out + b


def reference(x, edge_index, W1, b1, W2, b2, gamma, beta):
    h = gcn_conv(x, edge_index, W1, b1)
    # BatchNorm1d in eval mode: running_mean=0, running_var=1
    h = (h / jnp.sqrt(1.0 + BN_EPS)) * gamma + beta
    h = jax.nn.relu(h)
    # dropout is identity in eval mode
    out = gcn_conv(h, edge_index, W2, b2)
    return out

if __name__ == "__main__":
    import jax
    _d = setup_inputs()
    print(jax.jit(kernel)(*tuple(_d.values())))

</pallas_src>

<mosaic_0001>
#map = affine_map<(d0, d1) -> (0, 0)>
#map1 = affine_map<(d0, d1) -> (0, 0, 0)>
module attributes {stable_mosaic.version = 14 : i64} {
  func.func @_sc_msg(%arg0: i32, %arg1: i32, %arg2: memref<10240x128xf32, #tpu.memory_space<hbm>>, %arg3: memref<32x80x128xi32, #tpu.memory_space<hbm>>, %arg4: memref<327680x128xf32, #tpu.memory_space<hbm>>, %arg5: memref<40x128xi32, #tpu.memory_space<vmem>>, %arg6: memref<128x128xf32, #tpu.memory_space<vmem>>, %arg7: memref<128x128xf32, #tpu.memory_space<vmem>>, %arg8: memref<!tpu.dma_semaphore, #tpu.memory_space<semaphore_mem>>, %arg9: memref<!tpu.dma_semaphore, #tpu.memory_space<semaphore_mem>>, %arg10: memref<!tpu.dma_semaphore, #tpu.memory_space<semaphore_mem>>, %arg11: memref<!tpu.dma_semaphore, #tpu.memory_space<semaphore_mem>>, %arg12: memref<10240x128xf32, #tpu.memory_space<vmem_shared>>) attributes {dimension_semantics = [#tpu.dimension_semantics<core_parallel>, #tpu.dimension_semantics<subcore_parallel>], iteration_bounds = array<i64: 2, 16>, scalar_prefetch = 0 : i64, scratch_operands = 8 : i64, tpu.core_type = #tpu.core_type<sc_vector_subcore>, window_params = [{transform_indices = #map}, {transform_indices = #map1}, {transform_indices = #map}]} {
    %mul3A = arith.constant 16 : i32
    %mul3A_0 = arith.muli %arg0, %mul3A : i32
    %add3A = arith.addi %mul3A_0, %arg1 : i32
    %mul3A_1 = arith.constant 640 : i32
    %mul3A_2 = arith.muli %arg1, %mul3A_1 : i32
    %mul3A_3 = arith.constant 640 : i32
    %mul3A_4 = arith.muli %arg1, %mul3A_3 : i32
    "tpu.region"() ({
      %run_scoped3A = tpu.sem_alloc : memref<!tpu.dma_semaphore, #tpu.memory_space<semaphore_mem>>
      %dma_start3A_43 = arith.constant 0 : i32
      %dma_start3A_44 = tpu.memref_slice %arg12[%mul3A_4, %dma_start3A_43] : memref<10240x128xf32, #tpu.memory_space<vmem_shared>> -> memref<640x128xf32, #tpu.memory_space<vmem_shared>>
      %dma_start3A_45 = arith.constant 0 : i32
      %dma_start3A_46 = tpu.memref_slice %arg2[%mul3A_2, %dma_start3A_45] : memref<10240x128xf32, #tpu.memory_space<hbm>> -> memref<640x128xf32, #tpu.memory_space<hbm>>
      tpu.enqueue_dma source(%dma_start3A_46 : memref<640x128xf32, #tpu.memory_space<hbm>>) target(%dma_start3A_44 : memref<640x128xf32, #tpu.memory_space<vmem_shared>>) target_semaphore(%run_scoped3A : memref<!tpu.dma_semaphore, #tpu.memory_space<semaphore_mem>>)
      %dma_wait3A = arith.constant 0 : i32
      %dma_wait3A_47 = tpu.memref_slice %arg12[%mul3A_4, %dma_wait3A] : memref<10240x128xf32, #tpu.memory_space<vmem_shared>> -> memref<640x128xf32, #tpu.memory_space<vmem_shared>>
      %dma_wait3A_48 = arith.constant 0 : i32
      %dma_wait3A_49 = tpu.memref_slice %arg2[%mul3A_2, %dma_wait3A_48] : memref<10240x128xf32, #tpu.memory_space<hbm>> -> memref<640x128xf32, #tpu.memory_space<hbm>>
      tpu.wait_dma2 semaphore(%run_scoped3A : memref<!tpu.dma_semaphore, #tpu.memory_space<semaphore_mem>>) src(%dma_wait3A_49 : memref<640x128xf32, #tpu.memory_space<hbm>>) dst(%dma_wait3A_47 : memref<640x128xf32, #tpu.memory_space<vmem_shared>>)
      tpu.yield
    }) : () -> ()
    %barrier3A = arith.constant 0 : index
    tpu.barrier barrier_id(%barrier3A)
    "tpu.region"() ({
      %run_scoped3A = tpu.sem_alloc : memref<!tpu.dma_semaphore, #tpu.memory_space<semaphore_mem>>
      %dma_start3A_43 = arith.constant 0 : i32
      %dma_start3A_44 = arith.constant 0 : i32
      %dma_start3A_45 = tpu.memref_slice %arg3[%add3A, %dma_start3A_43, %dma_start3A_44] : memref<32x80x128xi32, #tpu.memory_space<hbm>> -> memref<1x40x128xi32, #tpu.memory_space<hbm>>
      %dma_start3A_46 = tpu.memref_squeeze %dma_start3A_45 : memref<1x40x128xi32, #tpu.memory_space<hbm>> -> memref<40x128xi32, #tpu.memory_space<hbm>>
      %dma_start3A_47 = arith.constant 0 : i32
      %dma_start3A_48 = arith.constant 0 : i32
      %dma_start3A_49 = tpu.memref_slice %arg3[%add3A, %dma_start3A_47, %dma_start3A_48] : memref<32x80x128xi32, #tpu.memory_space<hbm>> -> memref<1x40x128xi32, #tpu.memory_space<hbm>>
      %dma_start3A_50 = tpu.memref_squeeze %dma_start3A_49 : memref<1x40x128xi32, #tpu.memory_space<hbm>> -> memref<40x128xi32, #tpu.memory_space<hbm>>
      tpu.enqueue_dma source(%dma_start3A_50 : memref<40x128xi32, #tpu.memory_space<hbm>>) target(%arg5 : memref<40x128xi32, #tpu.memory_space<vmem>>) target_semaphore(%run_scoped3A : memref<!tpu.dma_semaphore, #tpu.memory_space<semaphore_mem>>)
      %dma_wait3A = arith.constant 0 : i32
      %dma_wait3A_51 = arith.constant 0 : i32
      %dma_wait3A_52 = tpu.memref_slice %arg3[%add3A, %dma_wait3A, %dma_wait3A_51] : memref<32x80x128xi32, #tpu.memory_space<hbm>> -> memref<1x40x128xi32, #tpu.memory_space<hbm>>
      %dma_wait3A_53 = tpu.memref_squeeze %dma_wait3A_52 : memref<1x40x128xi32, #tpu.memory_space<hbm>> -> memref<40x128xi32, #tpu.memory_space<hbm>>
      %dma_wait3A_54 = arith.constant 0 : i32
      %dma_wait3A_55 = arith.constant 0 : i32
      %dma_wait3A_56 = tpu.memref_slice %arg3[%add3A, %dma_wait3A_54, %dma_wait3A_55] : memref<32x80x128xi32, #tpu.memory_space<hbm>> -> memref<1x40x128xi32, #tpu.memory_space<hbm>>
      %dma_wait3A_57 = tpu.memref_squeeze %dma_wait3A_56 : memref<1x40x128xi32, #tpu.memory_space<hbm>> -> memref<40x128xi32, #tpu.memory_space<hbm>>
      tpu.wait_dma2 semaphore(%run_scoped3A : memref<!tpu.dma_semaphore, #tpu.memory_space<semaphore_mem>>) src(%dma_wait3A_57 : memref<40x128xi32, #tpu.memory_space<hbm>>) dst(%arg5 : memref<40x128xi32, #tpu.memory_space<vmem>>)
      tpu.yield
    }) : () -> ()
    %dma_start3A = arith.constant 0 : i32
    %dma_start3A_5 = arith.constant 0 : i32
    %dma_start3A_6 = tpu.memref_slice %arg5[%dma_start3A, %dma_start3A_5] : memref<40x128xi32, #tpu.memory_space<vmem>> -> memref<1x128xi32, #tpu.memory_space<vmem>>
    %dma_start3A_7 = tpu.memref_squeeze %dma_start3A_6 : memref<1x128xi32, #tpu.memory_space<vmem>> -> memref<128xi32, #tpu.memory_space<vmem>>
    %dma_start3A_8 = arith.constant 0 : i32
    %dma_start3A_9 = arith.constant 0 : i32
    %dma_start3A_10 = tpu.memref_slice %arg12[%dma_start3A_8, %dma_start3A_9] : memref<10240x128xf32, #tpu.memory_space<vmem_shared>> -> memref<10240x128xf32, #tpu.memory_space<vmem_shared>>
    tpu.enqueue_indirect_dma source(%dma_start3A_10 : memref<10240x128xf32, #tpu.memory_space<vmem_shared>>) target(%arg6 : memref<128x128xf32, #tpu.memory_space<vmem>>) offsets(%dma_start3A_7 : memref<128xi32, #tpu.memory_space<vmem>>) semaphore(%arg8 : memref<!tpu.dma_semaphore, #tpu.memory_space<semaphore_mem>>)
    %dma_start3A_11 = arith.constant 1 : i32
    %dma_start3A_12 = arith.constant 0 : i32
    %dma_start3A_13 = tpu.memref_slice %arg5[%dma_start3A_11, %dma_start3A_12] : memref<40x128xi32, #tpu.memory_space<vmem>> -> memref<1x128xi32, #tpu.memory_space<vmem>>
    %dma_start3A_14 = tpu.memref_squeeze %dma_start3A_13 : memref<1x128xi32, #tpu.memory_space<vmem>> -> memref<128xi32, #tpu.memory_space<vmem>>
    %dma_start3A_15 = arith.constant 0 : i32
    %dma_start3A_16 = arith.constant 0 : i32
    %dma_start3A_17 = tpu.memref_slice %arg12[%dma_start3A_15, %dma_start3A_16] : memref<10240x128xf32, #tpu.memory_space<vmem_shared>> -> memref<10240x128xf32, #tpu.memory_space<vmem_shared>>
    tpu.enqueue_indirect_dma source(%dma_start3A_17 : memref<10240x128xf32, #tpu.memory_space<vmem_shared>>) target(%arg7 : memref<128x128xf32, #tpu.memory_space<vmem>>) offsets(%dma_start3A_14 : memref<128xi32, #tpu.memory_space<vmem>>) semaphore(%arg9 : memref<!tpu.dma_semaphore, #tpu.memory_space<semaphore_mem>>)
    %scan3A = arith.constant 0 : i32
    %scan3A_18 = arith.constant 0 : i32
    %scan3A_19 = arith.constant 20 : i32
    %scan3A_20 = arith.addi %scan3A_18, %scan3A_19 : i32
    %scan3A_21 = arith.constant 1 : i32
    scf.for %scan3A_43 = %scan3A_18 to %scan3A_20 step %scan3A_21  : i32 {
      %mul3A_44 = arith.constant 2 : i32
      %mul3A_45 = arith.muli %scan3A_43, %mul3A_44 : i32
      %add3A_46 = arith.constant 0 : i32
      %add3A_47 = arith.addi %mul3A_45, %add3A_46 : i32
      %dma_wait3A = arith.constant 0 : i32
      %dma_wait3A_48 = tpu.memref_slice %arg5[%add3A_47, %dma_wait3A] : memref<40x128xi32, #tpu.memory_space<vmem>> -> memref<1x128xi32, #tpu.memory_space<vmem>>
      %dma_wait3A_49 = tpu.memref_squeeze %dma_wait3A_48 : memref<1x128xi32, #tpu.memory_space<vmem>> -> memref<128xi32, #tpu.memory_space<vmem>>
      %dma_wait3A_50 = arith.constant 0 : i32
      %dma_wait3A_51 = arith.constant 0 : i32
      %dma_wait3A_52 = tpu.memref_slice %arg12[%dma_wait3A_50, %dma_wait3A_51] : memref<10240x128xf32, #tpu.memory_space<vmem_shared>> -> memref<10240x128xf32, #tpu.memory_space<vmem_shared>>
      tpu.wait_indirect_dma semaphore(%arg8 : memref<!tpu.dma_semaphore, #tpu.memory_space<semaphore_mem>>) src(%dma_wait3A_52 : memref<10240x128xf32, #tpu.memory_space<vmem_shared>>) dst(%arg6 : memref<128x128xf32, #tpu.memory_space<vmem>>)
      %add3A_53 = arith.constant 0 : i32
      %add3A_54 = arith.addi %mul3A_45, %add3A_53 : i32
      %mul3A_55 = arith.constant 10240 : i32
      %mul3A_56 = arith.muli %add3A, %mul3A_55 : i32
      %add3A_57 = arith.constant 0 : i32
      %add3A_58 = arith.addi %add3A_57, %add3A_54 : i32
      %mul3A_59 = arith.constant 128 : i32
      %mul3A_60 = arith.muli %add3A_58, %mul3A_59 : i32
      %add3A_61 = arith.addi %mul3A_56, %mul3A_60 : i32
      %dma_start3A_62 = arith.constant 0 : i32
      %dma_start3A_63 = tpu.memref_slice %arg4[%add3A_61, %dma_start3A_62] : memref<327680x128xf32, #tpu.memory_space<hbm>> -> memref<128x128xf32, #tpu.memory_space<hbm>>
      %dma_start3A_64 = arith.constant 0 : i32
      %dma_start3A_65 = tpu.memref_slice %arg4[%add3A_61, %dma_start3A_64] : memref<327680x128xf32, #tpu.memory_space<hbm>> -> memref<128x128xf32, #tpu.memory_space<hbm>>
      tpu.enqueue_dma source(%arg6 : memref<128x128xf32, #tpu.memory_space<vmem>>) target(%dma_start3A_65 : memref<128x128xf32, #tpu.memory_space<hbm>>) target_semaphore(%arg10 : memref<!tpu.dma_semaphore, #tpu.memory_space<semaphore_mem>>)
      %add3A_66 = arith.constant 1 : i32
      %add3A_67 = arith.addi %mul3A_45, %add3A_66 : i32
      %dma_wait3A_68 = arith.constant 0 : i32
      %dma_wait3A_69 = tpu.memref_slice %arg5[%add3A_67, %dma_wait3A_68] : memref<40x128xi32, #tpu.memory_space<vmem>> -> memref<1x128xi32, #tpu.memory_space<vmem>>
      %dma_wait3A_70 = tpu.memref_squeeze %dma_wait3A_69 : memref<1x128xi32, #tpu.memory_space<vmem>> -> memref<128xi32, #tpu.memory_space<vmem>>
      %dma_wait3A_71 = arith.constant 0 : i32
      %dma_wait3A_72 = arith.constant 0 : i32
      %dma_wait3A_73 = tpu.memref_slice %arg12[%dma_wait3A_71, %dma_wait3A_72] : memref<10240x128xf32, #tpu.memory_space<vmem_shared>> -> memref<10240x128xf32, #tpu.memory_space<vmem_shared>>
      tpu.wait_indirect_dma semaphore(%arg9 : memref<!tpu.dma_semaphore, #tpu.memory_space<semaphore_mem>>) src(%dma_wait3A_73 : memref<10240x128xf32, #tpu.memory_space<vmem_shared>>) dst(%arg7 : memref<128x128xf32, #tpu.memory_space<vmem>>)
      %add3A_74 = arith.constant 1 : i32
      %add3A_75 = arith.addi %mul3A_45, %add3A_74 : i32
      %mul3A_76 = arith.constant 10240 : i32
      %mul3A_77 = arith.muli %add3A, %mul3A_76 : i32
      %add3A_78 = arith.constant 0 : i32
      %add3A_79 = arith.addi %add3A_78, %add3A_75 : i32
      %mul3A_80 = arith.constant 128 : i32
      %mul3A_81 = arith.muli %add3A_79, %mul3A_80 : i32
      %add3A_82 = arith.addi %mul3A_77, %mul3A_81 : i32
      %dma_start3A_83 = arith.constant 0 : i32
      %dma_start3A_84 = tpu.memref_slice %arg4[%add3A_82, %dma_start3A_83] : memref<327680x128xf32, #tpu.memory_space<hbm>> -> memref<128x128xf32, #tpu.memory_space<hbm>>
      %dma_start3A_85 = arith.constant 0 : i32
      %dma_start3A_86 = tpu.memref_slice %arg4[%add3A_82, %dma_start3A_85] : memref<327680x128xf32, #tpu.memory_space<hbm>> -> memref<128x128xf32, #tpu.memory_space<hbm>>
      tpu.enqueue_dma source(%arg7 : memref<128x128xf32, #tpu.memory_space<vmem>>) target(%dma_start3A_86 : memref<128x128xf32, #tpu.memory_space<hbm>>) target_semaphore(%arg11 : memref<!tpu.dma_semaphore, #tpu.memory_space<semaphore_mem>>)
      %dma_wait3A_87 = arith.constant 0 : i32
      %dma_wait3A_88 = arith.constant 0 : i32
      %dma_wait3A_89 = tpu.memref_slice %arg4[%dma_wait3A_87, %dma_wait3A_88] : memref<327680x128xf32, #tpu.memory_space<hbm>> -> memref<128x128xf32, #tpu.memory_space<hbm>>
      %dma_wait3A_90 = arith.constant 0 : i32
      %dma_wait3A_91 = arith.constant 0 : i32
      %dma_wait3A_92 = tpu.memref_slice %arg4[%dma_wait3A_90, %dma_wait3A_91] : memref<327680x128xf32, #tpu.memory_space<hbm>> -> memref<128x128xf32, #tpu.memory_space<hbm>>
      tpu.wait_dma2 semaphore(%arg10 : memref<!tpu.dma_semaphore, #tpu.memory_space<semaphore_mem>>) src(%arg6 : memref<128x128xf32, #tpu.memory_space<vmem>>) dst(%dma_wait3A_92 : memref<128x128xf32, #tpu.memory_space<hbm>>)
      %add3A_93 = arith.constant 1 : i32
      %add3A_94 = arith.addi %scan3A_43, %add3A_93 : i32
      %lt3A = arith.constant 20 : i32
      %lt3A_95 = arith.cmpi slt, %add3A_94, %lt3A : i32
      %convert_element_type3A = arith.extui %lt3A_95 : i1 to i32
      %cond3A = arith.constant 0 : i32
      %cond3A_96 = arith.cmpi ne, %convert_element_type3A, %cond3A : i32
      scf.if %cond3A_96 {
        %add3A_110 = arith.constant 2 : i32
        %add3A_111 = arith.addi %mul3A_45, %add3A_110 : i32
        %add3A_112 = arith.constant 0 : i32
        %add3A_113 = arith.addi %add3A_111, %add3A_112 : i32
        %dma_start3A_114 = arith.constant 0 : i32
        %dma_start3A_115 = tpu.memref_slice %arg5[%add3A_113, %dma_start3A_114] : memref<40x128xi32, #tpu.memory_space<vmem>> -> memref<1x128xi32, #tpu.memory_space<vmem>>
        %dma_start3A_116 = tpu.memref_squeeze %dma_start3A_115 : memref<1x128xi32, #tpu.memory_space<vmem>> -> memref<128xi32, #tpu.memory_space<vmem>>
        %dma_start3A_117 = arith.constant 0 : i32
        %dma_start3A_118 = arith.constant 0 : i32
        %dma_start3A_119 = tpu.memref_slice %arg12[%dma_start3A_117, %dma_start3A_118] : memref<10240x128xf32, #tpu.memory_space<vmem_shared>> -> memref<10240x128xf32, #tpu.memory_space<vmem_shared>>
        tpu.enqueue_indirect_dma source(%dma_start3A_119 : memref<10240x128xf32, #tpu.memory_space<vmem_shared>>) target(%arg6 : memref<128x128xf32, #tpu.memory_space<vmem>>) offsets(%dma_start3A_116 : memref<128xi32, #tpu.memory_space<vmem>>) semaphore(%arg8 : memref<!tpu.dma_semaphore, #tpu.memory_space<semaphore_mem>>)
      } else {
      }
      %dma_wait3A_97 = arith.constant 0 : i32
      %dma_wait3A_98 = arith.constant 0 : i32
      %dma_wait3A_99 = tpu.memref_slice %arg4[%dma_wait3A_97, %dma_wait3A_98] : memref<327680x128xf32, #tpu.memory_space<hbm>> -> memref<128x128xf32, #tpu.memory_space<hbm>>
      %dma_wait3A_100 = arith.constant 0 : i32
      %dma_wait3A_101 = arith.constant 0 : i32
      %dma_wait3A_102 = tpu.memref_slice %arg4[%dma_wait3A_100, %dma_wait3A_101] : memref<327680x128xf32, #tpu.memory_space<hbm>> -> memref<128x128xf32, #tpu.memory_space<hbm>>
      tpu.wait_dma2 semaphore(%arg11 : memref<!tpu.dma_semaphore, #tpu.memory_space<semaphore_mem>>) src(%arg7 : memref<128x128xf32, #tpu.memory_space<vmem>>) dst(%dma_wait3A_102 : memref<128x128xf32, #tpu.memory_space<hbm>>)
      %add3A_103 = arith.constant 1 : i32
      %add3A_104 = arith.addi %scan3A_43, %add3A_103 : i32
      %lt3A_105 = arith.constant 20 : i32
      %lt3A_106 = arith.cmpi slt, %add3A_104, %lt3A_105 : i32
      %convert_element_type3A_107 = arith.extui %lt3A_106 : i1 to i32
      %cond3A_108 = arith.constant 0 : i32
      %cond3A_109 = arith.cmpi ne, %convert_element_type3A_107, %cond3A_108 : i32
      scf.if %cond3A_109 {
        %add3A_110 = arith.constant 2 : i32
        %add3A_111 = arith.addi %mul3A_45, %add3A_110 : i32
        %add3A_112 = arith.constant 1 : i32
        %add3A_113 = arith.addi %add3A_111, %add3A_112 : i32
        %dma_start3A_114 = arith.constant 0 : i32
        %dma_start3A_115 = tpu.memref_slice %arg5[%add3A_113, %dma_start3A_114] : memref<40x128xi32, #tpu.memory_space<vmem>> -> memref<1x128xi32, #tpu.memory_space<vmem>>
        %dma_start3A_116 = tpu.memref_squeeze %dma_start3A_115 : memref<1x128xi32, #tpu.memory_space<vmem>> -> memref<128xi32, #tpu.memory_space<vmem>>
        %dma_start3A_117 = arith.constant 0 : i32
        %dma_start3A_118 = arith.constant 0 : i32
        %dma_start3A_119 = tpu.memref_slice %arg12[%dma_start3A_117, %dma_start3A_118] : memref<10240x128xf32, #tpu.memory_space<vmem_shared>> -> memref<10240x128xf32, #tpu.memory_space<vmem_shared>>
        tpu.enqueue_indirect_dma source(%dma_start3A_119 : memref<10240x128xf32, #tpu.memory_space<vmem_shared>>) target(%arg7 : memref<128x128xf32, #tpu.memory_space<vmem>>) offsets(%dma_start3A_116 : memref<128xi32, #tpu.memory_space<vmem>>) semaphore(%arg9 : memref<!tpu.dma_semaphore, #tpu.memory_space<semaphore_mem>>)
      } else {
      }
    }
    %scan3A_22 = arith.constant 20 : i32
    "tpu.region"() ({
      %run_scoped3A = tpu.sem_alloc : memref<!tpu.dma_semaphore, #tpu.memory_space<semaphore_mem>>
      %dma_start3A_43 = arith.constant 40 : i32
      %dma_start3A_44 = arith.constant 0 : i32
      %dma_start3A_45 = tpu.memref_slice %arg3[%add3A, %dma_start3A_43, %dma_start3A_44] : memref<32x80x128xi32, #tpu.memory_space<hbm>> -> memref<1x40x128xi32, #tpu.memory_space<hbm>>
      %dma_start3A_46 = tpu.memref_squeeze %dma_start3A_45 : memref<1x40x128xi32, #tpu.memory_space<hbm>> -> memref<40x128xi32, #tpu.memory_space<hbm>>
      %dma_start3A_47 = arith.constant 40 : i32
      %dma_start3A_48 = arith.constant 0 : i32
      %dma_start3A_49 = tpu.memref_slice %arg3[%add3A, %dma_start3A_47, %dma_start3A_48] : memref<32x80x128xi32, #tpu.memory_space<hbm>> -> memref<1x40x128xi32, #tpu.memory_space<hbm>>
      %dma_start3A_50 = tpu.memref_squeeze %dma_start3A_49 : memref<1x40x128xi32, #tpu.memory_space<hbm>> -> memref<40x128xi32, #tpu.memory_space<hbm>>
      tpu.enqueue_dma source(%dma_start3A_50 : memref<40x128xi32, #tpu.memory_space<hbm>>) target(%arg5 : memref<40x128xi32, #tpu.memory_space<vmem>>) target_semaphore(%run_scoped3A : memref<!tpu.dma_semaphore, #tpu.memory_space<semaphore_mem>>)
      %dma_wait3A = arith.constant 40 : i32
      %dma_wait3A_51 = arith.constant 0 : i32
      %dma_wait3A_52 = tpu.memref_slice %arg3[%add3A, %dma_wait3A, %dma_wait3A_51] : memref<32x80x128xi32, #tpu.memory_space<hbm>> -> memref<1x40x128xi32, #tpu.memory_space<hbm>>
      %dma_wait3A_53 = tpu.memref_squeeze %dma_wait3A_52 : memref<1x40x128xi32, #tpu.memory_space<hbm>> -> memref<40x128xi32, #tpu.memory_space<hbm>>
      %dma_wait3A_54 = arith.constant 40 : i32
      %dma_wait3A_55 = arith.constant 0 : i32
      %dma_wait3A_56 = tpu.memref_slice %arg3[%add3A, %dma_wait3A_54, %dma_wait3A_55] : memref<32x80x128xi32, #tpu.memory_space<hbm>> -> memref<1x40x128xi32, #tpu.memory_space<hbm>>
      %dma_wait3A_57 = tpu.memref_squeeze %dma_wait3A_56 : memref<1x40x128xi32, #tpu.memory_space<hbm>> -> memref<40x128xi32, #tpu.memory_space<hbm>>
      tpu.wait_dma2 semaphore(%run_scoped3A : memref<!tpu.dma_semaphore, #tpu.memory_space<semaphore_mem>>) src(%dma_wait3A_57 : memref<40x128xi32, #tpu.memory_space<hbm>>) dst(%arg5 : memref<40x128xi32, #tpu.memory_space<vmem>>)
      tpu.yield
    }) : () -> ()
    %dma_start3A_23 = arith.constant 0 : i32
    %dma_start3A_24 = arith.constant 0 : i32
    %dma_start3A_25 = tpu.memref_slice %arg5[%dma_start3A_23, %dma_start3A_24] : memref<40x128xi32, #tpu.memory_space<vmem>> -> memref<1x128xi32, #tpu.memory_space<vmem>>
    %dma_start3A_26 = tpu.memref_squeeze %dma_start3A_25 : memref<1x128xi32, #tpu.memory_space<vmem>> -> memref<128xi32, #tpu.memory_space<vmem>>
    %dma_start3A_27 = arith.constant 0 : i32
    %dma_start3A_28 = arith.constant 0 : i32
    %dma_start3A_29 = tpu.memref_slice %arg12[%dma_start3A_27, %dma_start3A_28] : memref<10240x128xf32, #tpu.memory_space<vmem_shared>> -> memref<10240x128xf32, #tpu.memory_space<vmem_shared>>
    tpu.enqueue_indirect_dma source(%dma_start3A_29 : memref<10240x128xf32, #tpu.memory_space<vmem_shared>>) target(%arg6 : memref<128x128xf32, #tpu.memory_space<vmem>>) offsets(%dma_start3A_26 : memref<128xi32, #tpu.memory_space<vmem>>) semaphore(%arg8 : memref<!tpu.dma_semaphore, #tpu.memory_space<semaphore_mem>>)
    %dma_start3A_30 = arith.constant 1 : i32
    %dma_start3A_31 = arith.constant 0 : i32
    %dma_start3A_32 = tpu.memref_slice %arg5[%dma_start3A_30, %dma_start3A_31] : memref<40x128xi32, #tpu.memory_space<vmem>> -> memref<1x128xi32, #tpu.memory_space<vmem>>
    %dma_start3A_33 = tpu.memref_squeeze %dma_start3A_32 : memref<1x128xi32, #tpu.memory_space<vmem>> -> memref<128xi32, #tpu.memory_space<vmem>>
    %dma_start3A_34 = arith.constant 0 : i32
    %dma_start3A_35 = arith.constant 0 : i32
    %dma_start3A_36 = tpu.memref_slice %arg12[%dma_start3A_34, %dma_start3A_35] : memref<10240x128xf32, #tpu.memory_space<vmem_shared>> -> memref<10240x128xf32, #tpu.memory_space<vmem_shared>>
    tpu.enqueue_indirect_dma source(%dma_start3A_36 : memref<10240x128xf32, #tpu.memory_space<vmem_shared>>) target(%arg7 : memref<128x128xf32, #tpu.memory_space<vmem>>) offsets(%dma_start3A_33 : memref<128xi32, #tpu.memory_space<vmem>>) semaphore(%arg9 : memref<!tpu.dma_semaphore, #tpu.memory_space<semaphore_mem>>)
    %scan3A_37 = arith.constant 0 : i32
    %scan3A_38 = arith.constant 0 : i32
    %scan3A_39 = arith.constant 20 : i32
    %scan3A_40 = arith.addi %scan3A_38, %scan3A_39 : i32
    %scan3A_41 = arith.constant 1 : i32
    scf.for %scan3A_43 = %scan3A_38 to %scan3A_40 step %scan3A_41  : i32 {
      %mul3A_44 = arith.constant 2 : i32
      %mul3A_45 = arith.muli %scan3A_43, %mul3A_44 : i32
      %add3A_46 = arith.constant 0 : i32
      %add3A_47 = arith.addi %mul3A_45, %add3A_46 : i32
      %dma_wait3A = arith.constant 0 : i32
      %dma_wait3A_48 = tpu.memref_slice %arg5[%add3A_47, %dma_wait3A] : memref<40x128xi32, #tpu.memory_space<vmem>> -> memref<1x128xi32, #tpu.memory_space<vmem>>
      %dma_wait3A_49 = tpu.memref_squeeze %dma_wait3A_48 : memref<1x128xi32, #tpu.memory_space<vmem>> -> memref<128xi32, #tpu.memory_space<vmem>>
      %dma_wait3A_50 = arith.constant 0 : i32
      %dma_wait3A_51 = arith.constant 0 : i32
      %dma_wait3A_52 = tpu.memref_slice %arg12[%dma_wait3A_50, %dma_wait3A_51] : memref<10240x128xf32, #tpu.memory_space<vmem_shared>> -> memref<10240x128xf32, #tpu.memory_space<vmem_shared>>
      tpu.wait_indirect_dma semaphore(%arg8 : memref<!tpu.dma_semaphore, #tpu.memory_space<semaphore_mem>>) src(%dma_wait3A_52 : memref<10240x128xf32, #tpu.memory_space<vmem_shared>>) dst(%arg6 : memref<128x128xf32, #tpu.memory_space<vmem>>)
      %add3A_53 = arith.constant 0 : i32
      %add3A_54 = arith.addi %mul3A_45, %add3A_53 : i32
      %mul3A_55 = arith.constant 10240 : i32
      %mul3A_56 = arith.muli %add3A, %mul3A_55 : i32
      %add3A_57 = arith.constant 40 : i32
      %add3A_58 = arith.addi %add3A_57, %add3A_54 : i32
      %mul3A_59 = arith.constant 128 : i32
      %mul3A_60 = arith.muli %add3A_58, %mul3A_59 : i32
      %add3A_61 = arith.addi %mul3A_56, %mul3A_60 : i32
      %dma_start3A_62 = arith.constant 0 : i32
      %dma_start3A_63 = tpu.memref_slice %arg4[%add3A_61, %dma_start3A_62] : memref<327680x128xf32, #tpu.memory_space<hbm>> -> memref<128x128xf32, #tpu.memory_space<hbm>>
      %dma_start3A_64 = arith.constant 0 : i32
      %dma_start3A_65 = tpu.memref_slice %arg4[%add3A_61, %dma_start3A_64] : memref<327680x128xf32, #tpu.memory_space<hbm>> -> memref<128x128xf32, #tpu.memory_space<hbm>>
      tpu.enqueue_dma source(%arg6 : memref<128x128xf32, #tpu.memory_space<vmem>>) target(%dma_start3A_65 : memref<128x128xf32, #tpu.memory_space<hbm>>) target_semaphore(%arg10 : memref<!tpu.dma_semaphore, #tpu.memory_space<semaphore_mem>>)
      %add3A_66 = arith.constant 1 : i32
      %add3A_67 = arith.addi %mul3A_45, %add3A_66 : i32
      %dma_wait3A_68 = arith.constant 0 : i32
      %dma_wait3A_69 = tpu.memref_slice %arg5[%add3A_67, %dma_wait3A_68] : memref<40x128xi32, #tpu.memory_space<vmem>> -> memref<1x128xi32, #tpu.memory_space<vmem>>
      %dma_wait3A_70 = tpu.memref_squeeze %dma_wait3A_69 : memref<1x128xi32, #tpu.memory_space<vmem>> -> memref<128xi32, #tpu.memory_space<vmem>>
      %dma_wait3A_71 = arith.constant 0 : i32
      %dma_wait3A_72 = arith.constant 0 : i32
      %dma_wait3A_73 = tpu.memref_slice %arg12[%dma_wait3A_71, %dma_wait3A_72] : memref<10240x128xf32, #tpu.memory_space<vmem_shared>> -> memref<10240x128xf32, #tpu.memory_space<vmem_shared>>
      tpu.wait_indirect_dma semaphore(%arg9 : memref<!tpu.dma_semaphore, #tpu.memory_space<semaphore_mem>>) src(%dma_wait3A_73 : memref<10240x128xf32, #tpu.memory_space<vmem_shared>>) dst(%arg7 : memref<128x128xf32, #tpu.memory_space<vmem>>)
      %add3A_74 = arith.constant 1 : i32
      %add3A_75 = arith.addi %mul3A_45, %add3A_74 : i32
      %mul3A_76 = arith.constant 10240 : i32
      %mul3A_77 = arith.muli %add3A, %mul3A_76 : i32
      %add3A_78 = arith.constant 40 : i32
      %add3A_79 = arith.addi %add3A_78, %add3A_75 : i32
      %mul3A_80 = arith.constant 128 : i32
      %mul3A_81 = arith.muli %add3A_79, %mul3A_80 : i32
      %add3A_82 = arith.addi %mul3A_77, %mul3A_81 : i32
      %dma_start3A_83 = arith.constant 0 : i32
      %dma_start3A_84 = tpu.memref_slice %arg4[%add3A_82, %dma_start3A_83] : memref<327680x128xf32, #tpu.memory_space<hbm>> -> memref<128x128xf32, #tpu.memory_space<hbm>>
      %dma_start3A_85 = arith.constant 0 : i32
      %dma_start3A_86 = tpu.memref_slice %arg4[%add3A_82, %dma_start3A_85] : memref<327680x128xf32, #tpu.memory_space<hbm>> -> memref<128x128xf32, #tpu.memory_space<hbm>>
      tpu.enqueue_dma source(%arg7 : memref<128x128xf32, #tpu.memory_space<vmem>>) target(%dma_start3A_86 : memref<128x128xf32, #tpu.memory_space<hbm>>) target_semaphore(%arg11 : memref<!tpu.dma_semaphore, #tpu.memory_space<semaphore_mem>>)
      %dma_wait3A_87 = arith.constant 0 : i32
      %dma_wait3A_88 = arith.constant 0 : i32
      %dma_wait3A_89 = tpu.memref_slice %arg4[%dma_wait3A_87, %dma_wait3A_88] : memref<327680x128xf32, #tpu.memory_space<hbm>> -> memref<128x128xf32, #tpu.memory_space<hbm>>
      %dma_wait3A_90 = arith.constant 0 : i32
      %dma_wait3A_91 = arith.constant 0 : i32
      %dma_wait3A_92 = tpu.memref_slice %arg4[%dma_wait3A_90, %dma_wait3A_91] : memref<327680x128xf32, #tpu.memory_space<hbm>> -> memref<128x128xf32, #tpu.memory_space<hbm>>
      tpu.wait_dma2 semaphore(%arg10 : memref<!tpu.dma_semaphore, #tpu.memory_space<semaphore_mem>>) src(%arg6 : memref<128x128xf32, #tpu.memory_space<vmem>>) dst(%dma_wait3A_92 : memref<128x128xf32, #tpu.memory_space<hbm>>)
      %add3A_93 = arith.constant 1 : i32
      %add3A_94 = arith.addi %scan3A_43, %add3A_93 : i32
      %lt3A = arith.constant 20 : i32
      %lt3A_95 = arith.cmpi slt, %add3A_94, %lt3A : i32
      %convert_element_type3A = arith.extui %lt3A_95 : i1 to i32
      %cond3A = arith.constant 0 : i32
      %cond3A_96 = arith.cmpi ne, %convert_element_type3A, %cond3A : i32
      scf.if %cond3A_96 {
        %add3A_110 = arith.constant 2 : i32
        %add3A_111 = arith.addi %mul3A_45, %add3A_110 : i32
        %add3A_112 = arith.constant 0 : i32
        %add3A_113 = arith.addi %add3A_111, %add3A_112 : i32
        %dma_start3A_114 = arith.constant 0 : i32
        %dma_start3A_115 = tpu.memref_slice %arg5[%add3A_113, %dma_start3A_114] : memref<40x128xi32, #tpu.memory_space<vmem>> -> memref<1x128xi32, #tpu.memory_space<vmem>>
        %dma_start3A_116 = tpu.memref_squeeze %dma_start3A_115 : memref<1x128xi32, #tpu.memory_space<vmem>> -> memref<128xi32, #tpu.memory_space<vmem>>
        %dma_start3A_117 = arith.constant 0 : i32
        %dma_start3A_118 = arith.constant 0 : i32
        %dma_start3A_119 = tpu.memref_slice %arg12[%dma_start3A_117, %dma_start3A_118] : memref<10240x128xf32, #tpu.memory_space<vmem_shared>> -> memref<10240x128xf32, #tpu.memory_space<vmem_shared>>
        tpu.enqueue_indirect_dma source(%dma_start3A_119 : memref<10240x128xf32, #tpu.memory_space<vmem_shared>>) target(%arg6 : memref<128x128xf32, #tpu.memory_space<vmem>>) offsets(%dma_start3A_116 : memref<128xi32, #tpu.memory_space<vmem>>) semaphore(%arg8 : memref<!tpu.dma_semaphore, #tpu.memory_space<semaphore_mem>>)
      } else {
      }
      %dma_wait3A_97 = arith.constant 0 : i32
      %dma_wait3A_98 = arith.constant 0 : i32
      %dma_wait3A_99 = tpu.memref_slice %arg4[%dma_wait3A_97, %dma_wait3A_98] : memref<327680x128xf32, #tpu.memory_space<hbm>> -> memref<128x128xf32, #tpu.memory_space<hbm>>
      %dma_wait3A_100 = arith.constant 0 : i32
      %dma_wait3A_101 = arith.constant 0 : i32
      %dma_wait3A_102 = tpu.memref_slice %arg4[%dma_wait3A_100, %dma_wait3A_101] : memref<327680x128xf32, #tpu.memory_space<hbm>> -> memref<128x128xf32, #tpu.memory_space<hbm>>
      tpu.wait_dma2 semaphore(%arg11 : memref<!tpu.dma_semaphore, #tpu.memory_space<semaphore_mem>>) src(%arg7 : memref<128x128xf32, #tpu.memory_space<vmem>>) dst(%dma_wait3A_102 : memref<128x128xf32, #tpu.memory_space<hbm>>)
      %add3A_103 = arith.constant 1 : i32
      %add3A_104 = arith.addi %scan3A_43, %add3A_103 : i32
      %lt3A_105 = arith.constant 20 : i32
      %lt3A_106 = arith.cmpi slt, %add3A_104, %lt3A_105 : i32
      %convert_element_type3A_107 = arith.extui %lt3A_106 : i1 to i32
      %cond3A_108 = arith.constant 0 : i32
      %cond3A_109 = arith.cmpi ne, %convert_element_type3A_107, %cond3A_108 : i32
      scf.if %cond3A_109 {
        %add3A_110 = arith.constant 2 : i32
        %add3A_111 = arith.addi %mul3A_45, %add3A_110 : i32
        %add3A_112 = arith.constant 1 : i32
        %add3A_113 = arith.addi %add3A_111, %add3A_112 : i32
        %dma_start3A_114 = arith.constant 0 : i32
        %dma_start3A_115 = tpu.memref_slice %arg5[%add3A_113, %dma_start3A_114] : memref<40x128xi32, #tpu.memory_space<vmem>> -> memref<1x128xi32, #tpu.memory_space<vmem>>
        %dma_start3A_116 = tpu.memref_squeeze %dma_start3A_115 : memref<1x128xi32, #tpu.memory_space<vmem>> -> memref<128xi32, #tpu.memory_space<vmem>>
        %dma_start3A_117 = arith.constant 0 : i32
        %dma_start3A_118 = arith.constant 0 : i32
        %dma_start3A_119 = tpu.memref_slice %arg12[%dma_start3A_117, %dma_start3A_118] : memref<10240x128xf32, #tpu.memory_space<vmem_shared>> -> memref<10240x128xf32, #tpu.memory_space<vmem_shared>>
        tpu.enqueue_indirect_dma source(%dma_start3A_119 : memref<10240x128xf32, #tpu.memory_space<vmem_shared>>) target(%arg7 : memref<128x128xf32, #tpu.memory_space<vmem>>) offsets(%dma_start3A_116 : memref<128xi32, #tpu.memory_space<vmem>>) semaphore(%arg9 : memref<!tpu.dma_semaphore, #tpu.memory_space<semaphore_mem>>)
      } else {
      }
    }
    %scan3A_42 = arith.constant 20 : i32
    return
  }
}

#map = affine_map<(d0, d1) -> (0, 0, 0)>
#map1 = affine_map<(d0, d1) -> (0)>
#map2 = affine_map<(d0, d1) -> (0, 0)>
module attributes {stable_mosaic.version = 14 : i64} {
  func.func @_sc_deg(%arg0: i32, %arg1: i32, %arg2: memref<32x80x128xi32, #tpu.memory_space<hbm>>, %arg3: memref<640xf32, #tpu.memory_space<hbm>>, %arg4: memref<128xf32, #tpu.memory_space<hbm>>, %arg5: memref<2x10240xf32, #tpu.memory_space<hbm>>, %arg6: memref<80x128xi32, #tpu.memory_space<vmem>>, %arg7: memref<128xf32, #tpu.memory_space<vmem>>, %arg8: memref<10240xf32, #tpu.memory_space<vmem_shared>>) attributes {dimension_semantics = [#tpu.dimension_semantics<core_parallel>, #tpu.dimension_semantics<subcore_parallel>], iteration_bounds = array<i64: 2, 16>, scalar_prefetch = 0 : i64, scratch_operands = 3 : i64, tpu.core_type = #tpu.core_type<sc_vector_subcore>, window_params = [{transform_indices = #map}, {transform_indices = #map1}, {transform_indices = #map1}, {transform_indices = #map2}]} {
    %mul3A = arith.constant 16 : i32
    %mul3A_0 = arith.muli %arg0, %mul3A : i32
    %add3A = arith.addi %mul3A_0, %arg1 : i32
    %mul3A_1 = arith.constant 640 : i32
    %mul3A_2 = arith.muli %arg1, %mul3A_1 : i32
    "tpu.region"() ({
      %run_scoped3A = tpu.sem_alloc : memref<!tpu.dma_semaphore, #tpu.memory_space<semaphore_mem>>
      %dma_start3A = tpu.memref_slice %arg8[%mul3A_2] : memref<10240xf32, #tpu.memory_space<vmem_shared>> -> memref<640xf32, #tpu.memory_space<vmem_shared>>
      tpu.enqueue_dma source(%arg3 : memref<640xf32, #tpu.memory_space<hbm>>) target(%dma_start3A : memref<640xf32, #tpu.memory_space<vmem_shared>>) target_semaphore(%run_scoped3A : memref<!tpu.dma_semaphore, #tpu.memory_space<semaphore_mem>>)
      %dma_wait3A = tpu.memref_slice %arg8[%mul3A_2] : memref<10240xf32, #tpu.memory_space<vmem_shared>> -> memref<640xf32, #tpu.memory_space<vmem_shared>>
      tpu.wait_dma2 semaphore(%run_scoped3A : memref<!tpu.dma_semaphore, #tpu.memory_space<semaphore_mem>>) src(%arg3 : memref<640xf32, #tpu.memory_space<hbm>>) dst(%dma_wait3A : memref<640xf32, #tpu.memory_space<vmem_shared>>)
      tpu.yield
    }) : () -> ()
    "tpu.region"() ({
      %run_scoped3A = tpu.sem_alloc : memref<!tpu.dma_semaphore, #tpu.memory_space<semaphore_mem>>
      %dma_start3A = arith.constant 0 : i32
      %dma_start3A_13 = arith.constant 0 : i32
      %dma_start3A_14 = tpu.memref_slice %arg2[%add3A, %dma_start3A, %dma_start3A_13] : memref<32x80x128xi32, #tpu.memory_space<hbm>> -> memref<1x80x128xi32, #tpu.memory_space<hbm>>
      %dma_start3A_15 = tpu.memref_squeeze %dma_start3A_14 : memref<1x80x128xi32, #tpu.memory_space<hbm>> -> memref<80x128xi32, #tpu.memory_space<hbm>>
      %dma_start3A_16 = arith.constant 0 : i32
      %dma_start3A_17 = arith.constant 0 : i32
      %dma_start3A_18 = tpu.memref_slice %arg2[%add3A, %dma_start3A_16, %dma_start3A_17] : memref<32x80x128xi32, #tpu.memory_space<hbm>> -> memref<1x80x128xi32, #tpu.memory_space<hbm>>
      %dma_start3A_19 = tpu.memref_squeeze %dma_start3A_18 : memref<1x80x128xi32, #tpu.memory_space<hbm>> -> memref<80x128xi32, #tpu.memory_space<hbm>>
      tpu.enqueue_dma source(%dma_start3A_19 : memref<80x128xi32, #tpu.memory_space<hbm>>) target(%arg6 : memref<80x128xi32, #tpu.memory_space<vmem>>) target_semaphore(%run_scoped3A : memref<!tpu.dma_semaphore, #tpu.memory_space<semaphore_mem>>)
      %dma_wait3A = arith.constant 0 : i32
      %dma_wait3A_20 = arith.constant 0 : i32
      %dma_wait3A_21 = tpu.memref_slice %arg2[%add3A, %dma_wait3A, %dma_wait3A_20] : memref<32x80x128xi32, #tpu.memory_space<hbm>> -> memref<1x80x128xi32, #tpu.memory_space<hbm>>
      %dma_wait3A_22 = tpu.memref_squeeze %dma_wait3A_21 : memref<1x80x128xi32, #tpu.memory_space<hbm>> -> memref<80x128xi32, #tpu.memory_space<hbm>>
      %dma_wait3A_23 = arith.constant 0 : i32
      %dma_wait3A_24 = arith.constant 0 : i32
      %dma_wait3A_25 = tpu.memref_slice %arg2[%add3A, %dma_wait3A_23, %dma_wait3A_24] : memref<32x80x128xi32, #tpu.memory_space<hbm>> -> memref<1x80x128xi32, #tpu.memory_space<hbm>>
      %dma_wait3A_26 = tpu.memref_squeeze %dma_wait3A_25 : memref<1x80x128xi32, #tpu.memory_space<hbm>> -> memref<80x128xi32, #tpu.memory_space<hbm>>
      tpu.wait_dma2 semaphore(%run_scoped3A : memref<!tpu.dma_semaphore, #tpu.memory_space<semaphore_mem>>) src(%dma_wait3A_26 : memref<80x128xi32, #tpu.memory_space<hbm>>) dst(%arg6 : memref<80x128xi32, #tpu.memory_space<vmem>>)
      tpu.yield
    }) : () -> ()
    "tpu.region"() ({
      %run_scoped3A = tpu.sem_alloc : memref<!tpu.dma_semaphore, #tpu.memory_space<semaphore_mem>>
      tpu.enqueue_dma source(%arg4 : memref<128xf32, #tpu.memory_space<hbm>>) target(%arg7 : memref<128xf32, #tpu.memory_space<vmem>>) target_semaphore(%run_scoped3A : memref<!tpu.dma_semaphore, #tpu.memory_space<semaphore_mem>>)
      tpu.wait_dma2 semaphore(%run_scoped3A : memref<!tpu.dma_semaphore, #tpu.memory_space<semaphore_mem>>) src(%arg4 : memref<128xf32, #tpu.memory_space<hbm>>) dst(%arg7 : memref<128xf32, #tpu.memory_space<vmem>>)
      tpu.yield
    }) : () -> ()
    %barrier3A = arith.constant 0 : index
    tpu.barrier barrier_id(%barrier3A)
    %scan3A = arith.constant 0 : i32
    %scan3A_3 = arith.constant 0 : i32
    %scan3A_4 = arith.constant 80 : i32
    %scan3A_5 = arith.addi %scan3A_3, %scan3A_4 : i32
    %scan3A_6 = arith.constant 1 : i32
    scf.for %scan3A_13 = %scan3A_3 to %scan3A_5 step %scan3A_6  : i32 {
      "tpu.region"() ({
        %run_scoped3A = tpu.sem_alloc : memref<!tpu.dma_semaphore, #tpu.memory_space<semaphore_mem>>
        %dma_start3A = arith.constant 0 : i32
        %dma_start3A_14 = tpu.memref_slice %arg6[%scan3A_13, %dma_start3A] : memref<80x128xi32, #tpu.memory_space<vmem>> -> memref<1x128xi32, #tpu.memory_space<vmem>>
        %dma_start3A_15 = tpu.memref_squeeze %dma_start3A_14 : memref<1x128xi32, #tpu.memory_space<vmem>> -> memref<128xi32, #tpu.memory_space<vmem>>
        %dma_start3A_16 = arith.constant 0 : i32
        %dma_start3A_17 = tpu.memref_slice %arg8[%dma_start3A_16] : memref<10240xf32, #tpu.memory_space<vmem_shared>> -> memref<10240xf32, #tpu.memory_space<vmem_shared>>
        tpu.enqueue_indirect_dma source(%arg7 : memref<128xf32, #tpu.memory_space<vmem>>) target(%dma_start3A_17 : memref<10240xf32, #tpu.memory_space<vmem_shared>>) offsets(%dma_start3A_15 : memref<128xi32, #tpu.memory_space<vmem>>) semaphore(%run_scoped3A : memref<!tpu.dma_semaphore, #tpu.memory_space<semaphore_mem>>) {add = true}
        %dma_wait3A = arith.constant 0 : i32
        %dma_wait3A_18 = tpu.memref_slice %arg6[%scan3A_13, %dma_wait3A] : memref<80x128xi32, #tpu.memory_space<vmem>> -> memref<1x128xi32, #tpu.memory_space<vmem>>
        %dma_wait3A_19 = tpu.memref_squeeze %dma_wait3A_18 : memref<1x128xi32, #tpu.memory_space<vmem>> -> memref<128xi32, #tpu.memory_space<vmem>>
        %dma_wait3A_20 = arith.constant 0 : i32
        %dma_wait3A_21 = tpu.memref_slice %arg8[%dma_wait3A_20] : memref<10240xf32, #tpu.memory_space<vmem_shared>> -> memref<10240xf32, #tpu.memory_space<vmem_shared>>
        tpu.wait_indirect_dma semaphore(%run_scoped3A : memref<!tpu.dma_semaphore, #tpu.memory_space<semaphore_mem>>) src(%arg7 : memref<128xf32, #tpu.memory_space<vmem>>) dst(%dma_wait3A_21 : memref<10240xf32, #tpu.memory_space<vmem_shared>>)
        tpu.yield
      }) : () -> ()
    }
    %scan3A_7 = arith.constant 80 : i32
    %barrier3A_8 = arith.constant 0 : index
    tpu.barrier barrier_id(%barrier3A_8)
    %mul3A_9 = arith.constant 640 : i32
    %mul3A_10 = arith.muli %arg1, %mul3A_9 : i32
    %mul3A_11 = arith.constant 640 : i32
    %mul3A_12 = arith.muli %arg1, %mul3A_11 : i32
    "tpu.region"() ({
      %run_scoped3A = tpu.sem_alloc : memref<!tpu.dma_semaphore, #tpu.memory_space<semaphore_mem>>
      %dma_start3A = tpu.memref_slice %arg5[%arg0, %mul3A_12] : memref<2x10240xf32, #tpu.memory_space<hbm>> -> memref<1x640xf32, #tpu.memory_space<hbm>>
      %dma_start3A_13 = tpu.memref_squeeze %dma_start3A : memref<1x640xf32, #tpu.memory_space<hbm>> -> memref<640xf32, #tpu.memory_space<hbm>>
      %dma_start3A_14 = tpu.memref_slice %arg8[%mul3A_10] : memref<10240xf32, #tpu.memory_space<vmem_shared>> -> memref<640xf32, #tpu.memory_space<vmem_shared>>
      tpu.enqueue_dma source(%dma_start3A_14 : memref<640xf32, #tpu.memory_space<vmem_shared>>) target(%dma_start3A_13 : memref<640xf32, #tpu.memory_space<hbm>>) target_semaphore(%run_scoped3A : memref<!tpu.dma_semaphore, #tpu.memory_space<semaphore_mem>>)
      %dma_wait3A = tpu.memref_slice %arg5[%arg0, %mul3A_12] : memref<2x10240xf32, #tpu.memory_space<hbm>> -> memref<1x640xf32, #tpu.memory_space<hbm>>
      %dma_wait3A_15 = tpu.memref_squeeze %dma_wait3A : memref<1x640xf32, #tpu.memory_space<hbm>> -> memref<640xf32, #tpu.memory_space<hbm>>
      %dma_wait3A_16 = tpu.memref_slice %arg8[%mul3A_10] : memref<10240xf32, #tpu.memory_space<vmem_shared>> -> memref<640xf32, #tpu.memory_space<vmem_shared>>
      tpu.wait_dma2 semaphore(%run_scoped3A : memref<!tpu.dma_semaphore, #tpu.memory_space<semaphore_mem>>) src(%dma_wait3A_16 : memref<640xf32, #tpu.memory_space<vmem_shared>>) dst(%dma_wait3A_15 : memref<640xf32, #tpu.memory_space<hbm>>)
      tpu.yield
    }) : () -> ()
    return
  }
}

#map = affine_map<(d0, d1) -> (0, 0)>
#map1 = affine_map<(d0, d1) -> (0, 0, 0)>
module attributes {stable_mosaic.version = 14 : i64} {
  func.func @_sc_msg(%arg0: i32, %arg1: i32, %arg2: memref<10240x128xf32, #tpu.memory_space<hbm>>, %arg3: memref<32x80x128xi32, #tpu.memory_space<hbm>>, %arg4: memref<327680x128xf32, #tpu.memory_space<hbm>>, %arg5: memref<40x128xi32, #tpu.memory_space<vmem>>, %arg6: memref<128x128xf32, #tpu.memory_space<vmem>>, %arg7: memref<128x128xf32, #tpu.memory_space<vmem>>, %arg8: memref<!tpu.dma_semaphore, #tpu.memory_space<semaphore_mem>>, %arg9: memref<!tpu.dma_semaphore, #tpu.memory_space<semaphore_mem>>, %arg10: memref<!tpu.dma_semaphore, #tpu.memory_space<semaphore_mem>>, %arg11: memref<!tpu.dma_semaphore, #tpu.memory_space<semaphore_mem>>, %arg12: memref<10240x128xf32, #tpu.memory_space<vmem_shared>>) attributes {dimension_semantics = [#tpu.dimension_semantics<core_parallel>, #tpu.dimension_semantics<subcore_parallel>], iteration_bounds = array<i64: 2, 16>, scalar_prefetch = 0 : i64, scratch_operands = 8 : i64, tpu.core_type = #tpu.core_type<sc_vector_subcore>, window_params = [{transform_indices = #map}, {transform_indices = #map1}, {transform_indices = #map}]} {
    %mul3A = arith.constant 16 : i32
    %mul3A_0 = arith.muli %arg0, %mul3A : i32
    %add3A = arith.addi %mul3A_0, %arg1 : i32
    %mul3A_1 = arith.constant 640 : i32
    %mul3A_2 = arith.muli %arg1, %mul3A_1 : i32
    %mul3A_3 = arith.constant 640 : i32
    %mul3A_4 = arith.muli %arg1, %mul3A_3 : i32
    "tpu.region"() ({
      %run_scoped3A = tpu.sem_alloc : memref<!tpu.dma_semaphore, #tpu.memory_space<semaphore_mem>>
      %dma_start3A_43 = arith.constant 0 : i32
      %dma_start3A_44 = tpu.memref_slice %arg12[%mul3A_4, %dma_start3A_43] : memref<10240x128xf32, #tpu.memory_space<vmem_shared>> -> memref<640x128xf32, #tpu.memory_space<vmem_shared>>
      %dma_start3A_45 = arith.constant 0 : i32
      %dma_start3A_46 = tpu.memref_slice %arg2[%mul3A_2, %dma_start3A_45] : memref<10240x128xf32, #tpu.memory_space<hbm>> -> memref<640x128xf32, #tpu.memory_space<hbm>>
      tpu.enqueue_dma source(%dma_start3A_46 : memref<640x128xf32, #tpu.memory_space<hbm>>) target(%dma_start3A_44 : memref<640x128xf32, #tpu.memory_space<vmem_shared>>) target_semaphore(%run_scoped3A : memref<!tpu.dma_semaphore, #tpu.memory_space<semaphore_mem>>)
      %dma_wait3A = arith.constant 0 : i32
      %dma_wait3A_47 = tpu.memref_slice %arg12[%mul3A_4, %dma_wait3A] : memref<10240x128xf32, #tpu.memory_space<vmem_shared>> -> memref<640x128xf32, #tpu.memory_space<vmem_shared>>
      %dma_wait3A_48 = arith.constant 0 : i32
      %dma_wait3A_49 = tpu.memref_slice %arg2[%mul3A_2, %dma_wait3A_48] : memref<10240x128xf32, #tpu.memory_space<hbm>> -> memref<640x128xf32, #tpu.memory_space<hbm>>
      tpu.wait_dma2 semaphore(%run_scoped3A : memref<!tpu.dma_semaphore, #tpu.memory_space<semaphore_mem>>) src(%dma_wait3A_49 : memref<640x128xf32, #tpu.memory_space<hbm>>) dst(%dma_wait3A_47 : memref<640x128xf32, #tpu.memory_space<vmem_shared>>)
      tpu.yield
    }) : () -> ()
    %barrier3A = arith.constant 0 : index
    tpu.barrier barrier_id(%barrier3A)
    "tpu.region"() ({
      %run_scoped3A = tpu.sem_alloc : memref<!tpu.dma_semaphore, #tpu.memory_space<semaphore_mem>>
      %dma_start3A_43 = arith.constant 0 : i32
      %dma_start3A_44 = arith.constant 0 : i32
      %dma_start3A_45 = tpu.memref_slice %arg3[%add3A, %dma_start3A_43, %dma_start3A_44] : memref<32x80x128xi32, #tpu.memory_space<hbm>> -> memref<1x40x128xi32, #tpu.memory_space<hbm>>
      %dma_start3A_46 = tpu.memref_squeeze %dma_start3A_45 : memref<1x40x128xi32, #tpu.memory_space<hbm>> -> memref<40x128xi32, #tpu.memory_space<hbm>>
      %dma_start3A_47 = arith.constant 0 : i32
      %dma_start3A_48 = arith.constant 0 : i32
      %dma_start3A_49 = tpu.memref_slice %arg3[%add3A, %dma_start3A_47, %dma_start3A_48] : memref<32x80x128xi32, #tpu.memory_space<hbm>> -> memref<1x40x128xi32, #tpu.memory_space<hbm>>
      %dma_start3A_50 = tpu.memref_squeeze %dma_start3A_49 : memref<1x40x128xi32, #tpu.memory_space<hbm>> -> memref<40x128xi32, #tpu.memory_space<hbm>>
      tpu.enqueue_dma source(%dma_start3A_50 : memref<40x128xi32, #tpu.memory_space<hbm>>) target(%arg5 : memref<40x128xi32, #tpu.memory_space<vmem>>) target_semaphore(%run_scoped3A : memref<!tpu.dma_semaphore, #tpu.memory_space<semaphore_mem>>)
      %dma_wait3A = arith.constant 0 : i32
      %dma_wait3A_51 = arith.constant 0 : i32
      %dma_wait3A_52 = tpu.memref_slice %arg3[%add3A, %dma_wait3A, %dma_wait3A_51] : memref<32x80x128xi32, #tpu.memory_space<hbm>> -> memref<1x40x128xi32, #tpu.memory_space<hbm>>
      %dma_wait3A_53 = tpu.memref_squeeze %dma_wait3A_52 : memref<1x40x128xi32, #tpu.memory_space<hbm>> -> memref<40x128xi32, #tpu.memory_space<hbm>>
      %dma_wait3A_54 = arith.constant 0 : i32
      %dma_wait3A_55 = arith.constant 0 : i32
      %dma_wait3A_56 = tpu.memref_slice %arg3[%add3A, %dma_wait3A_54, %dma_wait3A_55] : memref<32x80x128xi32, #tpu.memory_space<hbm>> -> memref<1x40x128xi32, #tpu.memory_space<hbm>>
      %dma_wait3A_57 = tpu.memref_squeeze %dma_wait3A_56 : memref<1x40x128xi32, #tpu.memory_space<hbm>> -> memref<40x128xi32, #tpu.memory_space<hbm>>
      tpu.wait_dma2 semaphore(%run_scoped3A : memref<!tpu.dma_semaphore, #tpu.memory_space<semaphore_mem>>) src(%dma_wait3A_57 : memref<40x128xi32, #tpu.memory_space<hbm>>) dst(%arg5 : memref<40x128xi32, #tpu.memory_space<vmem>>)
      tpu.yield
    }) : () -> ()
    %dma_start3A = arith.constant 0 : i32
    %dma_start3A_5 = arith.constant 0 : i32
    %dma_start3A_6 = tpu.memref_slice %arg5[%dma_start3A, %dma_start3A_5] : memref<40x128xi32, #tpu.memory_space<vmem>> -> memref<1x128xi32, #tpu.memory_space<vmem>>
    %dma_start3A_7 = tpu.memref_squeeze %dma_start3A_6 : memref<1x128xi32, #tpu.memory_space<vmem>> -> memref<128xi32, #tpu.memory_space<vmem>>
    %dma_start3A_8 = arith.constant 0 : i32
    %dma_start3A_9 = arith.constant 0 : i32
    %dma_start3A_10 = tpu.memref_slice %arg12[%dma_start3A_8, %dma_start3A_9] : memref<10240x128xf32, #tpu.memory_space<vmem_shared>> -> memref<10240x128xf32, #tpu.memory_space<vmem_shared>>
    tpu.enqueue_indirect_dma source(%dma_start3A_10 : memref<10240x128xf32, #tpu.memory_space<vmem_shared>>) target(%arg6 : memref<128x128xf32, #tpu.memory_space<vmem>>) offsets(%dma_start3A_7 : memref<128xi32, #tpu.memory_space<vmem>>) semaphore(%arg8 : memref<!tpu.dma_semaphore, #tpu.memory_space<semaphore_mem>>)
    %dma_start3A_11 = arith.constant 1 : i32
    %dma_start3A_12 = arith.constant 0 : i32
    %dma_start3A_13 = tpu.memref_slice %arg5[%dma_start3A_11, %dma_start3A_12] : memref<40x128xi32, #tpu.memory_space<vmem>> -> memref<1x128xi32, #tpu.memory_space<vmem>>
    %dma_start3A_14 = tpu.memref_squeeze %dma_start3A_13 : memref<1x128xi32, #tpu.memory_space<vmem>> -> memref<128xi32, #tpu.memory_space<vmem>>
    %dma_start3A_15 = arith.constant 0 : i32
    %dma_start3A_16 = arith.constant 0 : i32
    %dma_start3A_17 = tpu.memref_slice %arg12[%dma_start3A_15, %dma_start3A_16] : memref<10240x128xf32, #tpu.memory_space<vmem_shared>> -> memref<10240x128xf32, #tpu.memory_space<vmem_shared>>
    tpu.enqueue_indirect_dma source(%dma_start3A_17 : memref<10240x128xf32, #tpu.memory_space<vmem_shared>>) target(%arg7 : memref<128x128xf32, #tpu.memory_space<vmem>>) offsets(%dma_start3A_14 : memref<128xi32, #tpu.memory_space<vmem>>) semaphore(%arg9 : memref<!tpu.dma_semaphore, #tpu.memory_space<semaphore_mem>>)
    %scan3A = arith.constant 0 : i32
    %scan3A_18 = arith.constant 0 : i32
    %scan3A_19 = arith.constant 20 : i32
    %scan3A_20 = arith.addi %scan3A_18, %scan3A_19 : i32
    %scan3A_21 = arith.constant 1 : i32
    scf.for %scan3A_43 = %scan3A_18 to %scan3A_20 step %scan3A_21  : i32 {
      %mul3A_44 = arith.constant 2 : i32
      %mul3A_45 = arith.muli %scan3A_43, %mul3A_44 : i32
      %add3A_46 = arith.constant 0 : i32
      %add3A_47 = arith.addi %mul3A_45, %add3A_46 : i32
      %dma_wait3A = arith.constant 0 : i32
      %dma_wait3A_48 = tpu.memref_slice %arg5[%add3A_47, %dma_wait3A] : memref<40x128xi32, #tpu.memory_space<vmem>> -> memref<1x128xi32, #tpu.memory_space<vmem>>
      %dma_wait3A_49 = tpu.memref_squeeze %dma_wait3A_48 : memref<1x128xi32, #tpu.memory_space<vmem>> -> memref<128xi32, #tpu.memory_space<vmem>>
      %dma_wait3A_50 = arith.constant 0 : i32
      %dma_wait3A_51 = arith.constant 0 : i32
      %dma_wait3A_52 = tpu.memref_slice %arg12[%dma_wait3A_50, %dma_wait3A_51] : memref<10240x128xf32, #tpu.memory_space<vmem_shared>> -> memref<10240x128xf32, #tpu.memory_space<vmem_shared>>
      tpu.wait_indirect_dma semaphore(%arg8 : memref<!tpu.dma_semaphore, #tpu.memory_space<semaphore_mem>>) src(%dma_wait3A_52 : memref<10240x128xf32, #tpu.memory_space<vmem_shared>>) dst(%arg6 : memref<128x128xf32, #tpu.memory_space<vmem>>)
      %add3A_53 = arith.constant 0 : i32
      %add3A_54 = arith.addi %mul3A_45, %add3A_53 : i32
      %mul3A_55 = arith.constant 10240 : i32
      %mul3A_56 = arith.muli %add3A, %mul3A_55 : i32
      %add3A_57 = arith.constant 0 : i32
      %add3A_58 = arith.addi %add3A_57, %add3A_54 : i32
      %mul3A_59 = arith.constant 128 : i32
      %mul3A_60 = arith.muli %add3A_58, %mul3A_59 : i32
      %add3A_61 = arith.addi %mul3A_56, %mul3A_60 : i32
      %dma_start3A_62 = arith.constant 0 : i32
      %dma_start3A_63 = tpu.memref_slice %arg4[%add3A_61, %dma_start3A_62] : memref<327680x128xf32, #tpu.memory_space<hbm>> -> memref<128x128xf32, #tpu.memory_space<hbm>>
      %dma_start3A_64 = arith.constant 0 : i32
      %dma_start3A_65 = tpu.memref_slice %arg4[%add3A_61, %dma_start3A_64] : memref<327680x128xf32, #tpu.memory_space<hbm>> -> memref<128x128xf32, #tpu.memory_space<hbm>>
      tpu.enqueue_dma source(%arg6 : memref<128x128xf32, #tpu.memory_space<vmem>>) target(%dma_start3A_65 : memref<128x128xf32, #tpu.memory_space<hbm>>) target_semaphore(%arg10 : memref<!tpu.dma_semaphore, #tpu.memory_space<semaphore_mem>>)
      %add3A_66 = arith.constant 1 : i32
      %add3A_67 = arith.addi %mul3A_45, %add3A_66 : i32
      %dma_wait3A_68 = arith.constant 0 : i32
      %dma_wait3A_69 = tpu.memref_slice %arg5[%add3A_67, %dma_wait3A_68] : memref<40x128xi32, #tpu.memory_space<vmem>> -> memref<1x128xi32, #tpu.memory_space<vmem>>
      %dma_wait3A_70 = tpu.memref_squeeze %dma_wait3A_69 : memref<1x128xi32, #tpu.memory_space<vmem>> -> memref<128xi32, #tpu.memory_space<vmem>>
      %dma_wait3A_71 = arith.constant 0 : i32
      %dma_wait3A_72 = arith.constant 0 : i32
      %dma_wait3A_73 = tpu.memref_slice %arg12[%dma_wait3A_71, %dma_wait3A_72] : memref<10240x128xf32, #tpu.memory_space<vmem_shared>> -> memref<10240x128xf32, #tpu.memory_space<vmem_shared>>
      tpu.wait_indirect_dma semaphore(%arg9 : memref<!tpu.dma_semaphore, #tpu.memory_space<semaphore_mem>>) src(%dma_wait3A_73 : memref<10240x128xf32, #tpu.memory_space<vmem_shared>>) dst(%arg7 : memref<128x128xf32, #tpu.memory_space<vmem>>)
      %add3A_74 = arith.constant 1 : i32
      %add3A_75 = arith.addi %mul3A_45, %add3A_74 : i32
      %mul3A_76 = arith.constant 10240 : i32
      %mul3A_77 = arith.muli %add3A, %mul3A_76 : i32
      %add3A_78 = arith.constant 0 : i32
      %add3A_79 = arith.addi %add3A_78, %add3A_75 : i32
      %mul3A_80 = arith.constant 128 : i32
      %mul3A_81 = arith.muli %add3A_79, %mul3A_80 : i32
      %add3A_82 = arith.addi %mul3A_77, %mul3A_81 : i32
      %dma_start3A_83 = arith.constant 0 : i32
      %dma_start3A_84 = tpu.memref_slice %arg4[%add3A_82, %dma_start3A_83] : memref<327680x128xf32, #tpu.memory_space<hbm>> -> memref<128x128xf32, #tpu.memory_space<hbm>>
      %dma_start3A_85 = arith.constant 0 : i32
      %dma_start3A_86 = tpu.memref_slice %arg4[%add3A_82, %dma_start3A_85] : memref<327680x128xf32, #tpu.memory_space<hbm>> -> memref<128x128xf32, #tpu.memory_space<hbm>>
      tpu.enqueue_dma source(%arg7 : memref<128x128xf32, #tpu.memory_space<vmem>>) target(%dma_start3A_86 : memref<128x128xf32, #tpu.memory_space<hbm>>) target_semaphore(%arg11 : memref<!tpu.dma_semaphore, #tpu.memory_space<semaphore_mem>>)
      %dma_wait3A_87 = arith.constant 0 : i32
      %dma_wait3A_88 = arith.constant 0 : i32
      %dma_wait3A_89 = tpu.memref_slice %arg4[%dma_wait3A_87, %dma_wait3A_88] : memref<327680x128xf32, #tpu.memory_space<hbm>> -> memref<128x128xf32, #tpu.memory_space<hbm>>
      %dma_wait3A_90 = arith.constant 0 : i32
      %dma_wait3A_91 = arith.constant 0 : i32
      %dma_wait3A_92 = tpu.memref_slice %arg4[%dma_wait3A_90, %dma_wait3A_91] : memref<327680x128xf32, #tpu.memory_space<hbm>> -> memref<128x128xf32, #tpu.memory_space<hbm>>
      tpu.wait_dma2 semaphore(%arg10 : memref<!tpu.dma_semaphore, #tpu.memory_space<semaphore_mem>>) src(%arg6 : memref<128x128xf32, #tpu.memory_space<vmem>>) dst(%dma_wait3A_92 : memref<128x128xf32, #tpu.memory_space<hbm>>)
      %add3A_93 = arith.constant 1 : i32
      %add3A_94 = arith.addi %scan3A_43, %add3A_93 : i32
      %lt3A = arith.constant 20 : i32
      %lt3A_95 = arith.cmpi slt, %add3A_94, %lt3A : i32
      %convert_element_type3A = arith.extui %lt3A_95 : i1 to i32
      %cond3A = arith.constant 0 : i32
      %cond3A_96 = arith.cmpi ne, %convert_element_type3A, %cond3A : i32
      scf.if %cond3A_96 {
        %add3A_110 = arith.constant 2 : i32
        %add3A_111 = arith.addi %mul3A_45, %add3A_110 : i32
        %add3A_112 = arith.constant 0 : i32
        %add3A_113 = arith.addi %add3A_111, %add3A_112 : i32
        %dma_start3A_114 = arith.constant 0 : i32
        %dma_start3A_115 = tpu.memref_slice %arg5[%add3A_113, %dma_start3A_114] : memref<40x128xi32, #tpu.memory_space<vmem>> -> memref<1x128xi32, #tpu.memory_space<vmem>>
        %dma_start3A_116 = tpu.memref_squeeze %dma_start3A_115 : memref<1x128xi32, #tpu.memory_space<vmem>> -> memref<128xi32, #tpu.memory_space<vmem>>
        %dma_start3A_117 = arith.constant 0 : i32
        %dma_start3A_118 = arith.constant 0 : i32
        %dma_start3A_119 = tpu.memref_slice %arg12[%dma_start3A_117, %dma_start3A_118] : memref<10240x128xf32, #tpu.memory_space<vmem_shared>> -> memref<10240x128xf32, #tpu.memory_space<vmem_shared>>
        tpu.enqueue_indirect_dma source(%dma_start3A_119 : memref<10240x128xf32, #tpu.memory_space<vmem_shared>>) target(%arg6 : memref<128x128xf32, #tpu.memory_space<vmem>>) offsets(%dma_start3A_116 : memref<128xi32, #tpu.memory_space<vmem>>) semaphore(%arg8 : memref<!tpu.dma_semaphore, #tpu.memory_space<semaphore_mem>>)
      } else {
      }
      %dma_wait3A_97 = arith.constant 0 : i32
      %dma_wait3A_98 = arith.constant 0 : i32
      %dma_wait3A_99 = tpu.memref_slice %arg4[%dma_wait3A_97, %dma_wait3A_98] : memref<327680x128xf32, #tpu.memory_space<hbm>> -> memref<128x128xf32, #tpu.memory_space<hbm>>
      %dma_wait3A_100 = arith.constant 0 : i32
      %dma_wait3A_101 = arith.constant 0 : i32
      %dma_wait3A_102 = tpu.memref_slice %arg4[%dma_wait3A_100, %dma_wait3A_101] : memref<327680x128xf32, #tpu.memory_space<hbm>> -> memref<128x128xf32, #tpu.memory_space<hbm>>
      tpu.wait_dma2 semaphore(%arg11 : memref<!tpu.dma_semaphore, #tpu.memory_space<semaphore_mem>>) src(%arg7 : memref<128x128xf32, #tpu.memory_space<vmem>>) dst(%dma_wait3A_102 : memref<128x128xf32, #tpu.memory_space<hbm>>)
      %add3A_103 = arith.constant 1 : i32
      %add3A_104 = arith.addi %scan3A_43, %add3A_103 : i32
      %lt3A_105 = arith.constant 20 : i32
      %lt3A_106 = arith.cmpi slt, %add3A_104, %lt3A_105 : i32
      %convert_element_type3A_107 = arith.extui %lt3A_106 : i1 to i32
      %cond3A_108 = arith.constant 0 : i32
      %cond3A_109 = arith.cmpi ne, %convert_element_type3A_107, %cond3A_108 : i32
      scf.if %cond3A_109 {
        %add3A_110 = arith.constant 2 : i32
        %add3A_111 = arith.addi %mul3A_45, %add3A_110 : i32
        %add3A_112 = arith.constant 1 : i32
        %add3A_113 = arith.addi %add3A_111, %add3A_112 : i32
        %dma_start3A_114 = arith.constant 0 : i32
        %dma_start3A_115 = tpu.memref_slice %arg5[%add3A_113, %dma_start3A_114] : memref<40x128xi32, #tpu.memory_space<vmem>> -> memref<1x128xi32, #tpu.memory_space<vmem>>
        %dma_start3A_116 = tpu.memref_squeeze %dma_start3A_115 : memref<1x128xi32, #tpu.memory_space<vmem>> -> memref<128xi32, #tpu.memory_space<vmem>>
        %dma_start3A_117 = arith.constant 0 : i32
        %dma_start3A_118 = arith.constant 0 : i32
        %dma_start3A_119 = tpu.memref_slice %arg12[%dma_start3A_117, %dma_start3A_118] : memref<10240x128xf32, #tpu.memory_space<vmem_shared>> -> memref<10240x128xf32, #tpu.memory_space<vmem_shared>>
        tpu.enqueue_indirect_dma source(%dma_start3A_119 : memref<10240x128xf32, #tpu.memory_space<vmem_shared>>) target(%arg7 : memref<128x128xf32, #tpu.memory_space<vmem>>) offsets(%dma_start3A_116 : memref<128xi32, #tpu.memory_space<vmem>>) semaphore(%arg9 : memref<!tpu.dma_semaphore, #tpu.memory_space<semaphore_mem>>)
      } else {
      }
    }
    %scan3A_22 = arith.constant 20 : i32
    "tpu.region"() ({
      %run_scoped3A = tpu.sem_alloc : memref<!tpu.dma_semaphore, #tpu.memory_space<semaphore_mem>>
      %dma_start3A_43 = arith.constant 40 : i32
      %dma_start3A_44 = arith.constant 0 : i32
      %dma_start3A_45 = tpu.memref_slice %arg3[%add3A, %dma_start3A_43, %dma_start3A_44] : memref<32x80x128xi32, #tpu.memory_space<hbm>> -> memref<1x40x128xi32, #tpu.memory_space<hbm>>
      %dma_start3A_46 = tpu.memref_squeeze %dma_start3A_45 : memref<1x40x128xi32, #tpu.memory_space<hbm>> -> memref<40x128xi32, #tpu.memory_space<hbm>>
      %dma_start3A_47 = arith.constant 40 : i32
      %dma_start3A_48 = arith.constant 0 : i32
      %dma_start3A_49 = tpu.memref_slice %arg3[%add3A, %dma_start3A_47, %dma_start3A_48] : memref<32x80x128xi32, #tpu.memory_space<hbm>> -> memref<1x40x128xi32, #tpu.memory_space<hbm>>
      %dma_start3A_50 = tpu.memref_squeeze %dma_start3A_49 : memref<1x40x128xi32, #tpu.memory_space<hbm>> -> memref<40x128xi32, #tpu.memory_space<hbm>>
      tpu.enqueue_dma source(%dma_start3A_50 : memref<40x128xi32, #tpu.memory_space<hbm>>) target(%arg5 : memref<40x128xi32, #tpu.memory_space<vmem>>) target_semaphore(%run_scoped3A : memref<!tpu.dma_semaphore, #tpu.memory_space<semaphore_mem>>)
      %dma_wait3A = arith.constant 40 : i32
      %dma_wait3A_51 = arith.constant 0 : i32
      %dma_wait3A_52 = tpu.memref_slice %arg3[%add3A, %dma_wait3A, %dma_wait3A_51] : memref<32x80x128xi32, #tpu.memory_space<hbm>> -> memref<1x40x128xi32, #tpu.memory_space<hbm>>
      %dma_wait3A_53 = tpu.memref_squeeze %dma_wait3A_52 : memref<1x40x128xi32, #tpu.memory_space<hbm>> -> memref<40x128xi32, #tpu.memory_space<hbm>>
      %dma_wait3A_54 = arith.constant 40 : i32
      %dma_wait3A_55 = arith.constant 0 : i32
      %dma_wait3A_56 = tpu.memref_slice %arg3[%add3A, %dma_wait3A_54, %dma_wait3A_55] : memref<32x80x128xi32, #tpu.memory_space<hbm>> -> memref<1x40x128xi32, #tpu.memory_space<hbm>>
      %dma_wait3A_57 = tpu.memref_squeeze %dma_wait3A_56 : memref<1x40x128xi32, #tpu.memory_space<hbm>> -> memref<40x128xi32, #tpu.memory_space<hbm>>
      tpu.wait_dma2 semaphore(%run_scoped3A : memref<!tpu.dma_semaphore, #tpu.memory_space<semaphore_mem>>) src(%dma_wait3A_57 : memref<40x128xi32, #tpu.memory_space<hbm>>) dst(%arg5 : memref<40x128xi32, #tpu.memory_space<vmem>>)
      tpu.yield
    }) : () -> ()
    %dma_start3A_23 = arith.constant 0 : i32
    %dma_start3A_24 = arith.constant 0 : i32
    %dma_start3A_25 = tpu.memref_slice %arg5[%dma_start3A_23, %dma_start3A_24] : memref<40x128xi32, #tpu.memory_space<vmem>> -> memref<1x128xi32, #tpu.memory_space<vmem>>
    %dma_start3A_26 = tpu.memref_squeeze %dma_start3A_25 : memref<1x128xi32, #tpu.memory_space<vmem>> -> memref<128xi32, #tpu.memory_space<vmem>>
    %dma_start3A_27 = arith.constant 0 : i32
    %dma_start3A_28 = arith.constant 0 : i32
    %dma_start3A_29 = tpu.memref_slice %arg12[%dma_start3A_27, %dma_start3A_28] : memref<10240x128xf32, #tpu.memory_space<vmem_shared>> -> memref<10240x128xf32, #tpu.memory_space<vmem_shared>>
    tpu.enqueue_indirect_dma source(%dma_start3A_29 : memref<10240x128xf32, #tpu.memory_space<vmem_shared>>) target(%arg6 : memref<128x128xf32, #tpu.memory_space<vmem>>) offsets(%dma_start3A_26 : memref<128xi32, #tpu.memory_space<vmem>>) semaphore(%arg8 : memref<!tpu.dma_semaphore, #tpu.memory_space<semaphore_mem>>)
    %dma_start3A_30 = arith.constant 1 : i32
    %dma_start3A_31 = arith.constant 0 : i32
    %dma_start3A_32 = tpu.memref_slice %arg5[%dma_start3A_30, %dma_start3A_31] : memref<40x128xi32, #tpu.memory_space<vmem>> -> memref<1x128xi32, #tpu.memory_space<vmem>>
    %dma_start3A_33 = tpu.memref_squeeze %dma_start3A_32 : memref<1x128xi32, #tpu.memory_space<vmem>> -> memref<128xi32, #tpu.memory_space<vmem>>
    %dma_start3A_34 = arith.constant 0 : i32
    %dma_start3A_35 = arith.constant 0 : i32
    %dma_start3A_36 = tpu.memref_slice %arg12[%dma_start3A_34, %dma_start3A_35] : memref<10240x128xf32, #tpu.memory_space<vmem_shared>> -> memref<10240x128xf32, #tpu.memory_space<vmem_shared>>
    tpu.enqueue_indirect_dma source(%dma_start3A_36 : memref<10240x128xf32, #tpu.memory_space<vmem_shared>>) target(%arg7 : memref<128x128xf32, #tpu.memory_space<vmem>>) offsets(%dma_start3A_33 : memref<128xi32, #tpu.memory_space<vmem>>) semaphore(%arg9 : memref<!tpu.dma_semaphore, #tpu.memory_space<semaphore_mem>>)
    %scan3A_37 = arith.constant 0 : i32
    %scan3A_38 = arith.constant 0 : i32
    %scan3A_39 = arith.constant 20 : i32
    %scan3A_40 = arith.addi %scan3A_38, %scan3A_39 : i32
    %scan3A_41 = arith.constant 1 : i32
    scf.for %scan3A_43 = %scan3A_38 to %scan3A_40 step %scan3A_41  : i32 {
      %mul3A_44 = arith.constant 2 : i32
      %mul3A_45 = arith.muli %scan3A_43, %mul3A_44 : i32
      %add3A_46 = arith.constant 0 : i32
      %add3A_47 = arith.addi %mul3A_45, %add3A_46 : i32
      %dma_wait3A = arith.constant 0 : i32
      %dma_wait3A_48 = tpu.memref_slice %arg5[%add3A_47, %dma_wait3A] : memref<40x128xi32, #tpu.memory_space<vmem>> -> memref<1x128xi32, #tpu.memory_space<vmem>>
      %dma_wait3A_49 = tpu.memref_squeeze %dma_wait3A_48 : memref<1x128xi32, #tpu.memory_space<vmem>> -> memref<128xi32, #tpu.memory_space<vmem>>
      %dma_wait3A_50 = arith.constant 0 : i32
      %dma_wait3A_51 = arith.constant 0 : i32
      %dma_wait3A_52 = tpu.memref_slice %arg12[%dma_wait3A_50, %dma_wait3A_51] : memref<10240x128xf32, #tpu.memory_space<vmem_shared>> -> memref<10240x128xf32, #tpu.memory_space<vmem_shared>>
      tpu.wait_indirect_dma semaphore(%arg8 : memref<!tpu.dma_semaphore, #tpu.memory_space<semaphore_mem>>) src(%dma_wait3A_52 : memref<10240x128xf32, #tpu.memory_space<vmem_shared>>) dst(%arg6 : memref<128x128xf32, #tpu.memory_space<vmem>>)
      %add3A_53 = arith.constant 0 : i32
      %add3A_54 = arith.addi %mul3A_45, %add3A_53 : i32
      %mul3A_55 = arith.constant 10240 : i32
      %mul3A_56 = arith.muli %add3A, %mul3A_55 : i32
      %add3A_57 = arith.constant 40 : i32
      %add3A_58 = arith.addi %add3A_57, %add3A_54 : i32
      %mul3A_59 = arith.constant 128 : i32
      %mul3A_60 = arith.muli %add3A_58, %mul3A_59 : i32
      %add3A_61 = arith.addi %mul3A_56, %mul3A_60 : i32
      %dma_start3A_62 = arith.constant 0 : i32
      %dma_start3A_63 = tpu.memref_slice %arg4[%add3A_61, %dma_start3A_62] : memref<327680x128xf32, #tpu.memory_space<hbm>> -> memref<128x128xf32, #tpu.memory_space<hbm>>
      %dma_start3A_64 = arith.constant 0 : i32
      %dma_start3A_65 = tpu.memref_slice %arg4[%add3A_61, %dma_start3A_64] : memref<327680x128xf32, #tpu.memory_space<hbm>> -> memref<128x128xf32, #tpu.memory_space<hbm>>
      tpu.enqueue_dma source(%arg6 : memref<128x128xf32, #tpu.memory_space<vmem>>) target(%dma_start3A_65 : memref<128x128xf32, #tpu.memory_space<hbm>>) target_semaphore(%arg10 : memref<!tpu.dma_semaphore, #tpu.memory_space<semaphore_mem>>)
      %add3A_66 = arith.constant 1 : i32
      %add3A_67 = arith.addi %mul3A_45, %add3A_66 : i32
      %dma_wait3A_68 = arith.constant 0 : i32
      %dma_wait3A_69 = tpu.memref_slice %arg5[%add3A_67, %dma_wait3A_68] : memref<40x128xi32, #tpu.memory_space<vmem>> -> memref<1x128xi32, #tpu.memory_space<vmem>>
      %dma_wait3A_70 = tpu.memref_squeeze %dma_wait3A_69 : memref<1x128xi32, #tpu.memory_space<vmem>> -> memref<128xi32, #tpu.memory_space<vmem>>
      %dma_wait3A_71 = arith.constant 0 : i32
      %dma_wait3A_72 = arith.constant 0 : i32
      %dma_wait3A_73 = tpu.memref_slice %arg12[%dma_wait3A_71, %dma_wait3A_72] : memref<10240x128xf32, #tpu.memory_space<vmem_shared>> -> memref<10240x128xf32, #tpu.memory_space<vmem_shared>>
      tpu.wait_indirect_dma semaphore(%arg9 : memref<!tpu.dma_semaphore, #tpu.memory_space<semaphore_mem>>) src(%dma_wait3A_73 : memref<10240x128xf32, #tpu.memory_space<vmem_shared>>) dst(%arg7 : memref<128x128xf32, #tpu.memory_space<vmem>>)
      %add3A_74 = arith.constant 1 : i32
      %add3A_75 = arith.addi %mul3A_45, %add3A_74 : i32
      %mul3A_76 = arith.constant 10240 : i32
      %mul3A_77 = arith.muli %add3A, %mul3A_76 : i32
      %add3A_78 = arith.constant 40 : i32
      %add3A_79 = arith.addi %add3A_78, %add3A_75 : i32
      %mul3A_80 = arith.constant 128 : i32
      %mul3A_81 = arith.muli %add3A_79, %mul3A_80 : i32
      %add3A_82 = arith.addi %mul3A_77, %mul3A_81 : i32
      %dma_start3A_83 = arith.constant 0 : i32
      %dma_start3A_84 = tpu.memref_slice %arg4[%add3A_82, %dma_start3A_83] : memref<327680x128xf32, #tpu.memory_space<hbm>> -> memref<128x128xf32, #tpu.memory_space<hbm>>
      %dma_start3A_85 = arith.constant 0 : i32
      %dma_start3A_86 = tpu.memref_slice %arg4[%add3A_82, %dma_start3A_85] : memref<327680x128xf32, #tpu.memory_space<hbm>> -> memref<128x128xf32, #tpu.memory_space<hbm>>
      tpu.enqueue_dma source(%arg7 : memref<128x128xf32, #tpu.memory_space<vmem>>) target(%dma_start3A_86 : memref<128x128xf32, #tpu.memory_space<hbm>>) target_semaphore(%arg11 : memref<!tpu.dma_semaphore, #tpu.memory_space<semaphore_mem>>)
      %dma_wait3A_87 = arith.constant 0 : i32
      %dma_wait3A_88 = arith.constant 0 : i32
      %dma_wait3A_89 = tpu.memref_slice %arg4[%dma_wait3A_87, %dma_wait3A_88] : memref<327680x128xf32, #tpu.memory_space<hbm>> -> memref<128x128xf32, #tpu.memory_space<hbm>>
      %dma_wait3A_90 = arith.constant 0 : i32
      %dma_wait3A_91 = arith.constant 0 : i32
      %dma_wait3A_92 = tpu.memref_slice %arg4[%dma_wait3A_90, %dma_wait3A_91] : memref<327680x128xf32, #tpu.memory_space<hbm>> -> memref<128x128xf32, #tpu.memory_space<hbm>>
      tpu.wait_dma2 semaphore(%arg10 : memref<!tpu.dma_semaphore, #tpu.memory_space<semaphore_mem>>) src(%arg6 : memref<128x128xf32, #tpu.memory_space<vmem>>) dst(%dma_wait3A_92 : memref<128x128xf32, #tpu.memory_space<hbm>>)
      %add3A_93 = arith.constant 1 : i32
      %add3A_94 = arith.addi %scan3A_43, %add3A_93 : i32
      %lt3A = arith.constant 20 : i32
      %lt3A_95 = arith.cmpi slt, %add3A_94, %lt3A : i32
      %convert_element_type3A = arith.extui %lt3A_95 : i1 to i32
      %cond3A = arith.constant 0 : i32
      %cond3A_96 = arith.cmpi ne, %convert_element_type3A, %cond3A : i32
      scf.if %cond3A_96 {
        %add3A_110 = arith.constant 2 : i32
        %add3A_111 = arith.addi %mul3A_45, %add3A_110 : i32
        %add3A_112 = arith.constant 0 : i32
        %add3A_113 = arith.addi %add3A_111, %add3A_112 : i32
        %dma_start3A_114 = arith.constant 0 : i32
        %dma_start3A_115 = tpu.memref_slice %arg5[%add3A_113, %dma_start3A_114] : memref<40x128xi32, #tpu.memory_space<vmem>> -> memref<1x128xi32, #tpu.memory_space<vmem>>
        %dma_start3A_116 = tpu.memref_squeeze %dma_start3A_115 : memref<1x128xi32, #tpu.memory_space<vmem>> -> memref<128xi32, #tpu.memory_space<vmem>>
        %dma_start3A_117 = arith.constant 0 : i32
        %dma_start3A_118 = arith.constant 0 : i32
        %dma_start3A_119 = tpu.memref_slice %arg12[%dma_start3A_117, %dma_start3A_118] : memref<10240x128xf32, #tpu.memory_space<vmem_shared>> -> memref<10240x128xf32, #tpu.memory_space<vmem_shared>>
        tpu.enqueue_indirect_dma source(%dma_start3A_119 : memref<10240x128xf32, #tpu.memory_space<vmem_shared>>) target(%arg6 : memref<128x128xf32, #tpu.memory_space<vmem>>) offsets(%dma_start3A_116 : memref<128xi32, #tpu.memory_space<vmem>>) semaphore(%arg8 : memref<!tpu.dma_semaphore, #tpu.memory_space<semaphore_mem>>)
      } else {
      }
      %dma_wait3A_97 = arith.constant 0 : i32
      %dma_wait3A_98 = arith.constant 0 : i32
      %dma_wait3A_99 = tpu.memref_slice %arg4[%dma_wait3A_97, %dma_wait3A_98] : memref<327680x128xf32, #tpu.memory_space<hbm>> -> memref<128x128xf32, #tpu.memory_space<hbm>>
      %dma_wait3A_100 = arith.constant 0 : i32
      %dma_wait3A_101 = arith.constant 0 : i32
      %dma_wait3A_102 = tpu.memref_slice %arg4[%dma_wait3A_100, %dma_wait3A_101] : memref<327680x128xf32, #tpu.memory_space<hbm>> -> memref<128x128xf32, #tpu.memory_space<hbm>>
      tpu.wait_dma2 semaphore(%arg11 : memref<!tpu.dma_semaphore, #tpu.memory_space<semaphore_mem>>) src(%arg7 : memref<128x128xf32, #tpu.memory_space<vmem>>) dst(%dma_wait3A_102 : memref<128x128xf32, #tpu.memory_space<hbm>>)
      %add3A_103 = arith.constant 1 : i32
      %add3A_104 = arith.addi %scan3A_43, %add3A_103 : i32
      %lt3A_105 = arith.constant 20 : i32
      %lt3A_106 = arith.cmpi slt, %add3A_104, %lt3A_105 : i32
      %convert_element_type3A_107 = arith.extui %lt3A_106 : i1 to i32
      %cond3A_108 = arith.constant 0 : i32
      %cond3A_109 = arith.cmpi ne, %convert_element_type3A_107, %cond3A_108 : i32
      scf.if %cond3A_109 {
        %add3A_110 = arith.constant 2 : i32
        %add3A_111 = arith.addi %mul3A_45, %add3A_110 : i32
        %add3A_112 = arith.constant 1 : i32
        %add3A_113 = arith.addi %add3A_111, %add3A_112 : i32
        %dma_start3A_114 = arith.constant 0 : i32
        %dma_start3A_115 = tpu.memref_slice %arg5[%add3A_113, %dma_start3A_114] : memref<40x128xi32, #tpu.memory_space<vmem>> -> memref<1x128xi32, #tpu.memory_space<vmem>>
        %dma_start3A_116 = tpu.memref_squeeze %dma_start3A_115 : memref<1x128xi32, #tpu.memory_space<vmem>> -> memref<128xi32, #tpu.memory_space<vmem>>
        %dma_start3A_117 = arith.constant 0 : i32
        %dma_start3A_118 = arith.constant 0 : i32
        %dma_start3A_119 = tpu.memref_slice %arg12[%dma_start3A_117, %dma_start3A_118] : memref<10240x128xf32, #tpu.memory_space<vmem_shared>> -> memref<10240x128xf32, #tpu.memory_space<vmem_shared>>
        tpu.enqueue_indirect_dma source(%dma_start3A_119 : memref<10240x128xf32, #tpu.memory_space<vmem_shared>>) target(%arg7 : memref<128x128xf32, #tpu.memory_space<vmem>>) offsets(%dma_start3A_116 : memref<128xi32, #tpu.memory_space<vmem>>) semaphore(%arg9 : memref<!tpu.dma_semaphore, #tpu.memory_space<semaphore_mem>>)
      } else {
      }
    }
    %scan3A_42 = arith.constant 20 : i32
    return
  }
}

#map = affine_map<(d0, d1) -> (0, 0)>
#map1 = affine_map<(d0, d1) -> (0, 0, 0)>
module attributes {stable_mosaic.version = 14 : i64} {
  func.func @_sc_acc(%arg0: i32, %arg1: i32, %arg2: memref<327680x128xf32, #tpu.memory_space<hbm>>, %arg3: memref<32x80x128xi32, #tpu.memory_space<hbm>>, %arg4: memref<640x128xf32, #tpu.memory_space<hbm>>, %arg5: memref<2x10240x128xf32, #tpu.memory_space<hbm>>, %arg6: memref<40x128xi32, #tpu.memory_space<vmem>>, %arg7: memref<128x128xf32, #tpu.memory_space<vmem>>, %arg8: memref<128x128xf32, #tpu.memory_space<vmem>>, %arg9: memref<!tpu.dma_semaphore, #tpu.memory_space<semaphore_mem>>, %arg10: memref<!tpu.dma_semaphore, #tpu.memory_space<semaphore_mem>>, %arg11: memref<!tpu.dma_semaphore, #tpu.memory_space<semaphore_mem>>, %arg12: memref<!tpu.dma_semaphore, #tpu.memory_space<semaphore_mem>>, %arg13: memref<10240x128xf32, #tpu.memory_space<vmem_shared>>) attributes {dimension_semantics = [#tpu.dimension_semantics<core_parallel>, #tpu.dimension_semantics<subcore_parallel>], iteration_bounds = array<i64: 2, 16>, scalar_prefetch = 0 : i64, scratch_operands = 8 : i64, tpu.core_type = #tpu.core_type<sc_vector_subcore>, window_params = [{transform_indices = #map}, {transform_indices = #map1}, {transform_indices = #map}, {transform_indices = #map1}]} {
    %mul3A = arith.constant 16 : i32
    %mul3A_0 = arith.muli %arg0, %mul3A : i32
    %add3A = arith.addi %mul3A_0, %arg1 : i32
    %mul3A_1 = arith.constant 640 : i32
    %mul3A_2 = arith.muli %arg1, %mul3A_1 : i32
    "tpu.region"() ({
      %run_scoped3A = tpu.sem_alloc : memref<!tpu.dma_semaphore, #tpu.memory_space<semaphore_mem>>
      %dma_start3A_50 = arith.constant 0 : i32
      %dma_start3A_51 = tpu.memref_slice %arg13[%mul3A_2, %dma_start3A_50] : memref<10240x128xf32, #tpu.memory_space<vmem_shared>> -> memref<640x128xf32, #tpu.memory_space<vmem_shared>>
      tpu.enqueue_dma source(%arg4 : memref<640x128xf32, #tpu.memory_space<hbm>>) target(%dma_start3A_51 : memref<640x128xf32, #tpu.memory_space<vmem_shared>>) target_semaphore(%run_scoped3A : memref<!tpu.dma_semaphore, #tpu.memory_space<semaphore_mem>>)
      %dma_wait3A = arith.constant 0 : i32
      %dma_wait3A_52 = tpu.memref_slice %arg13[%mul3A_2, %dma_wait3A] : memref<10240x128xf32, #tpu.memory_space<vmem_shared>> -> memref<640x128xf32, #tpu.memory_space<vmem_shared>>
      tpu.wait_dma2 semaphore(%run_scoped3A : memref<!tpu.dma_semaphore, #tpu.memory_space<semaphore_mem>>) src(%arg4 : memref<640x128xf32, #tpu.memory_space<hbm>>) dst(%dma_wait3A_52 : memref<640x128xf32, #tpu.memory_space<vmem_shared>>)
      tpu.yield
    }) : () -> ()
    %barrier3A = arith.constant 0 : index
    tpu.barrier barrier_id(%barrier3A)
    "tpu.region"() ({
      %run_scoped3A = tpu.sem_alloc : memref<!tpu.dma_semaphore, #tpu.memory_space<semaphore_mem>>
      %dma_start3A_50 = arith.constant 0 : i32
      %dma_start3A_51 = arith.constant 0 : i32
      %dma_start3A_52 = tpu.memref_slice %arg3[%add3A, %dma_start3A_50, %dma_start3A_51] : memref<32x80x128xi32, #tpu.memory_space<hbm>> -> memref<1x40x128xi32, #tpu.memory_space<hbm>>
      %dma_start3A_53 = tpu.memref_squeeze %dma_start3A_52 : memref<1x40x128xi32, #tpu.memory_space<hbm>> -> memref<40x128xi32, #tpu.memory_space<hbm>>
      %dma_start3A_54 = arith.constant 0 : i32
      %dma_start3A_55 = arith.constant 0 : i32
      %dma_start3A_56 = tpu.memref_slice %arg3[%add3A, %dma_start3A_54, %dma_start3A_55] : memref<32x80x128xi32, #tpu.memory_space<hbm>> -> memref<1x40x128xi32, #tpu.memory_space<hbm>>
      %dma_start3A_57 = tpu.memref_squeeze %dma_start3A_56 : memref<1x40x128xi32, #tpu.memory_space<hbm>> -> memref<40x128xi32, #tpu.memory_space<hbm>>
      tpu.enqueue_dma source(%dma_start3A_57 : memref<40x128xi32, #tpu.memory_space<hbm>>) target(%arg6 : memref<40x128xi32, #tpu.memory_space<vmem>>) target_semaphore(%run_scoped3A : memref<!tpu.dma_semaphore, #tpu.memory_space<semaphore_mem>>)
      %dma_wait3A = arith.constant 0 : i32
      %dma_wait3A_58 = arith.constant 0 : i32
      %dma_wait3A_59 = tpu.memref_slice %arg3[%add3A, %dma_wait3A, %dma_wait3A_58] : memref<32x80x128xi32, #tpu.memory_space<hbm>> -> memref<1x40x128xi32, #tpu.memory_space<hbm>>
      %dma_wait3A_60 = tpu.memref_squeeze %dma_wait3A_59 : memref<1x40x128xi32, #tpu.memory_space<hbm>> -> memref<40x128xi32, #tpu.memory_space<hbm>>
      %dma_wait3A_61 = arith.constant 0 : i32
      %dma_wait3A_62 = arith.constant 0 : i32
      %dma_wait3A_63 = tpu.memref_slice %arg3[%add3A, %dma_wait3A_61, %dma_wait3A_62] : memref<32x80x128xi32, #tpu.memory_space<hbm>> -> memref<1x40x128xi32, #tpu.memory_space<hbm>>
      %dma_wait3A_64 = tpu.memref_squeeze %dma_wait3A_63 : memref<1x40x128xi32, #tpu.memory_space<hbm>> -> memref<40x128xi32, #tpu.memory_space<hbm>>
      tpu.wait_dma2 semaphore(%run_scoped3A : memref<!tpu.dma_semaphore, #tpu.memory_space<semaphore_mem>>) src(%dma_wait3A_64 : memref<40x128xi32, #tpu.memory_space<hbm>>) dst(%arg6 : memref<40x128xi32, #tpu.memory_space<vmem>>)
      tpu.yield
    }) : () -> ()
    %mul3A_3 = arith.constant 10240 : i32
    %mul3A_4 = arith.muli %add3A, %mul3A_3 : i32
    %add3A_5 = arith.constant 0 : i32
    %add3A_6 = arith.addi %mul3A_4, %add3A_5 : i32
    %dma_start3A = arith.constant 0 : i32
    %dma_start3A_7 = tpu.memref_slice %arg2[%add3A_6, %dma_start3A] : memref<327680x128xf32, #tpu.memory_space<hbm>> -> memref<128x128xf32, #tpu.memory_space<hbm>>
    %dma_start3A_8 = arith.constant 0 : i32
    %dma_start3A_9 = tpu.memref_slice %arg2[%add3A_6, %dma_start3A_8] : memref<327680x128xf32, #tpu.memory_space<hbm>> -> memref<128x128xf32, #tpu.memory_space<hbm>>
    tpu.enqueue_dma source(%dma_start3A_9 : memref<128x128xf32, #tpu.memory_space<hbm>>) target(%arg7 : memref<128x128xf32, #tpu.memory_space<vmem>>) target_semaphore(%arg9 : memref<!tpu.dma_semaphore, #tpu.memory_space<semaphore_mem>>)
    %mul3A_10 = arith.constant 10240 : i32
    %mul3A_11 = arith.muli %add3A, %mul3A_10 : i32
    %add3A_12 = arith.constant 128 : i32
    %add3A_13 = arith.addi %mul3A_11, %add3A_12 : i32
    %dma_start3A_14 = arith.constant 0 : i32
    %dma_start3A_15 = tpu.memref_slice %arg2[%add3A_13, %dma_start3A_14] : memref<327680x128xf32, #tpu.memory_space<hbm>> -> memref<128x128xf32, #tpu.memory_space<hbm>>
    %dma_start3A_16 = arith.constant 0 : i32
    %dma_start3A_17 = tpu.memref_slice %arg2[%add3A_13, %dma_start3A_16] : memref<327680x128xf32, #tpu.memory_space<hbm>> -> memref<128x128xf32, #tpu.memory_space<hbm>>
    tpu.enqueue_dma source(%dma_start3A_17 : memref<128x128xf32, #tpu.memory_space<hbm>>) target(%arg8 : memref<128x128xf32, #tpu.memory_space<vmem>>) target_semaphore(%arg10 : memref<!tpu.dma_semaphore, #tpu.memory_space<semaphore_mem>>)
    %scan3A = arith.constant 0 : i32
    %scan3A_18 = arith.constant 0 : i32
    %scan3A_19 = arith.constant 20 : i32
    %scan3A_20 = arith.addi %scan3A_18, %scan3A_19 : i32
    %scan3A_21 = arith.constant 1 : i32
    scf.for %scan3A_50 = %scan3A_18 to %scan3A_20 step %scan3A_21  : i32 {
      %mul3A_51 = arith.constant 2 : i32
      %mul3A_52 = arith.muli %scan3A_50, %mul3A_51 : i32
      %dma_wait3A = arith.constant 0 : i32
      %dma_wait3A_53 = arith.constant 0 : i32
      %dma_wait3A_54 = tpu.memref_slice %arg2[%dma_wait3A, %dma_wait3A_53] : memref<327680x128xf32, #tpu.memory_space<hbm>> -> memref<128x128xf32, #tpu.memory_space<hbm>>
      %dma_wait3A_55 = arith.constant 0 : i32
      %dma_wait3A_56 = arith.constant 0 : i32
      %dma_wait3A_57 = tpu.memref_slice %arg2[%dma_wait3A_55, %dma_wait3A_56] : memref<327680x128xf32, #tpu.memory_space<hbm>> -> memref<128x128xf32, #tpu.memory_space<hbm>>
      tpu.wait_dma2 semaphore(%arg9 : memref<!tpu.dma_semaphore, #tpu.memory_space<semaphore_mem>>) src(%dma_wait3A_57 : memref<128x128xf32, #tpu.memory_space<hbm>>) dst(%arg7 : memref<128x128xf32, #tpu.memory_space<vmem>>)
      %add3A_58 = arith.constant 0 : i32
      %add3A_59 = arith.addi %mul3A_52, %add3A_58 : i32
      %dma_start3A_60 = arith.constant 0 : i32
      %dma_start3A_61 = tpu.memref_slice %arg6[%add3A_59, %dma_start3A_60] : memref<40x128xi32, #tpu.memory_space<vmem>> -> memref<1x128xi32, #tpu.memory_space<vmem>>
      %dma_start3A_62 = tpu.memref_squeeze %dma_start3A_61 : memref<1x128xi32, #tpu.memory_space<vmem>> -> memref<128xi32, #tpu.memory_space<vmem>>
      %dma_start3A_63 = arith.constant 0 : i32
      %dma_start3A_64 = arith.constant 0 : i32
      %dma_start3A_65 = tpu.memref_slice %arg13[%dma_start3A_63, %dma_start3A_64] : memref<10240x128xf32, #tpu.memory_space<vmem_shared>> -> memref<10240x128xf32, #tpu.memory_space<vmem_shared>>
      tpu.enqueue_indirect_dma source(%arg7 : memref<128x128xf32, #tpu.memory_space<vmem>>) target(%dma_start3A_65 : memref<10240x128xf32, #tpu.memory_space<vmem_shared>>) offsets(%dma_start3A_62 : memref<128xi32, #tpu.memory_space<vmem>>) semaphore(%arg11 : memref<!tpu.dma_semaphore, #tpu.memory_space<semaphore_mem>>) {add = true}
      %dma_wait3A_66 = arith.constant 0 : i32
      %dma_wait3A_67 = arith.constant 0 : i32
      %dma_wait3A_68 = tpu.memref_slice %arg2[%dma_wait3A_66, %dma_wait3A_67] : memref<327680x128xf32, #tpu.memory_space<hbm>> -> memref<128x128xf32, #tpu.memory_space<hbm>>
      %dma_wait3A_69 = arith.constant 0 : i32
      %dma_wait3A_70 = arith.constant 0 : i32
      %dma_wait3A_71 = tpu.memref_slice %arg2[%dma_wait3A_69, %dma_wait3A_70] : memref<327680x128xf32, #tpu.memory_space<hbm>> -> memref<128x128xf32, #tpu.memory_space<hbm>>
      tpu.wait_dma2 semaphore(%arg10 : memref<!tpu.dma_semaphore, #tpu.memory_space<semaphore_mem>>) src(%dma_wait3A_71 : memref<128x128xf32, #tpu.memory_space<hbm>>) dst(%arg8 : memref<128x128xf32, #tpu.memory_space<vmem>>)
      %add3A_72 = arith.constant 1 : i32
      %add3A_73 = arith.addi %mul3A_52, %add3A_72 : i32
      %dma_start3A_74 = arith.constant 0 : i32
      %dma_start3A_75 = tpu.memref_slice %arg6[%add3A_73, %dma_start3A_74] : memref<40x128xi32, #tpu.memory_space<vmem>> -> memref<1x128xi32, #tpu.memory_space<vmem>>
      %dma_start3A_76 = tpu.memref_squeeze %dma_start3A_75 : memref<1x128xi32, #tpu.memory_space<vmem>> -> memref<128xi32, #tpu.memory_space<vmem>>
      %dma_start3A_77 = arith.constant 0 : i32
      %dma_start3A_78 = arith.constant 0 : i32
      %dma_start3A_79 = tpu.memref_slice %arg13[%dma_start3A_77, %dma_start3A_78] : memref<10240x128xf32, #tpu.memory_space<vmem_shared>> -> memref<10240x128xf32, #tpu.memory_space<vmem_shared>>
      tpu.enqueue_indirect_dma source(%arg8 : memref<128x128xf32, #tpu.memory_space<vmem>>) target(%dma_start3A_79 : memref<10240x128xf32, #tpu.memory_space<vmem_shared>>) offsets(%dma_start3A_76 : memref<128xi32, #tpu.memory_space<vmem>>) semaphore(%arg12 : memref<!tpu.dma_semaphore, #tpu.memory_space<semaphore_mem>>) {add = true}
      %dma_wait3A_80 = arith.constant 0 : i32
      %dma_wait3A_81 = arith.constant 0 : i32
      %dma_wait3A_82 = tpu.memref_slice %arg6[%dma_wait3A_80, %dma_wait3A_81] : memref<40x128xi32, #tpu.memory_space<vmem>> -> memref<1x128xi32, #tpu.memory_space<vmem>>
      %dma_wait3A_83 = tpu.memref_squeeze %dma_wait3A_82 : memref<1x128xi32, #tpu.memory_space<vmem>> -> memref<128xi32, #tpu.memory_space<vmem>>
      %dma_wait3A_84 = arith.constant 0 : i32
      %dma_wait3A_85 = arith.constant 0 : i32
      %dma_wait3A_86 = tpu.memref_slice %arg13[%dma_wait3A_84, %dma_wait3A_85] : memref<10240x128xf32, #tpu.memory_space<vmem_shared>> -> memref<10240x128xf32, #tpu.memory_space<vmem_shared>>
      tpu.wait_indirect_dma semaphore(%arg11 : memref<!tpu.dma_semaphore, #tpu.memory_space<semaphore_mem>>) src(%arg7 : memref<128x128xf32, #tpu.memory_space<vmem>>) dst(%dma_wait3A_86 : memref<10240x128xf32, #tpu.memory_space<vmem_shared>>)
      %add3A_87 = arith.constant 1 : i32
      %add3A_88 = arith.addi %scan3A_50, %add3A_87 : i32
      %lt3A = arith.constant 20 : i32
      %lt3A_89 = arith.cmpi slt, %add3A_88, %lt3A : i32
      %convert_element_type3A = arith.extui %lt3A_89 : i1 to i32
      %cond3A = arith.constant 0 : i32
      %cond3A_90 = arith.cmpi ne, %convert_element_type3A, %cond3A : i32
      scf.if %cond3A_90 {
        %add3A_105 = arith.constant 2 : i32
        %add3A_106 = arith.addi %mul3A_52, %add3A_105 : i32
        %add3A_107 = arith.constant 0 : i32
        %add3A_108 = arith.addi %add3A_106, %add3A_107 : i32
        %mul3A_109 = arith.constant 10240 : i32
        %mul3A_110 = arith.muli %add3A, %mul3A_109 : i32
        %add3A_111 = arith.constant 0 : i32
        %add3A_112 = arith.addi %add3A_111, %add3A_108 : i32
        %mul3A_113 = arith.constant 128 : i32
        %mul3A_114 = arith.muli %add3A_112, %mul3A_113 : i32
        %add3A_115 = arith.addi %mul3A_110, %mul3A_114 : i32
        %dma_start3A_116 = arith.constant 0 : i32
        %dma_start3A_117 = tpu.memref_slice %arg2[%add3A_115, %dma_start3A_116] : memref<327680x128xf32, #tpu.memory_space<hbm>> -> memref<128x128xf32, #tpu.memory_space<hbm>>
        %dma_start3A_118 = arith.constant 0 : i32
        %dma_start3A_119 = tpu.memref_slice %arg2[%add3A_115, %dma_start3A_118] : memref<327680x128xf32, #tpu.memory_space<hbm>> -> memref<128x128xf32, #tpu.memory_space<hbm>>
        tpu.enqueue_dma source(%dma_start3A_119 : memref<128x128xf32, #tpu.memory_space<hbm>>) target(%arg7 : memref<128x128xf32, #tpu.memory_space<vmem>>) target_semaphore(%arg9 : memref<!tpu.dma_semaphore, #tpu.memory_space<semaphore_mem>>)
      } else {
      }
      %dma_wait3A_91 = arith.constant 0 : i32
      %dma_wait3A_92 = arith.constant 0 : i32
      %dma_wait3A_93 = tpu.memref_slice %arg6[%dma_wait3A_91, %dma_wait3A_92] : memref<40x128xi32, #tpu.memory_space<vmem>> -> memref<1x128xi32, #tpu.memory_space<vmem>>
      %dma_wait3A_94 = tpu.memref_squeeze %dma_wait3A_93 : memref<1x128xi32, #tpu.memory_space<vmem>> -> memref<128xi32, #tpu.memory_space<vmem>>
      %dma_wait3A_95 = arith.constant 0 : i32
      %dma_wait3A_96 = arith.constant 0 : i32
      %dma_wait3A_97 = tpu.memref_slice %arg13[%dma_wait3A_95, %dma_wait3A_96] : memref<10240x128xf32, #tpu.memory_space<vmem_shared>> -> memref<10240x128xf32, #tpu.memory_space<vmem_shared>>
      tpu.wait_indirect_dma semaphore(%arg12 : memref<!tpu.dma_semaphore, #tpu.memory_space<semaphore_mem>>) src(%arg8 : memref<128x128xf32, #tpu.memory_space<vmem>>) dst(%dma_wait3A_97 : memref<10240x128xf32, #tpu.memory_space<vmem_shared>>)
      %add3A_98 = arith.constant 1 : i32
      %add3A_99 = arith.addi %scan3A_50, %add3A_98 : i32
      %lt3A_100 = arith.constant 20 : i32
      %lt3A_101 = arith.cmpi slt, %add3A_99, %lt3A_100 : i32
      %convert_element_type3A_102 = arith.extui %lt3A_101 : i1 to i32
      %cond3A_103 = arith.constant 0 : i32
      %cond3A_104 = arith.cmpi ne, %convert_element_type3A_102, %cond3A_103 : i32
      scf.if %cond3A_104 {
        %add3A_105 = arith.constant 2 : i32
        %add3A_106 = arith.addi %mul3A_52, %add3A_105 : i32
        %add3A_107 = arith.constant 1 : i32
        %add3A_108 = arith.addi %add3A_106, %add3A_107 : i32
        %mul3A_109 = arith.constant 10240 : i32
        %mul3A_110 = arith.muli %add3A, %mul3A_109 : i32
        %add3A_111 = arith.constant 0 : i32
        %add3A_112 = arith.addi %add3A_111, %add3A_108 : i32
        %mul3A_113 = arith.constant 128 : i32
        %mul3A_114 = arith.muli %add3A_112, %mul3A_113 : i32
        %add3A_115 = arith.addi %mul3A_110, %mul3A_114 : i32
        %dma_start3A_116 = arith.constant 0 : i32
        %dma_start3A_117 = tpu.memref_slice %arg2[%add3A_115, %dma_start3A_116] : memref<327680x128xf32, #tpu.memory_space<hbm>> -> memref<128x128xf32, #tpu.memory_space<hbm>>
        %dma_start3A_118 = arith.constant 0 : i32
        %dma_start3A_119 = tpu.memref_slice %arg2[%add3A_115, %dma_start3A_118] : memref<327680x128xf32, #tpu.memory_space<hbm>> -> memref<128x128xf32, #tpu.memory_space<hbm>>
        tpu.enqueue_dma source(%dma_start3A_119 : memref<128x128xf32, #tpu.memory_space<hbm>>) target(%arg8 : memref<128x128xf32, #tpu.memory_space<vmem>>) target_semaphore(%arg10 : memref<!tpu.dma_semaphore, #tpu.memory_space<semaphore_mem>>)
      } else {
      }
    }
    %scan3A_22 = arith.constant 20 : i32
    "tpu.region"() ({
      %run_scoped3A = tpu.sem_alloc : memref<!tpu.dma_semaphore, #tpu.memory_space<semaphore_mem>>
      %dma_start3A_50 = arith.constant 40 : i32
      %dma_start3A_51 = arith.constant 0 : i32
      %dma_start3A_52 = tpu.memref_slice %arg3[%add3A, %dma_start3A_50, %dma_start3A_51] : memref<32x80x128xi32, #tpu.memory_space<hbm>> -> memref<1x40x128xi32, #tpu.memory_space<hbm>>
      %dma_start3A_53 = tpu.memref_squeeze %dma_start3A_52 : memref<1x40x128xi32, #tpu.memory_space<hbm>> -> memref<40x128xi32, #tpu.memory_space<hbm>>
      %dma_start3A_54 = arith.constant 40 : i32
      %dma_start3A_55 = arith.constant 0 : i32
      %dma_start3A_56 = tpu.memref_slice %arg3[%add3A, %dma_start3A_54, %dma_start3A_55] : memref<32x80x128xi32, #tpu.memory_space<hbm>> -> memref<1x40x128xi32, #tpu.memory_space<hbm>>
      %dma_start3A_57 = tpu.memref_squeeze %dma_start3A_56 : memref<1x40x128xi32, #tpu.memory_space<hbm>> -> memref<40x128xi32, #tpu.memory_space<hbm>>
      tpu.enqueue_dma source(%dma_start3A_57 : memref<40x128xi32, #tpu.memory_space<hbm>>) target(%arg6 : memref<40x128xi32, #tpu.memory_space<vmem>>) target_semaphore(%run_scoped3A : memref<!tpu.dma_semaphore, #tpu.memory_space<semaphore_mem>>)
      %dma_wait3A = arith.constant 40 : i32
      %dma_wait3A_58 = arith.constant 0 : i32
      %dma_wait3A_59 = tpu.memref_slice %arg3[%add3A, %dma_wait3A, %dma_wait3A_58] : memref<32x80x128xi32, #tpu.memory_space<hbm>> -> memref<1x40x128xi32, #tpu.memory_space<hbm>>
      %dma_wait3A_60 = tpu.memref_squeeze %dma_wait3A_59 : memref<1x40x128xi32, #tpu.memory_space<hbm>> -> memref<40x128xi32, #tpu.memory_space<hbm>>
      %dma_wait3A_61 = arith.constant 40 : i32
      %dma_wait3A_62 = arith.constant 0 : i32
      %dma_wait3A_63 = tpu.memref_slice %arg3[%add3A, %dma_wait3A_61, %dma_wait3A_62] : memref<32x80x128xi32, #tpu.memory_space<hbm>> -> memref<1x40x128xi32, #tpu.memory_space<hbm>>
      %dma_wait3A_64 = tpu.memref_squeeze %dma_wait3A_63 : memref<1x40x128xi32, #tpu.memory_space<hbm>> -> memref<40x128xi32, #tpu.memory_space<hbm>>
      tpu.wait_dma2 semaphore(%run_scoped3A : memref<!tpu.dma_semaphore, #tpu.memory_space<semaphore_mem>>) src(%dma_wait3A_64 : memref<40x128xi32, #tpu.memory_space<hbm>>) dst(%arg6 : memref<40x128xi32, #tpu.memory_space<vmem>>)
      tpu.yield
    }) : () -> ()
    %mul3A_23 = arith.constant 10240 : i32
    %mul3A_24 = arith.muli %add3A, %mul3A_23 : i32
    %add3A_25 = arith.constant 5120 : i32
    %add3A_26 = arith.addi %mul3A_24, %add3A_25 : i32
    %dma_start3A_27 = arith.constant 0 : i32
    %dma_start3A_28 = tpu.memref_slice %arg2[%add3A_26, %dma_start3A_27] : memref<327680x128xf32, #tpu.memory_space<hbm>> -> memref<128x128xf32, #tpu.memory_space<hbm>>
    %dma_start3A_29 = arith.constant 0 : i32
    %dma_start3A_30 = tpu.memref_slice %arg2[%add3A_26, %dma_start3A_29] : memref<327680x128xf32, #tpu.memory_space<hbm>> -> memref<128x128xf32, #tpu.memory_space<hbm>>
    tpu.enqueue_dma source(%dma_start3A_30 : memref<128x128xf32, #tpu.memory_space<hbm>>) target(%arg7 : memref<128x128xf32, #tpu.memory_space<vmem>>) target_semaphore(%arg9 : memref<!tpu.dma_semaphore, #tpu.memory_space<semaphore_mem>>)
    %mul3A_31 = arith.constant 10240 : i32
    %mul3A_32 = arith.muli %add3A, %mul3A_31 : i32
    %add3A_33 = arith.constant 5248 : i32
    %add3A_34 = arith.addi %mul3A_32, %add3A_33 : i32
    %dma_start3A_35 = arith.constant 0 : i32
    %dma_start3A_36 = tpu.memref_slice %arg2[%add3A_34, %dma_start3A_35] : memref<327680x128xf32, #tpu.memory_space<hbm>> -> memref<128x128xf32, #tpu.memory_space<hbm>>
    %dma_start3A_37 = arith.constant 0 : i32
    %dma_start3A_38 = tpu.memref_slice %arg2[%add3A_34, %dma_start3A_37] : memref<327680x128xf32, #tpu.memory_space<hbm>> -> memref<128x128xf32, #tpu.memory_space<hbm>>
    tpu.enqueue_dma source(%dma_start3A_38 : memref<128x128xf32, #tpu.memory_space<hbm>>) target(%arg8 : memref<128x128xf32, #tpu.memory_space<vmem>>) target_semaphore(%arg10 : memref<!tpu.dma_semaphore, #tpu.memory_space<semaphore_mem>>)
    %scan3A_39 = arith.constant 0 : i32
    %scan3A_40 = arith.constant 0 : i32
    %scan3A_41 = arith.constant 20 : i32
    %scan3A_42 = arith.addi %scan3A_40, %scan3A_41 : i32
    %scan3A_43 = arith.constant 1 : i32
    scf.for %scan3A_50 = %scan3A_40 to %scan3A_42 step %scan3A_43  : i32 {
      %mul3A_51 = arith.constant 2 : i32
      %mul3A_52 = arith.muli %scan3A_50, %mul3A_51 : i32
      %dma_wait3A = arith.constant 0 : i32
      %dma_wait3A_53 = arith.constant 0 : i32
      %dma_wait3A_54 = tpu.memref_slice %arg2[%dma_wait3A, %dma_wait3A_53] : memref<327680x128xf32, #tpu.memory_space<hbm>> -> memref<128x128xf32, #tpu.memory_space<hbm>>
      %dma_wait3A_55 = arith.constant 0 : i32
      %dma_wait3A_56 = arith.constant 0 : i32
      %dma_wait3A_57 = tpu.memref_slice %arg2[%dma_wait3A_55, %dma_wait3A_56] : memref<327680x128xf32, #tpu.memory_space<hbm>> -> memref<128x128xf32, #tpu.memory_space<hbm>>
      tpu.wait_dma2 semaphore(%arg9 : memref<!tpu.dma_semaphore, #tpu.memory_space<semaphore_mem>>) src(%dma_wait3A_57 : memref<128x128xf32, #tpu.memory_space<hbm>>) dst(%arg7 : memref<128x128xf32, #tpu.memory_space<vmem>>)
      %add3A_58 = arith.constant 0 : i32
      %add3A_59 = arith.addi %mul3A_52, %add3A_58 : i32
      %dma_start3A_60 = arith.constant 0 : i32
      %dma_start3A_61 = tpu.memref_slice %arg6[%add3A_59, %dma_start3A_60] : memref<40x128xi32, #tpu.memory_space<vmem>> -> memref<1x128xi32, #tpu.memory_space<vmem>>
      %dma_start3A_62 = tpu.memref_squeeze %dma_start3A_61 : memref<1x128xi32, #tpu.memory_space<vmem>> -> memref<128xi32, #tpu.memory_space<vmem>>
      %dma_start3A_63 = arith.constant 0 : i32
      %dma_start3A_64 = arith.constant 0 : i32
      %dma_start3A_65 = tpu.memref_slice %arg13[%dma_start3A_63, %dma_start3A_64] : memref<10240x128xf32, #tpu.memory_space<vmem_shared>> -> memref<10240x128xf32, #tpu.memory_space<vmem_shared>>
      tpu.enqueue_indirect_dma source(%arg7 : memref<128x128xf32, #tpu.memory_space<vmem>>) target(%dma_start3A_65 : memref<10240x128xf32, #tpu.memory_space<vmem_shared>>) offsets(%dma_start3A_62 : memref<128xi32, #tpu.memory_space<vmem>>) semaphore(%arg11 : memref<!tpu.dma_semaphore, #tpu.memory_space<semaphore_mem>>) {add = true}
      %dma_wait3A_66 = arith.constant 0 : i32
      %dma_wait3A_67 = arith.constant 0 : i32
      %dma_wait3A_68 = tpu.memref_slice %arg2[%dma_wait3A_66, %dma_wait3A_67] : memref<327680x128xf32, #tpu.memory_space<hbm>> -> memref<128x128xf32, #tpu.memory_space<hbm>>
      %dma_wait3A_69 = arith.constant 0 : i32
      %dma_wait3A_70 = arith.constant 0 : i32
      %dma_wait3A_71 = tpu.memref_slice %arg2[%dma_wait3A_69, %dma_wait3A_70] : memref<327680x128xf32, #tpu.memory_space<hbm>> -> memref<128x128xf32, #tpu.memory_space<hbm>>
      tpu.wait_dma2 semaphore(%arg10 : memref<!tpu.dma_semaphore, #tpu.memory_space<semaphore_mem>>) src(%dma_wait3A_71 : memref<128x128xf32, #tpu.memory_space<hbm>>) dst(%arg8 : memref<128x128xf32, #tpu.memory_space<vmem>>)
      %add3A_72 = arith.constant 1 : i32
      %add3A_73 = arith.addi %mul3A_52, %add3A_72 : i32
      %dma_start3A_74 = arith.constant 0 : i32
      %dma_start3A_75 = tpu.memref_slice %arg6[%add3A_73, %dma_start3A_74] : memref<40x128xi32, #tpu.memory_space<vmem>> -> memref<1x128xi32, #tpu.memory_space<vmem>>
      %dma_start3A_76 = tpu.memref_squeeze %dma_start3A_75 : memref<1x128xi32, #tpu.memory_space<vmem>> -> memref<128xi32, #tpu.memory_space<vmem>>
      %dma_start3A_77 = arith.constant 0 : i32
      %dma_start3A_78 = arith.constant 0 : i32
      %dma_start3A_79 = tpu.memref_slice %arg13[%dma_start3A_77, %dma_start3A_78] : memref<10240x128xf32, #tpu.memory_space<vmem_shared>> -> memref<10240x128xf32, #tpu.memory_space<vmem_shared>>
      tpu.enqueue_indirect_dma source(%arg8 : memref<128x128xf32, #tpu.memory_space<vmem>>) target(%dma_start3A_79 : memref<10240x128xf32, #tpu.memory_space<vmem_shared>>) offsets(%dma_start3A_76 : memref<128xi32, #tpu.memory_space<vmem>>) semaphore(%arg12 : memref<!tpu.dma_semaphore, #tpu.memory_space<semaphore_mem>>) {add = true}
      %dma_wait3A_80 = arith.constant 0 : i32
      %dma_wait3A_81 = arith.constant 0 : i32
      %dma_wait3A_82 = tpu.memref_slice %arg6[%dma_wait3A_80, %dma_wait3A_81] : memref<40x128xi32, #tpu.memory_space<vmem>> -> memref<1x128xi32, #tpu.memory_space<vmem>>
      %dma_wait3A_83 = tpu.memref_squeeze %dma_wait3A_82 : memref<1x128xi32, #tpu.memory_space<vmem>> -> memref<128xi32, #tpu.memory_space<vmem>>
      %dma_wait3A_84 = arith.constant 0 : i32
      %dma_wait3A_85 = arith.constant 0 : i32
      %dma_wait3A_86 = tpu.memref_slice %arg13[%dma_wait3A_84, %dma_wait3A_85] : memref<10240x128xf32, #tpu.memory_space<vmem_shared>> -> memref<10240x128xf32, #tpu.memory_space<vmem_shared>>
      tpu.wait_indirect_dma semaphore(%arg11 : memref<!tpu.dma_semaphore, #tpu.memory_space<semaphore_mem>>) src(%arg7 : memref<128x128xf32, #tpu.memory_space<vmem>>) dst(%dma_wait3A_86 : memref<10240x128xf32, #tpu.memory_space<vmem_shared>>)
      %add3A_87 = arith.constant 1 : i32
      %add3A_88 = arith.addi %scan3A_50, %add3A_87 : i32
      %lt3A = arith.constant 20 : i32
      %lt3A_89 = arith.cmpi slt, %add3A_88, %lt3A : i32
      %convert_element_type3A = arith.extui %lt3A_89 : i1 to i32
      %cond3A = arith.constant 0 : i32
      %cond3A_90 = arith.cmpi ne, %convert_element_type3A, %cond3A : i32
      scf.if %cond3A_90 {
        %add3A_105 = arith.constant 2 : i32
        %add3A_106 = arith.addi %mul3A_52, %add3A_105 : i32
        %add3A_107 = arith.constant 0 : i32
        %add3A_108 = arith.addi %add3A_106, %add3A_107 : i32
        %mul3A_109 = arith.constant 10240 : i32
        %mul3A_110 = arith.muli %add3A, %mul3A_109 : i32
        %add3A_111 = arith.constant 40 : i32
        %add3A_112 = arith.addi %add3A_111, %add3A_108 : i32
        %mul3A_113 = arith.constant 128 : i32
        %mul3A_114 = arith.muli %add3A_112, %mul3A_113 : i32
        %add3A_115 = arith.addi %mul3A_110, %mul3A_114 : i32
        %dma_start3A_116 = arith.constant 0 : i32
        %dma_start3A_117 = tpu.memref_slice %arg2[%add3A_115, %dma_start3A_116] : memref<327680x128xf32, #tpu.memory_space<hbm>> -> memref<128x128xf32, #tpu.memory_space<hbm>>
        %dma_start3A_118 = arith.constant 0 : i32
        %dma_start3A_119 = tpu.memref_slice %arg2[%add3A_115, %dma_start3A_118] : memref<327680x128xf32, #tpu.memory_space<hbm>> -> memref<128x128xf32, #tpu.memory_space<hbm>>
        tpu.enqueue_dma source(%dma_start3A_119 : memref<128x128xf32, #tpu.memory_space<hbm>>) target(%arg7 : memref<128x128xf32, #tpu.memory_space<vmem>>) target_semaphore(%arg9 : memref<!tpu.dma_semaphore, #tpu.memory_space<semaphore_mem>>)
      } else {
      }
      %dma_wait3A_91 = arith.constant 0 : i32
      %dma_wait3A_92 = arith.constant 0 : i32
      %dma_wait3A_93 = tpu.memref_slice %arg6[%dma_wait3A_91, %dma_wait3A_92] : memref<40x128xi32, #tpu.memory_space<vmem>> -> memref<1x128xi32, #tpu.memory_space<vmem>>
      %dma_wait3A_94 = tpu.memref_squeeze %dma_wait3A_93 : memref<1x128xi32, #tpu.memory_space<vmem>> -> memref<128xi32, #tpu.memory_space<vmem>>
      %dma_wait3A_95 = arith.constant 0 : i32
      %dma_wait3A_96 = arith.constant 0 : i32
      %dma_wait3A_97 = tpu.memref_slice %arg13[%dma_wait3A_95, %dma_wait3A_96] : memref<10240x128xf32, #tpu.memory_space<vmem_shared>> -> memref<10240x128xf32, #tpu.memory_space<vmem_shared>>
      tpu.wait_indirect_dma semaphore(%arg12 : memref<!tpu.dma_semaphore, #tpu.memory_space<semaphore_mem>>) src(%arg8 : memref<128x128xf32, #tpu.memory_space<vmem>>) dst(%dma_wait3A_97 : memref<10240x128xf32, #tpu.memory_space<vmem_shared>>)
      %add3A_98 = arith.constant 1 : i32
      %add3A_99 = arith.addi %scan3A_50, %add3A_98 : i32
      %lt3A_100 = arith.constant 20 : i32
      %lt3A_101 = arith.cmpi slt, %add3A_99, %lt3A_100 : i32
      %convert_element_type3A_102 = arith.extui %lt3A_101 : i1 to i32
      %cond3A_103 = arith.constant 0 : i32
      %cond3A_104 = arith.cmpi ne, %convert_element_type3A_102, %cond3A_103 : i32
      scf.if %cond3A_104 {
        %add3A_105 = arith.constant 2 : i32
        %add3A_106 = arith.addi %mul3A_52, %add3A_105 : i32
        %add3A_107 = arith.constant 1 : i32
        %add3A_108 = arith.addi %add3A_106, %add3A_107 : i32
        %mul3A_109 = arith.constant 10240 : i32
        %mul3A_110 = arith.muli %add3A, %mul3A_109 : i32
        %add3A_111 = arith.constant 40 : i32
        %add3A_112 = arith.addi %add3A_111, %add3A_108 : i32
        %mul3A_113 = arith.constant 128 : i32
        %mul3A_114 = arith.muli %add3A_112, %mul3A_113 : i32
        %add3A_115 = arith.addi %mul3A_110, %mul3A_114 : i32
        %dma_start3A_116 = arith.constant 0 : i32
        %dma_start3A_117 = tpu.memref_slice %arg2[%add3A_115, %dma_start3A_116] : memref<327680x128xf32, #tpu.memory_space<hbm>> -> memref<128x128xf32, #tpu.memory_space<hbm>>
        %dma_start3A_118 = arith.constant 0 : i32
        %dma_start3A_119 = tpu.memref_slice %arg2[%add3A_115, %dma_start3A_118] : memref<327680x128xf32, #tpu.memory_space<hbm>> -> memref<128x128xf32, #tpu.memory_space<hbm>>
        tpu.enqueue_dma source(%dma_start3A_119 : memref<128x128xf32, #tpu.memory_space<hbm>>) target(%arg8 : memref<128x128xf32, #tpu.memory_space<vmem>>) target_semaphore(%arg10 : memref<!tpu.dma_semaphore, #tpu.memory_space<semaphore_mem>>)
      } else {
      }
    }
    %scan3A_44 = arith.constant 20 : i32
    %barrier3A_45 = arith.constant 0 : index
    tpu.barrier barrier_id(%barrier3A_45)
    %mul3A_46 = arith.constant 640 : i32
    %mul3A_47 = arith.muli %arg1, %mul3A_46 : i32
    %mul3A_48 = arith.constant 640 : i32
    %mul3A_49 = arith.muli %arg1, %mul3A_48 : i32
    "tpu.region"() ({
      %run_scoped3A = tpu.sem_alloc : memref<!tpu.dma_semaphore, #tpu.memory_space<semaphore_mem>>
      %dma_start3A_50 = arith.constant 0 : i32
      %dma_start3A_51 = tpu.memref_slice %arg5[%arg0, %mul3A_49, %dma_start3A_50] : memref<2x10240x128xf32, #tpu.memory_space<hbm>> -> memref<1x640x128xf32, #tpu.memory_space<hbm>>
      %dma_start3A_52 = tpu.memref_squeeze %dma_start3A_51 : memref<1x640x128xf32, #tpu.memory_space<hbm>> -> memref<640x128xf32, #tpu.memory_space<hbm>>
      %dma_start3A_53 = arith.constant 0 : i32
      %dma_start3A_54 = tpu.memref_slice %arg13[%mul3A_47, %dma_start3A_53] : memref<10240x128xf32, #tpu.memory_space<vmem_shared>> -> memref<640x128xf32, #tpu.memory_space<vmem_shared>>
      tpu.enqueue_dma source(%dma_start3A_54 : memref<640x128xf32, #tpu.memory_space<vmem_shared>>) target(%dma_start3A_52 : memref<640x128xf32, #tpu.memory_space<hbm>>) target_semaphore(%run_scoped3A : memref<!tpu.dma_semaphore, #tpu.memory_space<semaphore_mem>>)
      %dma_wait3A = arith.constant 0 : i32
      %dma_wait3A_55 = tpu.memref_slice %arg5[%arg0, %mul3A_49, %dma_wait3A] : memref<2x10240x128xf32, #tpu.memory_space<hbm>> -> memref<1x640x128xf32, #tpu.memory_space<hbm>>
      %dma_wait3A_56 = tpu.memref_squeeze %dma_wait3A_55 : memref<1x640x128xf32, #tpu.memory_space<hbm>> -> memref<640x128xf32, #tpu.memory_space<hbm>>
      %dma_wait3A_57 = arith.constant 0 : i32
      %dma_wait3A_58 = tpu.memref_slice %arg13[%mul3A_47, %dma_wait3A_57] : memref<10240x128xf32, #tpu.memory_space<vmem_shared>> -> memref<640x128xf32, #tpu.memory_space<vmem_shared>>
      tpu.wait_dma2 semaphore(%run_scoped3A : memref<!tpu.dma_semaphore, #tpu.memory_space<semaphore_mem>>) src(%dma_wait3A_58 : memref<640x128xf32, #tpu.memory_space<vmem_shared>>) dst(%dma_wait3A_56 : memref<640x128xf32, #tpu.memory_space<hbm>>)
      tpu.yield
    }) : () -> ()
    return
  }
}

#map = affine_map<(d0, d1) -> (0, 0)>
#map1 = affine_map<(d0, d1) -> (0, 0, 0)>
module attributes {stable_mosaic.version = 14 : i64} {
  func.func @_sc_acc(%arg0: i32, %arg1: i32, %arg2: memref<327680x128xf32, #tpu.memory_space<hbm>>, %arg3: memref<32x80x128xi32, #tpu.memory_space<hbm>>, %arg4: memref<640x128xf32, #tpu.memory_space<hbm>>, %arg5: memref<2x10240x128xf32, #tpu.memory_space<hbm>>, %arg6: memref<40x128xi32, #tpu.memory_space<vmem>>, %arg7: memref<128x128xf32, #tpu.memory_space<vmem>>, %arg8: memref<128x128xf32, #tpu.memory_space<vmem>>, %arg9: memref<!tpu.dma_semaphore, #tpu.memory_space<semaphore_mem>>, %arg10: memref<!tpu.dma_semaphore, #tpu.memory_space<semaphore_mem>>, %arg11: memref<!tpu.dma_semaphore, #tpu.memory_space<semaphore_mem>>, %arg12: memref<!tpu.dma_semaphore, #tpu.memory_space<semaphore_mem>>, %arg13: memref<10240x128xf32, #tpu.memory_space<vmem_shared>>) attributes {dimension_semantics = [#tpu.dimension_semantics<core_parallel>, #tpu.dimension_semantics<subcore_parallel>], iteration_bounds = array<i64: 2, 16>, scalar_prefetch = 0 : i64, scratch_operands = 8 : i64, tpu.core_type = #tpu.core_type<sc_vector_subcore>, window_params = [{transform_indices = #map}, {transform_indices = #map1}, {transform_indices = #map}, {transform_indices = #map1}]} {
    %mul3A = arith.constant 16 : i32
    %mul3A_0 = arith.muli %arg0, %mul3A : i32
    %add3A = arith.addi %mul3A_0, %arg1 : i32
    %mul3A_1 = arith.constant 640 : i32
    %mul3A_2 = arith.muli %arg1, %mul3A_1 : i32
    "tpu.region"() ({
      %run_scoped3A = tpu.sem_alloc : memref<!tpu.dma_semaphore, #tpu.memory_space<semaphore_mem>>
      %dma_start3A_50 = arith.constant 0 : i32
      %dma_start3A_51 = tpu.memref_slice %arg13[%mul3A_2, %dma_start3A_50] : memref<10240x128xf32, #tpu.memory_space<vmem_shared>> -> memref<640x128xf32, #tpu.memory_space<vmem_shared>>
      tpu.enqueue_dma source(%arg4 : memref<640x128xf32, #tpu.memory_space<hbm>>) target(%dma_start3A_51 : memref<640x128xf32, #tpu.memory_space<vmem_shared>>) target_semaphore(%run_scoped3A : memref<!tpu.dma_semaphore, #tpu.memory_space<semaphore_mem>>)
      %dma_wait3A = arith.constant 0 : i32
      %dma_wait3A_52 = tpu.memref_slice %arg13[%mul3A_2, %dma_wait3A] : memref<10240x128xf32, #tpu.memory_space<vmem_shared>> -> memref<640x128xf32, #tpu.memory_space<vmem_shared>>
      tpu.wait_dma2 semaphore(%run_scoped3A : memref<!tpu.dma_semaphore, #tpu.memory_space<semaphore_mem>>) src(%arg4 : memref<640x128xf32, #tpu.memory_space<hbm>>) dst(%dma_wait3A_52 : memref<640x128xf32, #tpu.memory_space<vmem_shared>>)
      tpu.yield
    }) : () -> ()
    %barrier3A = arith.constant 0 : index
    tpu.barrier barrier_id(%barrier3A)
    "tpu.region"() ({
      %run_scoped3A = tpu.sem_alloc : memref<!tpu.dma_semaphore, #tpu.memory_space<semaphore_mem>>
      %dma_start3A_50 = arith.constant 0 : i32
      %dma_start3A_51 = arith.constant 0 : i32
      %dma_start3A_52 = tpu.memref_slice %arg3[%add3A, %dma_start3A_50, %dma_start3A_51] : memref<32x80x128xi32, #tpu.memory_space<hbm>> -> memref<1x40x128xi32, #tpu.memory_space<hbm>>
      %dma_start3A_53 = tpu.memref_squeeze %dma_start3A_52 : memref<1x40x128xi32, #tpu.memory_space<hbm>> -> memref<40x128xi32, #tpu.memory_space<hbm>>
      %dma_start3A_54 = arith.constant 0 : i32
      %dma_start3A_55 = arith.constant 0 : i32
      %dma_start3A_56 = tpu.memref_slice %arg3[%add3A, %dma_start3A_54, %dma_start3A_55] : memref<32x80x128xi32, #tpu.memory_space<hbm>> -> memref<1x40x128xi32, #tpu.memory_space<hbm>>
      %dma_start3A_57 = tpu.memref_squeeze %dma_start3A_56 : memref<1x40x128xi32, #tpu.memory_space<hbm>> -> memref<40x128xi32, #tpu.memory_space<hbm>>
      tpu.enqueue_dma source(%dma_start3A_57 : memref<40x128xi32, #tpu.memory_space<hbm>>) target(%arg6 : memref<40x128xi32, #tpu.memory_space<vmem>>) target_semaphore(%run_scoped3A : memref<!tpu.dma_semaphore, #tpu.memory_space<semaphore_mem>>)
      %dma_wait3A = arith.constant 0 : i32
      %dma_wait3A_58 = arith.constant 0 : i32
      %dma_wait3A_59 = tpu.memref_slice %arg3[%add3A, %dma_wait3A, %dma_wait3A_58] : memref<32x80x128xi32, #tpu.memory_space<hbm>> -> memref<1x40x128xi32, #tpu.memory_space<hbm>>
      %dma_wait3A_60 = tpu.memref_squeeze %dma_wait3A_59 : memref<1x40x128xi32, #tpu.memory_space<hbm>> -> memref<40x128xi32, #tpu.memory_space<hbm>>
      %dma_wait3A_61 = arith.constant 0 : i32
      %dma_wait3A_62 = arith.constant 0 : i32
      %dma_wait3A_63 = tpu.memref_slice %arg3[%add3A, %dma_wait3A_61, %dma_wait3A_62] : memref<32x80x128xi32, #tpu.memory_space<hbm>> -> memref<1x40x128xi32, #tpu.memory_space<hbm>>
      %dma_wait3A_64 = tpu.memref_squeeze %dma_wait3A_63 : memref<1x40x128xi32, #tpu.memory_space<hbm>> -> memref<40x128xi32, #tpu.memory_space<hbm>>
      tpu.wait_dma2 semaphore(%run_scoped3A : memref<!tpu.dma_semaphore, #tpu.memory_space<semaphore_mem>>) src(%dma_wait3A_64 : memref<40x128xi32, #tpu.memory_space<hbm>>) dst(%arg6 : memref<40x128xi32, #tpu.memory_space<vmem>>)
      tpu.yield
    }) : () -> ()
    %mul3A_3 = arith.constant 10240 : i32
    %mul3A_4 = arith.muli %add3A, %mul3A_3 : i32
    %add3A_5 = arith.constant 0 : i32
    %add3A_6 = arith.addi %mul3A_4, %add3A_5 : i32
    %dma_start3A = arith.constant 0 : i32
    %dma_start3A_7 = tpu.memref_slice %arg2[%add3A_6, %dma_start3A] : memref<327680x128xf32, #tpu.memory_space<hbm>> -> memref<128x128xf32, #tpu.memory_space<hbm>>
    %dma_start3A_8 = arith.constant 0 : i32
    %dma_start3A_9 = tpu.memref_slice %arg2[%add3A_6, %dma_start3A_8] : memref<327680x128xf32, #tpu.memory_space<hbm>> -> memref<128x128xf32, #tpu.memory_space<hbm>>
    tpu.enqueue_dma source(%dma_start3A_9 : memref<128x128xf32, #tpu.memory_space<hbm>>) target(%arg7 : memref<128x128xf32, #tpu.memory_space<vmem>>) target_semaphore(%arg9 : memref<!tpu.dma_semaphore, #tpu.memory_space<semaphore_mem>>)
    %mul3A_10 = arith.constant 10240 : i32
    %mul3A_11 = arith.muli %add3A, %mul3A_10 : i32
    %add3A_12 = arith.constant 128 : i32
    %add3A_13 = arith.addi %mul3A_11, %add3A_12 : i32
    %dma_start3A_14 = arith.constant 0 : i32
    %dma_start3A_15 = tpu.memref_slice %arg2[%add3A_13, %dma_start3A_14] : memref<327680x128xf32, #tpu.memory_space<hbm>> -> memref<128x128xf32, #tpu.memory_space<hbm>>
    %dma_start3A_16 = arith.constant 0 : i32
    %dma_start3A_17 = tpu.memref_slice %arg2[%add3A_13, %dma_start3A_16] : memref<327680x128xf32, #tpu.memory_space<hbm>> -> memref<128x128xf32, #tpu.memory_space<hbm>>
    tpu.enqueue_dma source(%dma_start3A_17 : memref<128x128xf32, #tpu.memory_space<hbm>>) target(%arg8 : memref<128x128xf32, #tpu.memory_space<vmem>>) target_semaphore(%arg10 : memref<!tpu.dma_semaphore, #tpu.memory_space<semaphore_mem>>)
    %scan3A = arith.constant 0 : i32
    %scan3A_18 = arith.constant 0 : i32
    %scan3A_19 = arith.constant 20 : i32
    %scan3A_20 = arith.addi %scan3A_18, %scan3A_19 : i32
    %scan3A_21 = arith.constant 1 : i32
    scf.for %scan3A_50 = %scan3A_18 to %scan3A_20 step %scan3A_21  : i32 {
      %mul3A_51 = arith.constant 2 : i32
      %mul3A_52 = arith.muli %scan3A_50, %mul3A_51 : i32
      %dma_wait3A = arith.constant 0 : i32
      %dma_wait3A_53 = arith.constant 0 : i32
      %dma_wait3A_54 = tpu.memref_slice %arg2[%dma_wait3A, %dma_wait3A_53] : memref<327680x128xf32, #tpu.memory_space<hbm>> -> memref<128x128xf32, #tpu.memory_space<hbm>>
      %dma_wait3A_55 = arith.constant 0 : i32
      %dma_wait3A_56 = arith.constant 0 : i32
      %dma_wait3A_57 = tpu.memref_slice %arg2[%dma_wait3A_55, %dma_wait3A_56] : memref<327680x128xf32, #tpu.memory_space<hbm>> -> memref<128x128xf32, #tpu.memory_space<hbm>>
      tpu.wait_dma2 semaphore(%arg9 : memref<!tpu.dma_semaphore, #tpu.memory_space<semaphore_mem>>) src(%dma_wait3A_57 : memref<128x128xf32, #tpu.memory_space<hbm>>) dst(%arg7 : memref<128x128xf32, #tpu.memory_space<vmem>>)
      %add3A_58 = arith.constant 0 : i32
      %add3A_59 = arith.addi %mul3A_52, %add3A_58 : i32
      %dma_start3A_60 = arith.constant 0 : i32
      %dma_start3A_61 = tpu.memref_slice %arg6[%add3A_59, %dma_start3A_60] : memref<40x128xi32, #tpu.memory_space<vmem>> -> memref<1x128xi32, #tpu.memory_space<vmem>>
      %dma_start3A_62 = tpu.memref_squeeze %dma_start3A_61 : memref<1x128xi32, #tpu.memory_space<vmem>> -> memref<128xi32, #tpu.memory_space<vmem>>
      %dma_start3A_63 = arith.constant 0 : i32
      %dma_start3A_64 = arith.constant 0 : i32
      %dma_start3A_65 = tpu.memref_slice %arg13[%dma_start3A_63, %dma_start3A_64] : memref<10240x128xf32, #tpu.memory_space<vmem_shared>> -> memref<10240x128xf32, #tpu.memory_space<vmem_shared>>
      tpu.enqueue_indirect_dma source(%arg7 : memref<128x128xf32, #tpu.memory_space<vmem>>) target(%dma_start3A_65 : memref<10240x128xf32, #tpu.memory_space<vmem_shared>>) offsets(%dma_start3A_62 : memref<128xi32, #tpu.memory_space<vmem>>) semaphore(%arg11 : memref<!tpu.dma_semaphore, #tpu.memory_space<semaphore_mem>>) {add = true}
      %dma_wait3A_66 = arith.constant 0 : i32
      %dma_wait3A_67 = arith.constant 0 : i32
      %dma_wait3A_68 = tpu.memref_slice %arg2[%dma_wait3A_66, %dma_wait3A_67] : memref<327680x128xf32, #tpu.memory_space<hbm>> -> memref<128x128xf32, #tpu.memory_space<hbm>>
      %dma_wait3A_69 = arith.constant 0 : i32
      %dma_wait3A_70 = arith.constant 0 : i32
      %dma_wait3A_71 = tpu.memref_slice %arg2[%dma_wait3A_69, %dma_wait3A_70] : memref<327680x128xf32, #tpu.memory_space<hbm>> -> memref<128x128xf32, #tpu.memory_space<hbm>>
      tpu.wait_dma2 semaphore(%arg10 : memref<!tpu.dma_semaphore, #tpu.memory_space<semaphore_mem>>) src(%dma_wait3A_71 : memref<128x128xf32, #tpu.memory_space<hbm>>) dst(%arg8 : memref<128x128xf32, #tpu.memory_space<vmem>>)
      %add3A_72 = arith.constant 1 : i32
      %add3A_73 = arith.addi %mul3A_52, %add3A_72 : i32
      %dma_start3A_74 = arith.constant 0 : i32
      %dma_start3A_75 = tpu.memref_slice %arg6[%add3A_73, %dma_start3A_74] : memref<40x128xi32, #tpu.memory_space<vmem>> -> memref<1x128xi32, #tpu.memory_space<vmem>>
      %dma_start3A_76 = tpu.memref_squeeze %dma_start3A_75 : memref<1x128xi32, #tpu.memory_space<vmem>> -> memref<128xi32, #tpu.memory_space<vmem>>
      %dma_start3A_77 = arith.constant 0 : i32
      %dma_start3A_78 = arith.constant 0 : i32
      %dma_start3A_79 = tpu.memref_slice %arg13[%dma_start3A_77, %dma_start3A_78] : memref<10240x128xf32, #tpu.memory_space<vmem_shared>> -> memref<10240x128xf32, #tpu.memory_space<vmem_shared>>
      tpu.enqueue_indirect_dma source(%arg8 : memref<128x128xf32, #tpu.memory_space<vmem>>) target(%dma_start3A_79 : memref<10240x128xf32, #tpu.memory_space<vmem_shared>>) offsets(%dma_start3A_76 : memref<128xi32, #tpu.memory_space<vmem>>) semaphore(%arg12 : memref<!tpu.dma_semaphore, #tpu.memory_space<semaphore_mem>>) {add = true}
      %dma_wait3A_80 = arith.constant 0 : i32
      %dma_wait3A_81 = arith.constant 0 : i32
      %dma_wait3A_82 = tpu.memref_slice %arg6[%dma_wait3A_80, %dma_wait3A_81] : memref<40x128xi32, #tpu.memory_space<vmem>> -> memref<1x128xi32, #tpu.memory_space<vmem>>
      %dma_wait3A_83 = tpu.memref_squeeze %dma_wait3A_82 : memref<1x128xi32, #tpu.memory_space<vmem>> -> memref<128xi32, #tpu.memory_space<vmem>>
      %dma_wait3A_84 = arith.constant 0 : i32
      %dma_wait3A_85 = arith.constant 0 : i32
      %dma_wait3A_86 = tpu.memref_slice %arg13[%dma_wait3A_84, %dma_wait3A_85] : memref<10240x128xf32, #tpu.memory_space<vmem_shared>> -> memref<10240x128xf32, #tpu.memory_space<vmem_shared>>
      tpu.wait_indirect_dma semaphore(%arg11 : memref<!tpu.dma_semaphore, #tpu.memory_space<semaphore_mem>>) src(%arg7 : memref<128x128xf32, #tpu.memory_space<vmem>>) dst(%dma_wait3A_86 : memref<10240x128xf32, #tpu.memory_space<vmem_shared>>)
      %add3A_87 = arith.constant 1 : i32
      %add3A_88 = arith.addi %scan3A_50, %add3A_87 : i32
      %lt3A = arith.constant 20 : i32
      %lt3A_89 = arith.cmpi slt, %add3A_88, %lt3A : i32
      %convert_element_type3A = arith.extui %lt3A_89 : i1 to i32
      %cond3A = arith.constant 0 : i32
      %cond3A_90 = arith.cmpi ne, %convert_element_type3A, %cond3A : i32
      scf.if %cond3A_90 {
        %add3A_105 = arith.constant 2 : i32
        %add3A_106 = arith.addi %mul3A_52, %add3A_105 : i32
        %add3A_107 = arith.constant 0 : i32
        %add3A_108 = arith.addi %add3A_106, %add3A_107 : i32
        %mul3A_109 = arith.constant 10240 : i32
        %mul3A_110 = arith.muli %add3A, %mul3A_109 : i32
        %add3A_111 = arith.constant 0 : i32
        %add3A_112 = arith.addi %add3A_111, %add3A_108 : i32
        %mul3A_113 = arith.constant 128 : i32
        %mul3A_114 = arith.muli %add3A_112, %mul3A_113 : i32
        %add3A_115 = arith.addi %mul3A_110, %mul3A_114 : i32
        %dma_start3A_116 = arith.constant 0 : i32
        %dma_start3A_117 = tpu.memref_slice %arg2[%add3A_115, %dma_start3A_116] : memref<327680x128xf32, #tpu.memory_space<hbm>> -> memref<128x128xf32, #tpu.memory_space<hbm>>
        %dma_start3A_118 = arith.constant 0 : i32
        %dma_start3A_119 = tpu.memref_slice %arg2[%add3A_115, %dma_start3A_118] : memref<327680x128xf32, #tpu.memory_space<hbm>> -> memref<128x128xf32, #tpu.memory_space<hbm>>
        tpu.enqueue_dma source(%dma_start3A_119 : memref<128x128xf32, #tpu.memory_space<hbm>>) target(%arg7 : memref<128x128xf32, #tpu.memory_space<vmem>>) target_semaphore(%arg9 : memref<!tpu.dma_semaphore, #tpu.memory_space<semaphore_mem>>)
      } else {
      }
      %dma_wait3A_91 = arith.constant 0 : i32
      %dma_wait3A_92 = arith.constant 0 : i32
      %dma_wait3A_93 = tpu.memref_slice %arg6[%dma_wait3A_91, %dma_wait3A_92] : memref<40x128xi32, #tpu.memory_space<vmem>> -> memref<1x128xi32, #tpu.memory_space<vmem>>
      %dma_wait3A_94 = tpu.memref_squeeze %dma_wait3A_93 : memref<1x128xi32, #tpu.memory_space<vmem>> -> memref<128xi32, #tpu.memory_space<vmem>>
      %dma_wait3A_95 = arith.constant 0 : i32
      %dma_wait3A_96 = arith.constant 0 : i32
      %dma_wait3A_97 = tpu.memref_slice %arg13[%dma_wait3A_95, %dma_wait3A_96] : memref<10240x128xf32, #tpu.memory_space<vmem_shared>> -> memref<10240x128xf32, #tpu.memory_space<vmem_shared>>
      tpu.wait_indirect_dma semaphore(%arg12 : memref<!tpu.dma_semaphore, #tpu.memory_space<semaphore_mem>>) src(%arg8 : memref<128x128xf32, #tpu.memory_space<vmem>>) dst(%dma_wait3A_97 : memref<10240x128xf32, #tpu.memory_space<vmem_shared>>)
      %add3A_98 = arith.constant 1 : i32
      %add3A_99 = arith.addi %scan3A_50, %add3A_98 : i32
      %lt3A_100 = arith.constant 20 : i32
      %lt3A_101 = arith.cmpi slt, %add3A_99, %lt3A_100 : i32
      %convert_element_type3A_102 = arith.extui %lt3A_101 : i1 to i32
      %cond3A_103 = arith.constant 0 : i32
      %cond3A_104 = arith.cmpi ne, %convert_element_type3A_102, %cond3A_103 : i32
      scf.if %cond3A_104 {
        %add3A_105 = arith.constant 2 : i32
        %add3A_106 = arith.addi %mul3A_52, %add3A_105 : i32
        %add3A_107 = arith.constant 1 : i32
        %add3A_108 = arith.addi %add3A_106, %add3A_107 : i32
        %mul3A_109 = arith.constant 10240 : i32
        %mul3A_110 = arith.muli %add3A, %mul3A_109 : i32
        %add3A_111 = arith.constant 0 : i32
        %add3A_112 = arith.addi %add3A_111, %add3A_108 : i32
        %mul3A_113 = arith.constant 128 : i32
        %mul3A_114 = arith.muli %add3A_112, %mul3A_113 : i32
        %add3A_115 = arith.addi %mul3A_110, %mul3A_114 : i32
        %dma_start3A_116 = arith.constant 0 : i32
        %dma_start3A_117 = tpu.memref_slice %arg2[%add3A_115, %dma_start3A_116] : memref<327680x128xf32, #tpu.memory_space<hbm>> -> memref<128x128xf32, #tpu.memory_space<hbm>>
        %dma_start3A_118 = arith.constant 0 : i32
        %dma_start3A_119 = tpu.memref_slice %arg2[%add3A_115, %dma_start3A_118] : memref<327680x128xf32, #tpu.memory_space<hbm>> -> memref<128x128xf32, #tpu.memory_space<hbm>>
        tpu.enqueue_dma source(%dma_start3A_119 : memref<128x128xf32, #tpu.memory_space<hbm>>) target(%arg8 : memref<128x128xf32, #tpu.memory_space<vmem>>) target_semaphore(%arg10 : memref<!tpu.dma_semaphore, #tpu.memory_space<semaphore_mem>>)
      } else {
      }
    }
    %scan3A_22 = arith.constant 20 : i32
    "tpu.region"() ({
      %run_scoped3A = tpu.sem_alloc : memref<!tpu.dma_semaphore, #tpu.memory_space<semaphore_mem>>
      %dma_start3A_50 = arith.constant 40 : i32
      %dma_start3A_51 = arith.constant 0 : i32
      %dma_start3A_52 = tpu.memref_slice %arg3[%add3A, %dma_start3A_50, %dma_start3A_51] : memref<32x80x128xi32, #tpu.memory_space<hbm>> -> memref<1x40x128xi32, #tpu.memory_space<hbm>>
      %dma_start3A_53 = tpu.memref_squeeze %dma_start3A_52 : memref<1x40x128xi32, #tpu.memory_space<hbm>> -> memref<40x128xi32, #tpu.memory_space<hbm>>
      %dma_start3A_54 = arith.constant 40 : i32
      %dma_start3A_55 = arith.constant 0 : i32
      %dma_start3A_56 = tpu.memref_slice %arg3[%add3A, %dma_start3A_54, %dma_start3A_55] : memref<32x80x128xi32, #tpu.memory_space<hbm>> -> memref<1x40x128xi32, #tpu.memory_space<hbm>>
      %dma_start3A_57 = tpu.memref_squeeze %dma_start3A_56 : memref<1x40x128xi32, #tpu.memory_space<hbm>> -> memref<40x128xi32, #tpu.memory_space<hbm>>
      tpu.enqueue_dma source(%dma_start3A_57 : memref<40x128xi32, #tpu.memory_space<hbm>>) target(%arg6 : memref<40x128xi32, #tpu.memory_space<vmem>>) target_semaphore(%run_scoped3A : memref<!tpu.dma_semaphore, #tpu.memory_space<semaphore_mem>>)
      %dma_wait3A = arith.constant 40 : i32
      %dma_wait3A_58 = arith.constant 0 : i32
      %dma_wait3A_59 = tpu.memref_slice %arg3[%add3A, %dma_wait3A, %dma_wait3A_58] : memref<32x80x128xi32, #tpu.memory_space<hbm>> -> memref<1x40x128xi32, #tpu.memory_space<hbm>>
      %dma_wait3A_60 = tpu.memref_squeeze %dma_wait3A_59 : memref<1x40x128xi32, #tpu.memory_space<hbm>> -> memref<40x128xi32, #tpu.memory_space<hbm>>
      %dma_wait3A_61 = arith.constant 40 : i32
      %dma_wait3A_62 = arith.constant 0 : i32
      %dma_wait3A_63 = tpu.memref_slice %arg3[%add3A, %dma_wait3A_61, %dma_wait3A_62] : memref<32x80x128xi32, #tpu.memory_space<hbm>> -> memref<1x40x128xi32, #tpu.memory_space<hbm>>
      %dma_wait3A_64 = tpu.memref_squeeze %dma_wait3A_63 : memref<1x40x128xi32, #tpu.memory_space<hbm>> -> memref<40x128xi32, #tpu.memory_space<hbm>>
      tpu.wait_dma2 semaphore(%run_scoped3A : memref<!tpu.dma_semaphore, #tpu.memory_space<semaphore_mem>>) src(%dma_wait3A_64 : memref<40x128xi32, #tpu.memory_space<hbm>>) dst(%arg6 : memref<40x128xi32, #tpu.memory_space<vmem>>)
      tpu.yield
    }) : () -> ()
    %mul3A_23 = arith.constant 10240 : i32
    %mul3A_24 = arith.muli %add3A, %mul3A_23 : i32
    %add3A_25 = arith.constant 5120 : i32
    %add3A_26 = arith.addi %mul3A_24, %add3A_25 : i32
    %dma_start3A_27 = arith.constant 0 : i32
    %dma_start3A_28 = tpu.memref_slice %arg2[%add3A_26, %dma_start3A_27] : memref<327680x128xf32, #tpu.memory_space<hbm>> -> memref<128x128xf32, #tpu.memory_space<hbm>>
    %dma_start3A_29 = arith.constant 0 : i32
    %dma_start3A_30 = tpu.memref_slice %arg2[%add3A_26, %dma_start3A_29] : memref<327680x128xf32, #tpu.memory_space<hbm>> -> memref<128x128xf32, #tpu.memory_space<hbm>>
    tpu.enqueue_dma source(%dma_start3A_30 : memref<128x128xf32, #tpu.memory_space<hbm>>) target(%arg7 : memref<128x128xf32, #tpu.memory_space<vmem>>) target_semaphore(%arg9 : memref<!tpu.dma_semaphore, #tpu.memory_space<semaphore_mem>>)
    %mul3A_31 = arith.constant 10240 : i32
    %mul3A_32 = arith.muli %add3A, %mul3A_31 : i32
    %add3A_33 = arith.constant 5248 : i32
    %add3A_34 = arith.addi %mul3A_32, %add3A_33 : i32
    %dma_start3A_35 = arith.constant 0 : i32
    %dma_start3A_36 = tpu.memref_slice %arg2[%add3A_34, %dma_start3A_35] : memref<327680x128xf32, #tpu.memory_space<hbm>> -> memref<128x128xf32, #tpu.memory_space<hbm>>
    %dma_start3A_37 = arith.constant 0 : i32
    %dma_start3A_38 = tpu.memref_slice %arg2[%add3A_34, %dma_start3A_37] : memref<327680x128xf32, #tpu.memory_space<hbm>> -> memref<128x128xf32, #tpu.memory_space<hbm>>
    tpu.enqueue_dma source(%dma_start3A_38 : memref<128x128xf32, #tpu.memory_space<hbm>>) target(%arg8 : memref<128x128xf32, #tpu.memory_space<vmem>>) target_semaphore(%arg10 : memref<!tpu.dma_semaphore, #tpu.memory_space<semaphore_mem>>)
    %scan3A_39 = arith.constant 0 : i32
    %scan3A_40 = arith.constant 0 : i32
    %scan3A_41 = arith.constant 20 : i32
    %scan3A_42 = arith.addi %scan3A_40, %scan3A_41 : i32
    %scan3A_43 = arith.constant 1 : i32
    scf.for %scan3A_50 = %scan3A_40 to %scan3A_42 step %scan3A_43  : i32 {
      %mul3A_51 = arith.constant 2 : i32
      %mul3A_52 = arith.muli %scan3A_50, %mul3A_51 : i32
      %dma_wait3A = arith.constant 0 : i32
      %dma_wait3A_53 = arith.constant 0 : i32
      %dma_wait3A_54 = tpu.memref_slice %arg2[%dma_wait3A, %dma_wait3A_53] : memref<327680x128xf32, #tpu.memory_space<hbm>> -> memref<128x128xf32, #tpu.memory_space<hbm>>
      %dma_wait3A_55 = arith.constant 0 : i32
      %dma_wait3A_56 = arith.constant 0 : i32
      %dma_wait3A_57 = tpu.memref_slice %arg2[%dma_wait3A_55, %dma_wait3A_56] : memref<327680x128xf32, #tpu.memory_space<hbm>> -> memref<128x128xf32, #tpu.memory_space<hbm>>
      tpu.wait_dma2 semaphore(%arg9 : memref<!tpu.dma_semaphore, #tpu.memory_space<semaphore_mem>>) src(%dma_wait3A_57 : memref<128x128xf32, #tpu.memory_space<hbm>>) dst(%arg7 : memref<128x128xf32, #tpu.memory_space<vmem>>)
      %add3A_58 = arith.constant 0 : i32
      %add3A_59 = arith.addi %mul3A_52, %add3A_58 : i32
      %dma_start3A_60 = arith.constant 0 : i32
      %dma_start3A_61 = tpu.memref_slice %arg6[%add3A_59, %dma_start3A_60] : memref<40x128xi32, #tpu.memory_space<vmem>> -> memref<1x128xi32, #tpu.memory_space<vmem>>
      %dma_start3A_62 = tpu.memref_squeeze %dma_start3A_61 : memref<1x128xi32, #tpu.memory_space<vmem>> -> memref<128xi32, #tpu.memory_space<vmem>>
      %dma_start3A_63 = arith.constant 0 : i32
      %dma_start3A_64 = arith.constant 0 : i32
      %dma_start3A_65 = tpu.memref_slice %arg13[%dma_start3A_63, %dma_start3A_64] : memref<10240x128xf32, #tpu.memory_space<vmem_shared>> -> memref<10240x128xf32, #tpu.memory_space<vmem_shared>>
      tpu.enqueue_indirect_dma source(%arg7 : memref<128x128xf32, #tpu.memory_space<vmem>>) target(%dma_start3A_65 : memref<10240x128xf32, #tpu.memory_space<vmem_shared>>) offsets(%dma_start3A_62 : memref<128xi32, #tpu.memory_space<vmem>>) semaphore(%arg11 : memref<!tpu.dma_semaphore, #tpu.memory_space<semaphore_mem>>) {add = true}
      %dma_wait3A_66 = arith.constant 0 : i32
      %dma_wait3A_67 = arith.constant 0 : i32
      %dma_wait3A_68 = tpu.memref_slice %arg2[%dma_wait3A_66, %dma_wait3A_67] : memref<327680x128xf32, #tpu.memory_space<hbm>> -> memref<128x128xf32, #tpu.memory_space<hbm>>
      %dma_wait3A_69 = arith.constant 0 : i32
      %dma_wait3A_70 = arith.constant 0 : i32
      %dma_wait3A_71 = tpu.memref_slice %arg2[%dma_wait3A_69, %dma_wait3A_70] : memref<327680x128xf32, #tpu.memory_space<hbm>> -> memref<128x128xf32, #tpu.memory_space<hbm>>
      tpu.wait_dma2 semaphore(%arg10 : memref<!tpu.dma_semaphore, #tpu.memory_space<semaphore_mem>>) src(%dma_wait3A_71 : memref<128x128xf32, #tpu.memory_space<hbm>>) dst(%arg8 : memref<128x128xf32, #tpu.memory_space<vmem>>)
      %add3A_72 = arith.constant 1 : i32
      %add3A_73 = arith.addi %mul3A_52, %add3A_72 : i32
      %dma_start3A_74 = arith.constant 0 : i32
      %dma_start3A_75 = tpu.memref_slice %arg6[%add3A_73, %dma_start3A_74] : memref<40x128xi32, #tpu.memory_space<vmem>> -> memref<1x128xi32, #tpu.memory_space<vmem>>
      %dma_start3A_76 = tpu.memref_squeeze %dma_start3A_75 : memref<1x128xi32, #tpu.memory_space<vmem>> -> memref<128xi32, #tpu.memory_space<vmem>>
      %dma_start3A_77 = arith.constant 0 : i32
      %dma_start3A_78 = arith.constant 0 : i32
      %dma_start3A_79 = tpu.memref_slice %arg13[%dma_start3A_77, %dma_start3A_78] : memref<10240x128xf32, #tpu.memory_space<vmem_shared>> -> memref<10240x128xf32, #tpu.memory_space<vmem_shared>>
      tpu.enqueue_indirect_dma source(%arg8 : memref<128x128xf32, #tpu.memory_space<vmem>>) target(%dma_start3A_79 : memref<10240x128xf32, #tpu.memory_space<vmem_shared>>) offsets(%dma_start3A_76 : memref<128xi32, #tpu.memory_space<vmem>>) semaphore(%arg12 : memref<!tpu.dma_semaphore, #tpu.memory_space<semaphore_mem>>) {add = true}
      %dma_wait3A_80 = arith.constant 0 : i32
      %dma_wait3A_81 = arith.constant 0 : i32
      %dma_wait3A_82 = tpu.memref_slice %arg6[%dma_wait3A_80, %dma_wait3A_81] : memref<40x128xi32, #tpu.memory_space<vmem>> -> memref<1x128xi32, #tpu.memory_space<vmem>>
      %dma_wait3A_83 = tpu.memref_squeeze %dma_wait3A_82 : memref<1x128xi32, #tpu.memory_space<vmem>> -> memref<128xi32, #tpu.memory_space<vmem>>
      %dma_wait3A_84 = arith.constant 0 : i32
      %dma_wait3A_85 = arith.constant 0 : i32
      %dma_wait3A_86 = tpu.memref_slice %arg13[%dma_wait3A_84, %dma_wait3A_85] : memref<10240x128xf32, #tpu.memory_space<vmem_shared>> -> memref<10240x128xf32, #tpu.memory_space<vmem_shared>>
      tpu.wait_indirect_dma semaphore(%arg11 : memref<!tpu.dma_semaphore, #tpu.memory_space<semaphore_mem>>) src(%arg7 : memref<128x128xf32, #tpu.memory_space<vmem>>) dst(%dma_wait3A_86 : memref<10240x128xf32, #tpu.memory_space<vmem_shared>>)
      %add3A_87 = arith.constant 1 : i32
      %add3A_88 = arith.addi %scan3A_50, %add3A_87 : i32
      %lt3A = arith.constant 20 : i32
      %lt3A_89 = arith.cmpi slt, %add3A_88, %lt3A : i32
      %convert_element_type3A = arith.extui %lt3A_89 : i1 to i32
      %cond3A = arith.constant 0 : i32
      %cond3A_90 = arith.cmpi ne, %convert_element_type3A, %cond3A : i32
      scf.if %cond3A_90 {
        %add3A_105 = arith.constant 2 : i32
        %add3A_106 = arith.addi %mul3A_52, %add3A_105 : i32
        %add3A_107 = arith.constant 0 : i32
        %add3A_108 = arith.addi %add3A_106, %add3A_107 : i32
        %mul3A_109 = arith.constant 10240 : i32
        %mul3A_110 = arith.muli %add3A, %mul3A_109 : i32
        %add3A_111 = arith.constant 40 : i32
        %add3A_112 = arith.addi %add3A_111, %add3A_108 : i32
        %mul3A_113 = arith.constant 128 : i32
        %mul3A_114 = arith.muli %add3A_112, %mul3A_113 : i32
        %add3A_115 = arith.addi %mul3A_110, %mul3A_114 : i32
        %dma_start3A_116 = arith.constant 0 : i32
        %dma_start3A_117 = tpu.memref_slice %arg2[%add3A_115, %dma_start3A_116] : memref<327680x128xf32, #tpu.memory_space<hbm>> -> memref<128x128xf32, #tpu.memory_space<hbm>>
        %dma_start3A_118 = arith.constant 0 : i32
        %dma_start3A_119 = tpu.memref_slice %arg2[%add3A_115, %dma_start3A_118] : memref<327680x128xf32, #tpu.memory_space<hbm>> -> memref<128x128xf32, #tpu.memory_space<hbm>>
        tpu.enqueue_dma source(%dma_start3A_119 : memref<128x128xf32, #tpu.memory_space<hbm>>) target(%arg7 : memref<128x128xf32, #tpu.memory_space<vmem>>) target_semaphore(%arg9 : memref<!tpu.dma_semaphore, #tpu.memory_space<semaphore_mem>>)
      } else {
      }
      %dma_wait3A_91 = arith.constant 0 : i32
      %dma_wait3A_92 = arith.constant 0 : i32
      %dma_wait3A_93 = tpu.memref_slice %arg6[%dma_wait3A_91, %dma_wait3A_92] : memref<40x128xi32, #tpu.memory_space<vmem>> -> memref<1x128xi32, #tpu.memory_space<vmem>>
      %dma_wait3A_94 = tpu.memref_squeeze %dma_wait3A_93 : memref<1x128xi32, #tpu.memory_space<vmem>> -> memref<128xi32, #tpu.memory_space<vmem>>
      %dma_wait3A_95 = arith.constant 0 : i32
      %dma_wait3A_96 = arith.constant 0 : i32
      %dma_wait3A_97 = tpu.memref_slice %arg13[%dma_wait3A_95, %dma_wait3A_96] : memref<10240x128xf32, #tpu.memory_space<vmem_shared>> -> memref<10240x128xf32, #tpu.memory_space<vmem_shared>>
      tpu.wait_indirect_dma semaphore(%arg12 : memref<!tpu.dma_semaphore, #tpu.memory_space<semaphore_mem>>) src(%arg8 : memref<128x128xf32, #tpu.memory_space<vmem>>) dst(%dma_wait3A_97 : memref<10240x128xf32, #tpu.memory_space<vmem_shared>>)
      %add3A_98 = arith.constant 1 : i32
      %add3A_99 = arith.addi %scan3A_50, %add3A_98 : i32
      %lt3A_100 = arith.constant 20 : i32
      %lt3A_101 = arith.cmpi slt, %add3A_99, %lt3A_100 : i32
      %convert_element_type3A_102 = arith.extui %lt3A_101 : i1 to i32
      %cond3A_103 = arith.constant 0 : i32
      %cond3A_104 = arith.cmpi ne, %convert_element_type3A_102, %cond3A_103 : i32
      scf.if %cond3A_104 {
        %add3A_105 = arith.constant 2 : i32
        %add3A_106 = arith.addi %mul3A_52, %add3A_105 : i32
        %add3A_107 = arith.constant 1 : i32
        %add3A_108 = arith.addi %add3A_106, %add3A_107 : i32
        %mul3A_109 = arith.constant 10240 : i32
        %mul3A_110 = arith.muli %add3A, %mul3A_109 : i32
        %add3A_111 = arith.constant 40 : i32
        %add3A_112 = arith.addi %add3A_111, %add3A_108 : i32
        %mul3A_113 = arith.constant 128 : i32
        %mul3A_114 = arith.muli %add3A_112, %mul3A_113 : i32
        %add3A_115 = arith.addi %mul3A_110, %mul3A_114 : i32
        %dma_start3A_116 = arith.constant 0 : i32
        %dma_start3A_117 = tpu.memref_slice %arg2[%add3A_115, %dma_start3A_116] : memref<327680x128xf32, #tpu.memory_space<hbm>> -> memref<128x128xf32, #tpu.memory_space<hbm>>
        %dma_start3A_118 = arith.constant 0 : i32
        %dma_start3A_119 = tpu.memref_slice %arg2[%add3A_115, %dma_start3A_118] : memref<327680x128xf32, #tpu.memory_space<hbm>> -> memref<128x128xf32, #tpu.memory_space<hbm>>
        tpu.enqueue_dma source(%dma_start3A_119 : memref<128x128xf32, #tpu.memory_space<hbm>>) target(%arg8 : memref<128x128xf32, #tpu.memory_space<vmem>>) target_semaphore(%arg10 : memref<!tpu.dma_semaphore, #tpu.memory_space<semaphore_mem>>)
      } else {
      }
    }
    %scan3A_44 = arith.constant 20 : i32
    %barrier3A_45 = arith.constant 0 : index
    tpu.barrier barrier_id(%barrier3A_45)
    %mul3A_46 = arith.constant 640 : i32
    %mul3A_47 = arith.muli %arg1, %mul3A_46 : i32
    %mul3A_48 = arith.constant 640 : i32
    %mul3A_49 = arith.muli %arg1, %mul3A_48 : i32
    "tpu.region"() ({
      %run_scoped3A = tpu.sem_alloc : memref<!tpu.dma_semaphore, #tpu.memory_space<semaphore_mem>>
      %dma_start3A_50 = arith.constant 0 : i32
      %dma_start3A_51 = tpu.memref_slice %arg5[%arg0, %mul3A_49, %dma_start3A_50] : memref<2x10240x128xf32, #tpu.memory_space<hbm>> -> memref<1x640x128xf32, #tpu.memory_space<hbm>>
      %dma_start3A_52 = tpu.memref_squeeze %dma_start3A_51 : memref<1x640x128xf32, #tpu.memory_space<hbm>> -> memref<640x128xf32, #tpu.memory_space<hbm>>
      %dma_start3A_53 = arith.constant 0 : i32
      %dma_start3A_54 = tpu.memref_slice %arg13[%mul3A_47, %dma_start3A_53] : memref<10240x128xf32, #tpu.memory_space<vmem_shared>> -> memref<640x128xf32, #tpu.memory_space<vmem_shared>>
      tpu.enqueue_dma source(%dma_start3A_54 : memref<640x128xf32, #tpu.memory_space<vmem_shared>>) target(%dma_start3A_52 : memref<640x128xf32, #tpu.memory_space<hbm>>) target_semaphore(%run_scoped3A : memref<!tpu.dma_semaphore, #tpu.memory_space<semaphore_mem>>)
      %dma_wait3A = arith.constant 0 : i32
      %dma_wait3A_55 = tpu.memref_slice %arg5[%arg0, %mul3A_49, %dma_wait3A] : memref<2x10240x128xf32, #tpu.memory_space<hbm>> -> memref<1x640x128xf32, #tpu.memory_space<hbm>>
      %dma_wait3A_56 = tpu.memref_squeeze %dma_wait3A_55 : memref<1x640x128xf32, #tpu.memory_space<hbm>> -> memref<640x128xf32, #tpu.memory_space<hbm>>
      %dma_wait3A_57 = arith.constant 0 : i32
      %dma_wait3A_58 = tpu.memref_slice %arg13[%mul3A_47, %dma_wait3A_57] : memref<10240x128xf32, #tpu.memory_space<vmem_shared>> -> memref<640x128xf32, #tpu.memory_space<vmem_shared>>
      tpu.wait_dma2 semaphore(%run_scoped3A : memref<!tpu.dma_semaphore, #tpu.memory_space<semaphore_mem>>) src(%dma_wait3A_58 : memref<640x128xf32, #tpu.memory_space<vmem_shared>>) dst(%dma_wait3A_56 : memref<640x128xf32, #tpu.memory_space<hbm>>)
      tpu.yield
    }) : () -> ()
    return
  }
}

module attributes {stable_mosaic.version = 14 : i64} {
  func.func @_tc1_body(%arg0: i32, %arg1: memref<2000x128xf32, #tpu.memory_space<vmem>>, %arg2: memref<128x128xf32, #tpu.memory_space<vmem>>, %arg3: memref<2000x2xf32, #tpu.memory_space<vmem>>, %arg4: memref<2000x128xf32, #tpu.memory_space<vmem>>) attributes {dimension_semantics = [#tpu.dimension_semantics<arbitrary>], iteration_bounds = array<i64: 5>, scalar_prefetch = 0 : i64, scratch_operands = 0 : i64, tpu.core_type = #tpu.core_type<tc>, window_params = [{transform_indices = @transform_0, window_bounds = array<i64: 2000, 128>}, {pipeline_mode = #tpu.pipeline_mode<synchronous>, transform_indices = @transform_1, window_bounds = array<i64: 128, 128>}, {transform_indices = @transform_2, window_bounds = array<i64: 2000, 2>}, {transform_indices = @transform_3, window_bounds = array<i64: 2000, 128>}]} {
    %get3A = arith.constant 0 : index
    %get3A_0 = arith.constant 0 : index
    %get3A_1 = vector.load %arg3[%get3A, %get3A_0] : memref<2000x2xf32, #tpu.memory_space<vmem>>, vector<2000x1xf32>
    %get3A_2 = vector.shape_cast %get3A_1 : vector<2000x1xf32> to vector<2000xf32>
    %get3A_3 = arith.constant 0 : index
    %get3A_4 = arith.constant 1 : index
    %get3A_5 = vector.load %arg3[%get3A_3, %get3A_4] : memref<2000x2xf32, #tpu.memory_space<vmem>>, vector<2000x1xf32>
    %get3A_6 = vector.shape_cast %get3A_5 : vector<2000x1xf32> to vector<2000xf32>
    %add3A = arith.addf %get3A_2, %get3A_6 : vector<2000xf32>
    %add3A_7 = arith.constant 1.000000e+00 : f32
    %add3A_8 = vector.broadcast %add3A_7 : f32 to vector<2000xf32>
    %add3A_9 = arith.addf %add3A, %add3A_8 : vector<2000xf32>
    %rsqrt3A = math.rsqrt %add3A_9 : vector<2000xf32>
    %get3A_10 = arith.constant 0 : index
    %get3A_11 = arith.constant 0 : index
    %get3A_12 = vector.load %arg1[%get3A_10, %get3A_11] : memref<2000x128xf32, #tpu.memory_space<vmem>>, vector<2000x128xf32>
    %get3A_13 = arith.constant 0 : index
    %get3A_14 = arith.constant 0 : index
    %get3A_15 = vector.load %arg2[%get3A_13, %get3A_14] : memref<128x128xf32, #tpu.memory_space<vmem>>, vector<128x128xf32>
    %dot_general3A = arith.constant dense<0.000000e+00> : vector<2000x128xf32>
    %dot_general3A_16 = tpu.matmul %get3A_12, %get3A_15, %dot_general3A {dimension_numbers = #tpu.dot_dimension_numbers<[1], [0], [0], [1], [0, 0, 1, 1], [], []>, transpose_lhs_hint = false} : vector<2000x128xf32>, vector<128x128xf32>, vector<2000x128xf32> -> vector<2000x128xf32>
    %broadcast_in_dim3A = vector.shape_cast %rsqrt3A : vector<2000xf32> to vector<2000x1xf32>
    %mul3A = vector.broadcast %broadcast_in_dim3A : vector<2000x1xf32> to vector<2000x128xf32>
    %mul3A_17 = arith.mulf %dot_general3A_16, %mul3A : vector<2000x128xf32>
    %swap3A = arith.constant 0 : index
    %swap3A_18 = arith.constant 0 : index
    %swap3A_19 = vector.load %arg4[%swap3A, %swap3A_18] : memref<2000x128xf32, #tpu.memory_space<vmem>>, vector<2000x128xf32>
    tpu.vector_store %arg4[%swap3A, %swap3A_18], %mul3A_17 {strides = array<i32>} : memref<2000x128xf32, #tpu.memory_space<vmem>>, vector<2000x128xf32>,
    return
  }
  func.func @transform_0(%arg0: i32) -> (i32, i32) {
    %c0_i32 = arith.constant 0 : i32
    %c0_i32_0 = arith.constant 0 : i32
    return %arg0, %c0_i32 : i32, i32
  }
  func.func @transform_1(%arg0: i32) -> (i32, i32) {
    %c0_i32 = arith.constant 0 : i32
    %c0_i32_0 = arith.constant 0 : i32
    %c0_i32_1 = arith.constant 0 : i32
    return %c0_i32, %c0_i32_0 : i32, i32
  }
  func.func @transform_2(%arg0: i32) -> (i32, i32) {
    %c0_i32 = arith.constant 0 : i32
    %c0_i32_0 = arith.constant 0 : i32
    return %arg0, %c0_i32 : i32, i32
  }
  func.func @transform_3(%arg0: i32) -> (i32, i32) {
    %c0_i32 = arith.constant 0 : i32
    %c0_i32_0 = arith.constant 0 : i32
    return %arg0, %c0_i32 : i32, i32
  }
}

module attributes {stable_mosaic.version = 14 : i64} {
  func.func @_tc2_body(%arg0: i32, %arg1: memref<2x2000x128xf32, #tpu.memory_space<vmem>>, %arg2: memref<2000x128xf32, #tpu.memory_space<vmem>>, %arg3: memref<2000x2xf32, #tpu.memory_space<vmem>>, %arg4: memref<1x128xf32, #tpu.memory_space<vmem>>, %arg5: memref<1x128xf32, #tpu.memory_space<vmem>>, %arg6: memref<1x128xf32, #tpu.memory_space<vmem>>, %arg7: memref<128x128xf32, #tpu.memory_space<vmem>>, %arg8: memref<2000x128xf32, #tpu.memory_space<vmem>>) attributes {dimension_semantics = [#tpu.dimension_semantics<arbitrary>], iteration_bounds = array<i64: 5>, scalar_prefetch = 0 : i64, scratch_operands = 0 : i64, tpu.core_type = #tpu.core_type<tc>, window_params = [{transform_indices = @transform_0, window_bounds = array<i64: 2, 2000, 128>}, {transform_indices = @transform_1, window_bounds = array<i64: 2000, 128>}, {transform_indices = @transform_2, window_bounds = array<i64: 2000, 2>}, {pipeline_mode = #tpu.pipeline_mode<synchronous>, transform_indices = @transform_3, window_bounds = array<i64: 1, 128>}, {pipeline_mode = #tpu.pipeline_mode<synchronous>, transform_indices = @transform_4, window_bounds = array<i64: 1, 128>}, {pipeline_mode = #tpu.pipeline_mode<synchronous>, transform_indices = @transform_5, window_bounds = array<i64: 1, 128>}, {pipeline_mode = #tpu.pipeline_mode<synchronous>, transform_indices = @transform_6, window_bounds = array<i64: 128, 128>}, {transform_indices = @transform_7, window_bounds = array<i64: 2000, 128>}]} {
    %get3A = arith.constant 0 : index
    %get3A_0 = arith.constant 0 : index
    %get3A_1 = vector.load %arg3[%get3A, %get3A_0] : memref<2000x2xf32, #tpu.memory_space<vmem>>, vector<2000x1xf32>
    %get3A_2 = vector.shape_cast %get3A_1 : vector<2000x1xf32> to vector<2000xf32>
    %get3A_3 = arith.constant 0 : index
    %get3A_4 = arith.constant 1 : index
    %get3A_5 = vector.load %arg3[%get3A_3, %get3A_4] : memref<2000x2xf32, #tpu.memory_space<vmem>>, vector<2000x1xf32>
    %get3A_6 = vector.shape_cast %get3A_5 : vector<2000x1xf32> to vector<2000xf32>
    %add3A = arith.addf %get3A_2, %get3A_6 : vector<2000xf32>
    %add3A_7 = arith.constant 1.000000e+00 : f32
    %add3A_8 = vector.broadcast %add3A_7 : f32 to vector<2000xf32>
    %add3A_9 = arith.addf %add3A, %add3A_8 : vector<2000xf32>
    %rsqrt3A = math.rsqrt %add3A_9 : vector<2000xf32>
    %get3A_10 = arith.constant 0 : index
    %get3A_11 = arith.constant 0 : index
    %get3A_12 = arith.constant 0 : index
    %get3A_13 = vector.load %arg1[%get3A_10, %get3A_11, %get3A_12] : memref<2x2000x128xf32, #tpu.memory_space<vmem>>, vector<1x2000x128xf32>
    %get3A_14 = vector.shape_cast %get3A_13 : vector<1x2000x128xf32> to vector<2000x128xf32>
    %get3A_15 = arith.constant 1 : index
    %get3A_16 = arith.constant 0 : index
    %get3A_17 = arith.constant 0 : index
    %get3A_18 = vector.load %arg1[%get3A_15, %get3A_16, %get3A_17] : memref<2x2000x128xf32, #tpu.memory_space<vmem>>, vector<1x2000x128xf32>
    %get3A_19 = vector.shape_cast %get3A_18 : vector<1x2000x128xf32> to vector<2000x128xf32>
    %add3A_20 = arith.addf %get3A_14, %get3A_19 : vector<2000x128xf32>
    %get3A_21 = arith.constant 0 : index
    %get3A_22 = arith.constant 0 : index
    %get3A_23 = vector.load %arg2[%get3A_21, %get3A_22] : memref<2000x128xf32, #tpu.memory_space<vmem>>, vector<2000x128xf32>
    %add3A_24 = arith.addf %add3A_20, %get3A_23 : vector<2000x128xf32>
    %broadcast_in_dim3A = vector.shape_cast %rsqrt3A : vector<2000xf32> to vector<2000x1xf32>
    %mul3A = vector.broadcast %broadcast_in_dim3A : vector<2000x1xf32> to vector<2000x128xf32>
    %mul3A_25 = arith.mulf %add3A_24, %mul3A : vector<2000x128xf32>
    %get3A_26 = arith.constant 0 : index
    %get3A_27 = arith.constant 0 : index
    %get3A_28 = vector.load %arg4[%get3A_26, %get3A_27] : memref<1x128xf32, #tpu.memory_space<vmem>>, vector<1x128xf32>
    %add3A_29 = vector.broadcast %get3A_28 : vector<1x128xf32> to vector<2000x128xf32>
    %add3A_30 = arith.addf %mul3A_25, %add3A_29 : vector<2000x128xf32>
    %mul3A_31 = arith.constant 0.999994993 : f32
    %mul3A_32 = vector.broadcast %mul3A_31 : f32 to vector<2000x128xf32>
    %mul3A_33 = arith.mulf %add3A_30, %mul3A_32 : vector<2000x128xf32>
    %get3A_34 = arith.constant 0 : index
    %get3A_35 = arith.constant 0 : index
    %get3A_36 = vector.load %arg5[%get3A_34, %get3A_35] : memref<1x128xf32, #tpu.memory_space<vmem>>, vector<1x128xf32>
    %mul3A_37 = vector.broadcast %get3A_36 : vector<1x128xf32> to vector<2000x128xf32>
    %mul3A_38 = arith.mulf %mul3A_33, %mul3A_37 : vector<2000x128xf32>
    %get3A_39 = arith.constant 0 : index
    %get3A_40 = arith.constant 0 : index
    %get3A_41 = vector.load %arg6[%get3A_39, %get3A_40] : memref<1x128xf32, #tpu.memory_space<vmem>>, vector<1x128xf32>
    %add3A_42 = vector.broadcast %get3A_41 : vector<1x128xf32> to vector<2000x128xf32>
    %add3A_43 = arith.addf %mul3A_38, %add3A_42 : vector<2000x128xf32>
    %max3A = arith.constant 0.000000e+00 : f32
    %max3A_44 = vector.broadcast %max3A : f32 to vector<2000x128xf32>
    %max3A_45 = arith.maximumf %add3A_43, %max3A_44 : vector<2000x128xf32>
    %get3A_46 = arith.constant 0 : index
    %get3A_47 = arith.constant 0 : index
    %get3A_48 = vector.load %arg7[%get3A_46, %get3A_47] : memref<128x128xf32, #tpu.memory_space<vmem>>, vector<128x128xf32>
    %dot_general3A = arith.constant dense<0.000000e+00> : vector<2000x128xf32>
    %dot_general3A_49 = tpu.matmul %max3A_45, %get3A_48, %dot_general3A {dimension_numbers = #tpu.dot_dimension_numbers<[1], [0], [0], [1], [0, 0, 1, 1], [], []>, transpose_lhs_hint = false} : vector<2000x128xf32>, vector<128x128xf32>, vector<2000x128xf32> -> vector<2000x128xf32>
    %broadcast_in_dim3A_50 = vector.shape_cast %rsqrt3A : vector<2000xf32> to vector<2000x1xf32>
    %mul3A_51 = vector.broadcast %broadcast_in_dim3A_50 : vector<2000x1xf32> to vector<2000x128xf32>
    %mul3A_52 = arith.mulf %dot_general3A_49, %mul3A_51 : vector<2000x128xf32>
    %swap3A = arith.constant 0 : index
    %swap3A_53 = arith.constant 0 : index
    %swap3A_54 = vector.load %arg8[%swap3A, %swap3A_53] : memref<2000x128xf32, #tpu.memory_space<vmem>>, vector<2000x128xf32>
    tpu.vector_store %arg8[%swap3A, %swap3A_53], %mul3A_52 {strides = array<i32>} : memref<2000x128xf32, #tpu.memory_space<vmem>>, vector<2000x128xf32>,
    return
  }
  func.func @transform_0(%arg0: i32) -> (i32, i32, i32) {
    %c0_i32 = arith.constant 0 : i32
    %c0_i32_0 = arith.constant 0 : i32
    %c0_i32_1 = arith.constant 0 : i32
    return %c0_i32, %arg0, %c0_i32_0 : i32, i32, i32
  }
  func.func @transform_1(%arg0: i32) -> (i32, i32) {
    %c0_i32 = arith.constant 0 : i32
    %c0_i32_0 = arith.constant 0 : i32
    return %arg0, %c0_i32 : i32, i32
  }
  func.func @transform_2(%arg0: i32) -> (i32, i32) {
    %c0_i32 = arith.constant 0 : i32
    %c0_i32_0 = arith.constant 0 : i32
    return %arg0, %c0_i32 : i32, i32
  }
  func.func @transform_3(%arg0: i32) -> (i32, i32) {
    %c0_i32 = arith.constant 0 : i32
    %c0_i32_0 = arith.constant 0 : i32
    %c0_i32_1 = arith.constant 0 : i32
    return %c0_i32, %c0_i32_0 : i32, i32
  }
  func.func @transform_4(%arg0: i32) -> (i32, i32) {
    %c0_i32 = arith.constant 0 : i32
    %c0_i32_0 = arith.constant 0 : i32
    %c0_i32_1 = arith.constant 0 : i32
    return %c0_i32, %c0_i32_0 : i32, i32
  }
  func.func @transform_5(%arg0: i32) -> (i32, i32) {
    %c0_i32 = arith.constant 0 : i32
    %c0_i32_0 = arith.constant 0 : i32
    %c0_i32_1 = arith.constant 0 : i32
    return %c0_i32, %c0_i32_0 : i32, i32
  }
  func.func @transform_6(%arg0: i32) -> (i32, i32) {
    %c0_i32 = arith.constant 0 : i32
    %c0_i32_0 = arith.constant 0 : i32
    %c0_i32_1 = arith.constant 0 : i32
    return %c0_i32, %c0_i32_0 : i32, i32
  }
  func.func @transform_7(%arg0: i32) -> (i32, i32) {
    %c0_i32 = arith.constant 0 : i32
    %c0_i32_0 = arith.constant 0 : i32
    return %arg0, %c0_i32 : i32, i32
  }
}

module attributes {stable_mosaic.version = 14 : i64} {
  func.func @_tc3_body(%arg0: i32, %arg1: memref<2x2000x128xf32, #tpu.memory_space<vmem>>, %arg2: memref<2000x128xf32, #tpu.memory_space<vmem>>, %arg3: memref<2000x2xf32, #tpu.memory_space<vmem>>, %arg4: memref<1x128xf32, #tpu.memory_space<vmem>>, %arg5: memref<2000x128xf32, #tpu.memory_space<vmem>>) attributes {dimension_semantics = [#tpu.dimension_semantics<arbitrary>], iteration_bounds = array<i64: 5>, scalar_prefetch = 0 : i64, scratch_operands = 0 : i64, tpu.core_type = #tpu.core_type<tc>, window_params = [{transform_indices = @transform_0, window_bounds = array<i64: 2, 2000, 128>}, {transform_indices = @transform_1, window_bounds = array<i64: 2000, 128>}, {transform_indices = @transform_2, window_bounds = array<i64: 2000, 2>}, {pipeline_mode = #tpu.pipeline_mode<synchronous>, transform_indices = @transform_3, window_bounds = array<i64: 1, 128>}, {transform_indices = @transform_4, window_bounds = array<i64: 2000, 128>}]} {
    %get3A = arith.constant 0 : index
    %get3A_0 = arith.constant 0 : index
    %get3A_1 = vector.load %arg3[%get3A, %get3A_0] : memref<2000x2xf32, #tpu.memory_space<vmem>>, vector<2000x1xf32>
    %get3A_2 = vector.shape_cast %get3A_1 : vector<2000x1xf32> to vector<2000xf32>
    %get3A_3 = arith.constant 0 : index
    %get3A_4 = arith.constant 1 : index
    %get3A_5 = vector.load %arg3[%get3A_3, %get3A_4] : memref<2000x2xf32, #tpu.memory_space<vmem>>, vector<2000x1xf32>
    %get3A_6 = vector.shape_cast %get3A_5 : vector<2000x1xf32> to vector<2000xf32>
    %add3A = arith.addf %get3A_2, %get3A_6 : vector<2000xf32>
    %add3A_7 = arith.constant 1.000000e+00 : f32
    %add3A_8 = vector.broadcast %add3A_7 : f32 to vector<2000xf32>
    %add3A_9 = arith.addf %add3A, %add3A_8 : vector<2000xf32>
    %rsqrt3A = math.rsqrt %add3A_9 : vector<2000xf32>
    %get3A_10 = arith.constant 0 : index
    %get3A_11 = arith.constant 0 : index
    %get3A_12 = arith.constant 0 : index
    %get3A_13 = vector.load %arg1[%get3A_10, %get3A_11, %get3A_12] : memref<2x2000x128xf32, #tpu.memory_space<vmem>>, vector<1x2000x128xf32>
    %get3A_14 = vector.shape_cast %get3A_13 : vector<1x2000x128xf32> to vector<2000x128xf32>
    %get3A_15 = arith.constant 1 : index
    %get3A_16 = arith.constant 0 : index
    %get3A_17 = arith.constant 0 : index
    %get3A_18 = vector.load %arg1[%get3A_15, %get3A_16, %get3A_17] : memref<2x2000x128xf32, #tpu.memory_space<vmem>>, vector<1x2000x128xf32>
    %get3A_19 = vector.shape_cast %get3A_18 : vector<1x2000x128xf32> to vector<2000x128xf32>
    %add3A_20 = arith.addf %get3A_14, %get3A_19 : vector<2000x128xf32>
    %get3A_21 = arith.constant 0 : index
    %get3A_22 = arith.constant 0 : index
    %get3A_23 = vector.load %arg2[%get3A_21, %get3A_22] : memref<2000x128xf32, #tpu.memory_space<vmem>>, vector<2000x128xf32>
    %add3A_24 = arith.addf %add3A_20, %get3A_23 : vector<2000x128xf32>
    %broadcast_in_dim3A = vector.shape_cast %rsqrt3A : vector<2000xf32> to vector<2000x1xf32>
    %mul3A = vector.broadcast %broadcast_in_dim3A : vector<2000x1xf32> to vector<2000x128xf32>
    %mul3A_25 = arith.mulf %add3A_24, %mul3A : vector<2000x128xf32>
    %get3A_26 = arith.constant 0 : index
    %get3A_27 = arith.constant 0 : index
    %get3A_28 = vector.load %arg4[%get3A_26, %get3A_27] : memref<1x128xf32, #tpu.memory_space<vmem>>, vector<1x128xf32>
    %add3A_29 = vector.broadcast %get3A_28 : vector<1x128xf32> to vector<2000x128xf32>
    %add3A_30 = arith.addf %mul3A_25, %add3A_29 : vector<2000x128xf32>
    %swap3A = arith.constant 0 : index
    %swap3A_31 = arith.constant 0 : index
    %swap3A_32 = vector.load %arg5[%swap3A, %swap3A_31] : memref<2000x128xf32, #tpu.memory_space<vmem>>, vector<2000x128xf32>
    tpu.vector_store %arg5[%swap3A, %swap3A_31], %add3A_30 {strides = array<i32>} : memref<2000x128xf32, #tpu.memory_space<vmem>>, vector<2000x128xf32>,
    return
  }
  func.func @transform_0(%arg0: i32) -> (i32, i32, i32) {
    %c0_i32 = arith.constant 0 : i32
    %c0_i32_0 = arith.constant 0 : i32
    %c0_i32_1 = arith.constant 0 : i32
    return %c0_i32, %arg0, %c0_i32_0 : i32, i32, i32
  }
  func.func @transform_1(%arg0: i32) -> (i32, i32) {
    %c0_i32 = arith.constant 0 : i32
    %c0_i32_0 = arith.constant 0 : i32
    return %arg0, %c0_i32 : i32, i32
  }
  func.func @transform_2(%arg0: i32) -> (i32, i32) {
    %c0_i32 = arith.constant 0 : i32
    %c0_i32_0 = arith.constant 0 : i32
    return %arg0, %c0_i32 : i32, i32
  }
  func.func @transform_3(%arg0: i32) -> (i32, i32) {
    %c0_i32 = arith.constant 0 : i32
    %c0_i32_0 = arith.constant 0 : i32
    %c0_i32_1 = arith.constant 0 : i32
    return %c0_i32, %c0_i32_0 : i32, i32
  }
  func.func @transform_4(%arg0: i32) -> (i32, i32) {
    %c0_i32 = arith.constant 0 : i32
    %c0_i32_0 = arith.constant 0 : i32
    return %arg0, %c0_i32 : i32, i32
  }
}

</mosaic_0001>

<sc_bundles>
// kernel: kernel.10.cloned.1.call-start
scs
__scs_entry_jumppad:
0x0: {  	(pc) =	sbr.rel $0x88, $3  }
0x1: {  	(tag) =	ssettag $0x0;
	lr =	simm.s32 $0x1  }
0x2: {  	[smem:$0x3F99] =	sst lr;
	_ =	strace $0xD0000000  }
0x3: {  	_ = 	snop  }
0x4: {  	_ = 	snop  }
0x5: {  	_ = 	snop  }
0x6: {  	_ = 	snop  }
0x7: {  	_ = 	snop  }
__scs_overlays_trampoline_lowered:
0x8: {  	[smem:$0x3FA8] =	sst s0  }
0x9: {  	[smem:$0x3FA9] =	sst s1  }
0xa: {  	[smem:$0x3FAA] =	sst s2  }
0xb: {  	[smem:$0x3FAB] =	sst s3  }
0xc: {  	[smem:$0x3FAC] =	sst s4  }
0xd: {  	[smem:$0x3FAD] =	sst s5  }
0xe: {  	[smem:$0x3FAE] =	sst s6  }
0xf: {  	[smem:$0x3FAF] =	sst s7  }
0x10: {  	[smem:$0x3FB0] =	sst s8  }
0x11: {  	[smem:$0x3FB1] =	sst s9;
	s0 =	simm.s32 @!p0 $0x0  }
0x12: {  	s1 =	sld [smem:$0x3F97];
	s0 =	simm.s32 @p0 $0x1  }
0x13: {  	[smem:$0x3FB2] =	sst s0;
	s0 =	simm.s32 @!p1 $0x0  }
0x14: {  	s2 =	sld [smem:$0x3F96];
	s0 =	simm.s32 @p1 $0x1  }
0x15: {  	[smem:$0x3FB3] =	sst s0;
	s0 =	simm.s32 @!p2 $0x0  }
0x16: {  	s3 =	sld [smem:$0x3FDB];
	s0 =	simm.s32 @p2 $0x1  }
0x17: {  	s4 =	simm.s32 $0x1BF5;
	[smem:$0x3FB5] =	sst s0  }
0x18: {  	s0 =	sld [smem:$0x3F98];
	_ =	swait.ge [sflag:s4], $0x0  }
0x19: {  	s7 =	sld [smem:$0x3F99]  }
0x1a: {  	s8 =	sadd.s32 $0xFFFFE003, lr  }
0x1b: {  	s9 =	sadd.s32 $0xFFFFFEF7, lr;
	s5 =	simm.s32 $0xFFFFFFFF;
	p2 =	slt.u32 s8, $0xFFFFF086  }
0x1c: {  	p1 =	slt.u32 s9, $0xF7A;
	s5 =	simm.s32 @!p2 $0x0  }
0x1d: {  	s5 =	simm.s32 @p1 $0x1;
	p0 =	seq.s32 s7, s2  }
0x1e: {  	s7 =	smul.u32 @!p0 $0xF7A, s2;
	p2 =	seq.s32 @!p0 s5, $0x0  }
0x1f: {  	s9 =	smul.u32 $0xF7A, s1;
	s8 =	simm.s32 @!p0 $0x1BF5;
	p2 =	por !p2, p0  }
0x20: {  	[sflag:s8] =	ssyncset.s32 @!p0 $0xFFFFF086;
	s6 =	sadd.s32 @!p0 s3, s7;
	s7 =	simm.s32 @!p0 $0x108  }
0x21: {  	s3 =	sadd.s32 s3, s9;
	s6 =	sadd.s32 @!p0 $0x88, s6;
	s7 =	simm.s32 @p2 $0x1082  }
0x22: {  	[simem:s7], [sflag:s8] =	dma.local @!p0 [hbm:s6], $0xF7A  }
0x23: {  	s9 =	sor.u32 $0xD0000000, s2;
	s6 =	simm.s32 $0x108;
	_ =	swait.ge @!p0 [sflag:s8], $0x0  }
0x24: {  	s3 =	sadd.s32 $0x88, s3;
	s6 =	simm.s32 @!p1 $0x1082;
	[sflag:s4] =	ssyncset.s32 $0xFFFFF086  }
0x25: {  	[simem:s6], [sflag:s4] =	dma.local [hbm:s3], $0xF7A  }
0x26: {  	[smem:$0x3F99] =	sst s1;
	(tag) =	ssettag s2;
	_ =	strace s9  }
0x27: {  	s1 =	sld [smem:$0x3FA9]  }
0x28: {  	s2 =	sld [smem:$0x3FAA]  }
0x29: {  	s4 =	sld [smem:$0x3FAC]  }
0x2a: {  	p0 =	seq.s32 s5, $0x0;
	s5 =	sld [smem:$0x3FAD]  }
0x2b: {  	s6 =	sld [smem:$0x3FAE]  }
0x2c: {  	s7 =	sld [smem:$0x3FAF]  }
0x2d: {  	s3 =	simm.s32 $0x108;
	s8 =	sld [smem:$0x3FB0]  }
0x2e: {  	s3 =	simm.s32 @!p0 $0x1082;
	s9 =	sld [smem:$0x3FB1]  }
0x2f: {  	lr =	sadd.s32 s0, s3;
	s0 =	sld [smem:$0x3FA8]  }
0x30: {  	s3 =	sld [smem:$0x3FAB]  }
0x31: {  	[smem:$0x3FB4] =	sst s10  }
0x32: {  	s10 =	sld [smem:$0x3FB2];
	_ =	sdelay $0x3  }
0x33: {  	p0 =	seq.s32 s10, $0x1;
	s10 =	sld [smem:$0x3FB4];
	_ =	sdelay $0x3  }
0x34: {  	[smem:$0x3FB4] =	sst s10  }
0x35: {  	s10 =	sld [smem:$0x3FB3];
	_ =	sdelay $0x3  }
0x36: {  	p1 =	seq.s32 s10, $0x1;
	s10 =	sld [smem:$0x3FB4];
	_ =	sdelay $0x3  }
0x37: {  	[smem:$0x3FB4] =	sst s10  }
0x38: {  	s10 =	sld [smem:$0x3FB5]  }
0x39: {  	_ = 	snop;
	(pc) =	sbr.ind lr, $3  }
0x3a: {  	_ = 	snop  }
0x3b: {  	_ = 	snop  }
0x3c: {  	p2 =	seq.s32 s10, $0x1;
	s10 =	sld [smem:$0x3FB4]  }
0x3d: {  	_ =	shalt  }
0x3e: {  	_ =	shalt  }
0x3f: {  	_ =	shalt  }
0x40: {  	_ =	shalt  }
0x41: {  	_ =	shalt  }
0x42: {  	_ =	shalt  }
0x43: {  	_ =	shalt  }
0x44: {  	_ =	shalt  }
0x45: {  	_ =	shalt  }
0x46: {  	_ =	shalt  }
0x47: {  	_ =	shalt  }
0x48: {  	_ =	shalt  }
0x49: {  	_ =	shalt  }
0x4a: {  	_ =	shalt  }
0x4b: {  	_ =	shalt  }
0x4c: {  	_ =	shalt  }
0x4d: {  	_ =	shalt  }
0x4e: {  	_ =	shalt  }
0x4f: {  	_ =	shalt  }
0x50: {  	_ =	shalt  }
0x51: {  	_ =	shalt  }
0x52: {  	_ =	shalt  }
0x53: {  	_ =	shalt  }
0x54: {  	_ =	shalt  }
0x55: {  	_ =	shalt  }
0x56: {  	_ =	shalt  }
0x57: {  	_ =	shalt  }
0x58: {  	_ =	shalt  }
0x59: {  	_ =	shalt  }
0x5a: {  	_ =	shalt  }
0x5b: {  	_ =	shalt  }
0x5c: {  	_ =	shalt  }
0x5d: {  	_ =	shalt  }
0x5e: {  	_ =	shalt  }
0x5f: {  	_ =	shalt  }
0x60: {  	_ =	shalt  }
0x61: {  	_ =	shalt  }
0x62: {  	_ =	shalt  }
0x63: {  	_ =	shalt  }
0x64: {  	_ =	shalt  }
0x65: {  	_ =	shalt  }
0x66: {  	_ =	shalt  }
0x67: {  	_ =	shalt  }
0x68: {  	_ =	shalt  }
0x69: {  	_ =	shalt  }
0x6a: {  	_ =	shalt  }
0x6b: {  	_ =	shalt  }
0x6c: {  	_ =	shalt  }
0x6d: {  	_ =	shalt  }
0x6e: {  	_ =	shalt  }
0x6f: {  	_ =	shalt  }
0x70: {  	_ =	shalt  }
0x71: {  	_ =	shalt  }
0x72: {  	_ =	shalt  }
0x73: {  	_ =	shalt  }
0x74: {  	_ =	shalt  }
0x75: {  	_ =	shalt  }
0x76: {  	_ =	shalt  }
0x77: {  	_ =	shalt  }
0x78: {  	_ =	shalt  }
0x79: {  	_ =	shalt  }
0x7a: {  	_ =	shalt  }
0x7b: {  	_ =	shalt  }
0x7c: {  	_ =	shalt  }
0x7d: {  	_ =	shalt  }
0x7e: {  	_ =	shalt  }
0x7f: {  	_ =	shalt  }
0x80: {  	_ =	shalt  }
0x81: {  	_ =	shalt  }
0x82: {  	_ =	shalt  }
0x83: {  	_ =	shalt  }
0x84: {  	_ =	shalt  }
0x85: {  	_ =	shalt  }
0x86: {  	_ =	shalt  }
0x87: {  	_ =	shalt  }
.Lfunc_end0:
.L_simem_size_0:
called_computation_lowered:
.L_overlay_start_0:
0x88: {  	s2 =	sld [smem:$0x3FD9]  }
0x89: {  	s3 =	sld [smem:$0x3FFE];
	_ =	sdelay $0x1  }
0x8a: {  	s1 =	srdreg.scid  }
0x8b: {  	s0 =	sand.u32 $0x1, s1  }
0x8c: {  	s17 =	sshll.u32 s0, $0xA;
	s2 =	sadd.s32 s3, s2  }
0x8d: {  	s2 =	sadd.s32 s2, s17  }
0x8e: {  	[smem:$0x3FC0] =	sst s2  }
0x8f: {  	_ = 	snop  }
0x90: {  	s2 =	sld [smem:$0x3FD0];
	(tm) =	ssettm $0x1  }
0x91: {  	s18 =	sld [smem:$0x3FFB];
	_ =	sdelay $0x3  }
0x92: {  	_ =	strace s18  }
0x93: {  	s3 =	sld [smem:$0x3FFC];
	_ =	sdelay $0x3  }
0x94: {  	_ =	strace s3  }
0x95: {  	s3 =	sld [smem:$0x3FFD];
	_ =	sdelay $0x3  }
0x96: {  	_ =	strace s3  }
0x97: {  	_ =	strace $0x8FFFFFFF  }
0x98: {  	s19 =	sld [smem:$0x3FDB];
	_ =	sdelay $0x1  }
0x99: {  	s4 =	simm.s32 $_scs_section_size  }
0x9a: {  	s5 =	simm.s32 $_size__tile_overlayer_lowered;
	s6 =	simm.s32 $_tile_overlayer_lowered  }
0x9b: {  	s22 =	simm.s32 $0x1BFF;
	s21 =	sshll.u32 s6, $0x1;
	s3 =	sadd.s32 s4, s19  }
0x9c: {  	s7 =	simm.s32 $0x0;
	s20 =	sshll.u32 s5, $0x1;
	s5 =	sadd.s32 s21, s3  }
0x9d: {  	[timem:s7], [sflag:s22] =	dma.local [hbm:s5], s20  }
0x9e: {  	_ =	swait.ge [sflag:s22], s20  }
0x9f: {  	s4 =	ssub.s32 $0x0, s20;
	[sflag:s22] =	ssyncset.done $0x0  }
0xa0: {  	[sflag:s22] =	ssyncadd.s32 s4;
	_ =	sdelay $0x1  }
0xa1: {  	s23 =	simm.s32 $0x1B8B  }
0xa2: {  	_ =	swait.ge [sflag:s23], $0x1  }
0xa3: {  	[sflag:s23] =	ssyncset.done $0x0  }
0xa4: {  	s25 =	simm.s32 $0x1B8E;
	s24 =	sld [smem:$0x3FFE];
	[sflag:s23] =	ssyncadd.s32 $0xFFFFFFFF  }
0xa5: {  	s26 =	simm.s32 $execute0_lowered;
	[smem:$0x3FD2] =	sst s25  }
0xa6: {  	s5 =	sshll.u32 s26, $0x1;
	_ =	strace $0x80000046;
	[dreg:$0x1] =	wrdreg $0xFFFFFFFF  }
0xa7: {  	s28 =	simm.s32 $_size_execute0_lowered;
	s3 =	sadd.s32 s3, s5;
	[dreg:$0x0] =	wrdreg $0x0  }
0xa8: {  	s5 =	sshll.u32 s28, $0x1;
	[dreg:$0x2] =	wrdreg s3  }
0xa9: {  	[dreg:$0x3] =	wrdreg s5  }
0xaa: {  	[dreg:$0x4] =	wrdreg $0xC0  }
0xab: {  	_ =	task [dreg:s7], $0x5FFFF  }
0xac: {  	[dreg:$0x1] =	wrdreg $0xFFFFFFFF  }
0xad: {  	[dreg:$0x0] =	wrdreg $0x60  }
0xae: {  	[dreg:$0x2] =	wrdreg s24  }
0xaf: {  	[dreg:$0x3] =	wrdreg s2  }
0xb0: {  	[dreg:$0x4] =	wrdreg $0x28800  }
0xb1: {  	[dreg:$0x5] =	wrdreg $0x9  }
0xb2: {  	_ =	task.clear_ibuf [dreg:s7], $0x6FFFF;
	_ =	strace $0x90000046  }
0xb3: {  	s29 =	simm.s32 $0x9;
	_ =	strace $0x80000048  }
0xb4: {  	_ =	swait.ge [sflag:s29], $0x1  }
0xb5: {  	[sflag:s29] =	ssyncadd.s32 $0xFFFFFFFF  }
0xb6: {  	_ =	strace $0x90000048  }
0xb7: {  	_ =	sfence  }
0xb8: {  	s30 =	sld [smem:$0x0];
	_ =	sdelay $0x2  }
0xb9: {  	s31 =	sshll.u32 s1, $0xD;
	s1 =	sshrl.u32 s1, $0x2  }
0xba: {  	s3 =	sand.u32 $0x4000, s31;
	s1 =	sadd.s32 s1, s30  }
0xbb: {  	s0 =	sor.u32 s3, s0;
	s1 =	sshll.u32 s1, $0x11  }
0xbc: {  	s0 =	sor.u32 s1, s0  }
0xbd: {  	s0 =	sadd.s32 $0x8F2B, s0  }
0xbe: {  	[sflag:s0] =	ssyncadd.remote.s32 $0x1  }
0xbf: {  	_ =	sfence.sel $0xFFFF  }
0xc0: {  	[dreg:$0x0] =	wrdreg $0xFFFFFFFF;
	(pc) =	sbr.abs _section_cstart, $3  }
0xc1: {  	[dreg:$0x1] =	wrdreg $0xFFFFFFFF  }
0xc2: {  	_ =	task.clear_ibuf [dreg:s7], $0x2FFFF;
	_ =	strace $0x9FFFFFFF  }
0xc3: {  	(tm) =	ssettm $0x7FFFFFFF  }
tec
execute0_lowered:
.L_overlay_start_1:
0x0: {  	(tag) =	ssettag $0x1  }
0x1: {  	s5 =	rddreg [dreg:$0x0]  }
0x2: {  	s8 =	rddreg [dreg:$0x1]  }
0x3: {  	s0 =	srdreg.scid;
	s2 =	rddreg [dreg:$0x2];
	s3 =	simm.s32 $0x0  }
0x4: {  	s13 =	simm.s32 $0x80;
	s14 =	simm.s32 $0x20;
	s15 =	simm.s32 $0x10  }
0x5: {  	s16 =	simm.s32 $0x0;
	s6 =	sand.u32 $0x1, s0;
	s0 =	stileid.u32  }
0x6: {  	[smem:$0x7FF] =	sst s3;
	s1 =	sshll.u32 s6, $0x4;
	s10 =	smul.u32 $0xA00, s0  }
0x7: {  	s9 =	ssub.s32 $0x2, s6;
	s12 =	smul.u32 $0x500, s0;
	s6 =	sshll.u32 s6, $0x7  }
0x8: {  	s30 =	sshll.u32 s0, $0x6;
	s4 =	sor.u32 s0, s1;
	s1 =	rddreg [dreg:$0x3]  }
0x9: {  	_ =	strace $0x80000047;
	s11 =	sshrl.u32 s9, $0x1;
	s4 =	smul.u32 $0x500, s4  }
0xa: {  	s9 =	ssub.s32 s9, s11;
	s10 =	sshrl.u32 s10, $0x2;
	s12 =	sor.u32 s6, s12  }
0xb: {  	s6 =	sor.u32 $0x1C01, s30;
	s11 =	simm.s32 $0x1;
	s10 =	sadd.s32 s10, s2  }
0xc: {  	s31 =	sshrl.u32 s12, $0x3;
	s9 =	smax.u32 s9, $0x1;
	s12 =	simm.s32 $0x2800  }
0xd: {  	s7 =	sadd.s32 s4, s5;
	s4 =	sadd.s32 $0xD200, s5;
	s5 =	sadd.s32 $0xD000, s5  }
0xe: {  	s8 =	sadd.s32 s8, s31;
	s10 =	sshrl.u32 s10, $0x3;
	s7 =	sadd.s32 $0x3000, s7  }
.LBB2_1:
0xf: {  	[spmem:s10], [sflag:s6] =	dma.local [hbm:s4], $0x50  }
0x10: {  	_ =	swait.ge [sflag:s11], $0x50  }
0x11: {  	[sflag:s11] =	ssyncset.done $0x0  }
0x12: {  	[sflag:s11] =	ssyncadd.s32 $0xFFFFFFB0  }
0x13: {  	[tilespmem:s3], [sflag:$0x1] =	stream.linear.gather [hbm4b:s7+s3], $0x2800, $0x38;
	[tilespmem:$0x2B00] =	vst v63  }
0x14: {  	_ =	swait.ge [sflag:s11], $0x2800  }
0x15: {  	[sflag:s11] =	ssyncset.done $0x0  }
0x16: {  	[sflag:s11] =	ssyncadd.s32 $0xFFFFD800  }
0x17: {  	[tilespmem:s12], [sflag:$0x1] =	stream.linear.gather [hbm4b:s5+s3], $0x80, $0x38;
	[tilespmem:$0x2B00] =	vst v63  }
0x18: {  	_ =	swait.ge [sflag:s11], $0x80  }
0x19: {  	[sflag:s11] =	ssyncset.done $0x0  }
0x1a: {  	[sflag:s11] =	ssyncadd.s32 $0xFFFFFF80  }
0x1b: {  	s17 =	simm.s32 $0x0;
	[bflag:$0x0] =	sbarrier.arrive $0xFFFF  }
0x1c: {  	[spmem:s2] =	stream.indirect.scatter.add.f32 [tilespmem:s12], [sflag:$0x1], $0x1, s17, s13, $0xb8;
	[tilespmem:$0x2B00] =	vst v63  }
0x1d: {  	_ =	swait.ge [sflag:s11], $0x80  }
0x1e: {  	s17 =	simm.s32 $0x200;
	[sflag:s11] =	ssyncset.done $0x0  }
.LBB2_2:
0x1f: {  	s18 =	sshra.s32 s17, $0x2;
	[sflag:s11] =	ssyncadd.s32 $0xFFFFFF80;
	p0 =	sne.s32 s17, $0x9E00  }
0x20: {  	[spmem:s2] =	stream.indirect.scatter.add.f32 [tilespmem:s12], [sflag:$0x1], $0x1, s18, s13, $0xb8;
	[tilespmem:$0x2B00] =	vst v63  }
.Ltmp0:
0x21: {  	_ = 	snop;
	(pc) =	sbr.rel @p0 .LBB2_2-.Ltmp0, $4  }
0x22: {  	_ = 	snop  }
0x23: {  	s17 =	sadd.s32 $0x200, s17  }
0x24: {  	_ =	swait.ge [sflag:s11], $0x80  }
0x25: {  	[sflag:s11] =	ssyncset.done $0x0  }
0x26: {  	s16 =	sadd.s32 $0x1, s16  }
0x27: {  	[sflag:s11] =	ssyncadd.s32 $0xFFFFFF80;
	p0 =	sne.s32 s16, s9  }
.Ltmp1:
0x28: {  	[bflag:$0x0] =	sbarrier.arrive $0xFFFF;
	(pc) =	sbr.rel @p0 .LBB2_1-.Ltmp1, $4  }
0x29: {  	[hbm:s8@s14], [sflag:s6] =	dma.strided [spmem:s10@s15], $0x50, s11, $0x10   }
0x2a: {  	_ =	swait.ge [sflag:s11], $0x50  }
0x2b: {  	[sflag:s11] =	ssyncset.done $0x0  }
0x2c: {  	[sflag:s11] =	ssyncadd.s32 $0xFFFFFFB0  }
0x2d: {  	_ =	sfence.sel $0x180000  }
0x2e: {  	[bflag:$0x0] =	sbarrier.arrive $0xFFFF  }
0x2f: {  	p0 =	sne.s32 s0, $0x0;
	_ =	strace $0x90000047  }
0x30: {  	s0 =	sadd.s32 @!p0 $0x100000, s1;
	[bflag:$0x2] =	sbarrier.arrive $0xFFFF  }
0x31: {  	[sflag:s0] =	ssyncadd.tile.s32 @!p0 $0x1;
	_ =	shalt  }
.Lfunc_end2:
_tile_overlayer_lowered:
.L_overlay_start_2:
0x32: {  	(tag) =	ssettag $0x2  }
0x33: {  	s0 =	rddreg [dreg:$0x0];
	s2 =	stileid.u32  }
0x34: {  	s1 =	rddreg [dreg:$0x1];
	p0 =	sne.s32 s2, $0x0  }
0x35: {  	s3 =	rddreg [dreg:$0x2];
	[bflag:$0x3] =	sbarrier.arrive $0xFFFF;
	s2 =	simm.s32 @!p0 $0x1C01  }
0x36: {  	[timem:s3], [sflag:s2] =	dma.local @!p0 [hbm:s0], s1  }
0x37: {  	s0 =	simm.s32 @!p0 $0x1  }
0x38: {  	_ =	swait.ge @!p0 [sflag:s0], s1  }
0x39: {  	s1 =	ssub.s32 @!p0 $0x0, s1;
	[sflag:s0] =	ssyncset.done @!p0 $0x0  }
0x3a: {  	[sflag:s0] =	ssyncadd.s32 @!p0 s1  }
0x3b: {  	[bflag:$0x3] =	sbarrier.arrive $0xFFFF  }
0x3c: {  	_ =	shalt  }

// kernel: kernel.13.cloned.1.call-start
scs
__scs_entry_jumppad:
0x0: {  	(pc) =	sbr.rel $0x88, $3  }
0x1: {  	(tag) =	ssettag $0x0;
	lr =	simm.s32 $0x1  }
0x2: {  	[smem:$0x3F99] =	sst lr;
	_ =	strace $0xD0000000  }
0x3: {  	_ = 	snop  }
0x4: {  	_ = 	snop  }
0x5: {  	_ = 	snop  }
0x6: {  	_ = 	snop  }
0x7: {  	_ = 	snop  }
__scs_overlays_trampoline_lowered:
0x8: {  	[smem:$0x3FA8] =	sst s0  }
0x9: {  	[smem:$0x3FA9] =	sst s1  }
0xa: {  	[smem:$0x3FAA] =	sst s2  }
0xb: {  	[smem:$0x3FAB] =	sst s3  }
0xc: {  	[smem:$0x3FAC] =	sst s4  }
0xd: {  	[smem:$0x3FAD] =	sst s5  }
0xe: {  	[smem:$0x3FAE] =	sst s6  }
0xf: {  	[smem:$0x3FAF] =	sst s7  }
0x10: {  	[smem:$0x3FB0] =	sst s8  }
0x11: {  	[smem:$0x3FB1] =	sst s9;
	s0 =	simm.s32 @!p0 $0x0  }
0x12: {  	s1 =	sld [smem:$0x3F97];
	s0 =	simm.s32 @p0 $0x1  }
0x13: {  	[smem:$0x3FB2] =	sst s0;
	s0 =	simm.s32 @!p1 $0x0  }
0x14: {  	s2 =	sld [smem:$0x3F96];
	s0 =	simm.s32 @p1 $0x1  }
0x15: {  	[smem:$0x3FB3] =	sst s0;
	s0 =	simm.s32 @!p2 $0x0  }
0x16: {  	s3 =	sld [smem:$0x3FDB];
	s0 =	simm.s32 @p2 $0x1  }
0x17: {  	s4 =	simm.s32 $0x1BF5;
	[smem:$0x3FB5] =	sst s0  }
0x18: {  	s0 =	sld [smem:$0x3F98];
	_ =	swait.ge [sflag:s4], $0x0  }
0x19: {  	s7 =	sld [smem:$0x3F99]  }
0x1a: {  	s8 =	sadd.s32 $0xFFFFE003, lr  }
0x1b: {  	s9 =	sadd.s32 $0xFFFFFEF7, lr;
	s5 =	simm.s32 $0xFFFFFFFF;
	p2 =	slt.u32 s8, $0xFFFFF086  }
0x1c: {  	p1 =	slt.u32 s9, $0xF7A;
	s5 =	simm.s32 @!p2 $0x0  }
0x1d: {  	s5 =	simm.s32 @p1 $0x1;
	p0 =	seq.s32 s7, s2  }
0x1e: {  	s7 =	smul.u32 @!p0 $0xF7A, s2;
	p2 =	seq.s32 @!p0 s5, $0x0  }
0x1f: {  	s9 =	smul.u32 $0xF7A, s1;
	s8 =	simm.s32 @!p0 $0x1BF5;
	p2 =	por !p2, p0  }
0x20: {  	[sflag:s8] =	ssyncset.s32 @!p0 $0xFFFFF086;
	s6 =	sadd.s32 @!p0 s3, s7;
	s7 =	simm.s32 @!p0 $0x108  }
0x21: {  	s3 =	sadd.s32 s3, s9;
	s6 =	sadd.s32 @!p0 $0x88, s6;
	s7 =	simm.s32 @p2 $0x1082  }
0x22: {  	[simem:s7], [sflag:s8] =	dma.local @!p0 [hbm:s6], $0xF7A  }
0x23: {  	s9 =	sor.u32 $0xD0000000, s2;
	s6 =	simm.s32 $0x108;
	_ =	swait.ge @!p0 [sflag:s8], $0x0  }
0x24: {  	s3 =	sadd.s32 $0x88, s3;
	s6 =	simm.s32 @!p1 $0x1082;
	[sflag:s4] =	ssyncset.s32 $0xFFFFF086  }
0x25: {  	[simem:s6], [sflag:s4] =	dma.local [hbm:s3], $0xF7A  }
0x26: {  	[smem:$0x3F99] =	sst s1;
	(tag) =	ssettag s2;
	_ =	strace s9  }
0x27: {  	s1 =	sld [smem:$0x3FA9]  }
0x28: {  	s2 =	sld [smem:$0x3FAA]  }
0x29: {  	s4 =	sld [smem:$0x3FAC]  }
0x2a: {  	p0 =	seq.s32 s5, $0x0;
	s5 =	sld [smem:$0x3FAD]  }
0x2b: {  	s6 =	sld [smem:$0x3FAE]  }
0x2c: {  	s7 =	sld [smem:$0x3FAF]  }
0x2d: {  	s3 =	simm.s32 $0x108;
	s8 =	sld [smem:$0x3FB0]  }
0x2e: {  	s3 =	simm.s32 @!p0 $0x1082;
	s9 =	sld [smem:$0x3FB1]  }
0x2f: {  	lr =	sadd.s32 s0, s3;
	s0 =	sld [smem:$0x3FA8]  }
0x30: {  	s3 =	sld [smem:$0x3FAB]  }
0x31: {  	[smem:$0x3FB4] =	sst s10  }
0x32: {  	s10 =	sld [smem:$0x3FB2];
	_ =	sdelay $0x3  }
0x33: {  	p0 =	seq.s32 s10, $0x1;
	s10 =	sld [smem:$0x3FB4];
	_ =	sdelay $0x3  }
0x34: {  	[smem:$0x3FB4] =	sst s10  }
0x35: {  	s10 =	sld [smem:$0x3FB3];
	_ =	sdelay $0x3  }
0x36: {  	p1 =	seq.s32 s10, $0x1;
	s10 =	sld [smem:$0x3FB4];
	_ =	sdelay $0x3  }
0x37: {  	[smem:$0x3FB4] =	sst s10  }
0x38: {  	s10 =	sld [smem:$0x3FB5]  }
0x39: {  	_ = 	snop;
	(pc) =	sbr.ind lr, $3  }
0x3a: {  	_ = 	snop  }
0x3b: {  	_ = 	snop  }
0x3c: {  	p2 =	seq.s32 s10, $0x1;
	s10 =	sld [smem:$0x3FB4]  }
0x3d: {  	_ =	shalt  }
0x3e: {  	_ =	shalt  }
0x3f: {  	_ =	shalt  }
0x40: {  	_ =	shalt  }
0x41: {  	_ =	shalt  }
0x42: {  	_ =	shalt  }
0x43: {  	_ =	shalt  }
0x44: {  	_ =	shalt  }
0x45: {  	_ =	shalt  }
0x46: {  	_ =	shalt  }
0x47: {  	_ =	shalt  }
0x48: {  	_ =	shalt  }
0x49: {  	_ =	shalt  }
0x4a: {  	_ =	shalt  }
0x4b: {  	_ =	shalt  }
0x4c: {  	_ =	shalt  }
0x4d: {  	_ =	shalt  }
0x4e: {  	_ =	shalt  }
0x4f: {  	_ =	shalt  }
0x50: {  	_ =	shalt  }
0x51: {  	_ =	shalt  }
0x52: {  	_ =	shalt  }
0x53: {  	_ =	shalt  }
0x54: {  	_ =	shalt  }
0x55: {  	_ =	shalt  }
0x56: {  	_ =	shalt  }
0x57: {  	_ =	shalt  }
0x58: {  	_ =	shalt  }
0x59: {  	_ =	shalt  }
0x5a: {  	_ =	shalt  }
0x5b: {  	_ =	shalt  }
0x5c: {  	_ =	shalt  }
0x5d: {  	_ =	shalt  }
0x5e: {  	_ =	shalt  }
0x5f: {  	_ =	shalt  }
0x60: {  	_ =	shalt  }
0x61: {  	_ =	shalt  }
0x62: {  	_ =	shalt  }
0x63: {  	_ =	shalt  }
0x64: {  	_ =	shalt  }
0x65: {  	_ =	shalt  }
0x66: {  	_ =	shalt  }
0x67: {  	_ =	shalt  }
0x68: {  	_ =	shalt  }
0x69: {  	_ =	shalt  }
0x6a: {  	_ =	shalt  }
0x6b: {  	_ =	shalt  }
0x6c: {  	_ =	shalt  }
0x6d: {  	_ =	shalt  }
0x6e: {  	_ =	shalt  }
0x6f: {  	_ =	shalt  }
0x70: {  	_ =	shalt  }
0x71: {  	_ =	shalt  }
0x72: {  	_ =	shalt  }
0x73: {  	_ =	shalt  }
0x74: {  	_ =	shalt  }
0x75: {  	_ =	shalt  }
0x76: {  	_ =	shalt  }
0x77: {  	_ =	shalt  }
0x78: {  	_ =	shalt  }
0x79: {  	_ =	shalt  }
0x7a: {  	_ =	shalt  }
0x7b: {  	_ =	shalt  }
0x7c: {  	_ =	shalt  }
0x7d: {  	_ =	shalt  }
0x7e: {  	_ =	shalt  }
0x7f: {  	_ =	shalt  }
0x80: {  	_ =	shalt  }
0x81: {  	_ =	shalt  }
0x82: {  	_ =	shalt  }
0x83: {  	_ =	shalt  }
0x84: {  	_ =	shalt  }
0x85: {  	_ =	shalt  }
0x86: {  	_ =	shalt  }
0x87: {  	_ =	shalt  }
.Lfunc_end0:
.L_simem_size_0:
called_computation.1_lowered:
.L_overlay_start_0:
0x88: {  	s2 =	sld [smem:$0x3FD9]  }
0x89: {  	s3 =	sld [smem:$0x3FFE];
	_ =	sdelay $0x1  }
0x8a: {  	s1 =	srdreg.scid  }
0x8b: {  	s0 =	sand.u32 $0x1, s1  }
0x8c: {  	s16 =	sshll.u32 s0, $0xA;
	s2 =	sadd.s32 s3, s2  }
0x8d: {  	s2 =	sadd.s32 s2, s16  }
0x8e: {  	[smem:$0x3FC0] =	sst s2  }
0x8f: {  	_ = 	snop  }
0x90: {  	(tm) =	ssettm $0x1  }
0x91: {  	s17 =	sld [smem:$0x3FFB];
	_ =	sdelay $0x3  }
0x92: {  	_ =	strace s17  }
0x93: {  	s2 =	sld [smem:$0x3FFC];
	_ =	sdelay $0x3  }
0x94: {  	_ =	strace s2  }
0x95: {  	s2 =	sld [smem:$0x3FFD];
	_ =	sdelay $0x3  }
0x96: {  	_ =	strace s2  }
0x97: {  	_ =	strace $0x8FFFFFFF  }
0x98: {  	s18 =	sld [smem:$0x3FDB];
	_ =	sdelay $0x1  }
0x99: {  	s19 =	simm.s32 $_scs_section_size  }
0x9a: {  	s4 =	simm.s32 $_size__tile_overlayer_lowered;
	s5 =	simm.s32 $_tile_overlayer_lowered  }
0x9b: {  	s22 =	simm.s32 $0x1BFF;
	s21 =	sshll.u32 s5, $0x1;
	s2 =	sadd.s32 s19, s18  }
0x9c: {  	s6 =	simm.s32 $0x0;
	s20 =	sshll.u32 s4, $0x1;
	s4 =	sadd.s32 s21, s2  }
0x9d: {  	[timem:s6], [sflag:s22] =	dma.local [hbm:s4], s20  }
0x9e: {  	_ =	swait.ge [sflag:s22], s20  }
0x9f: {  	s3 =	ssub.s32 $0x0, s20;
	[sflag:s22] =	ssyncset.done $0x0  }
0xa0: {  	[sflag:s22] =	ssyncadd.s32 s3;
	_ =	sdelay $0x1  }
0xa1: {  	s23 =	simm.s32 $0x1B8B  }
0xa2: {  	_ =	swait.ge [sflag:s23], $0x1  }
0xa3: {  	[sflag:s23] =	ssyncset.done $0x0  }
0xa4: {  	s25 =	simm.s32 $0x1B8E;
	s24 =	sld [smem:$0x3FFE];
	[sflag:s23] =	ssyncadd.s32 $0xFFFFFFFF  }
0xa5: {  	s26 =	simm.s32 $execute0_lowered;
	[smem:$0x3FD2] =	sst s25  }
0xa6: {  	s4 =	sshll.u32 s26, $0x1;
	_ =	strace $0x80000049;
	[dreg:$0x1] =	wrdreg $0xFFFFFFFF  }
0xa7: {  	s28 =	simm.s32 $_size_execute0_lowered;
	s2 =	sadd.s32 s2, s4;
	[dreg:$0x0] =	wrdreg $0x0  }
0xa8: {  	s4 =	sshll.u32 s28, $0x1;
	[dreg:$0x2] =	wrdreg s2  }
0xa9: {  	[dreg:$0x3] =	wrdreg s4  }
0xaa: {  	[dreg:$0x4] =	wrdreg $0xC0  }
0xab: {  	_ =	task [dreg:s6], $0x5FFFF  }
0xac: {  	[dreg:$0x1] =	wrdreg $0xFFFFFFFF  }
0xad: {  	[dreg:$0x0] =	wrdreg $0x60  }
0xae: {  	[dreg:$0x2] =	wrdreg s24  }
0xaf: {  	[dreg:$0x3] =	wrdreg $0x94000  }
0xb0: {  	[dreg:$0x4] =	wrdreg $0x9  }
0xb1: {  	_ =	task.clear_ibuf [dreg:s6], $0x5FFFF;
	_ =	strace $0x90000049  }
0xb2: {  	s29 =	simm.s32 $0x9;
	_ =	strace $0x8000004B  }
0xb3: {  	_ =	swait.ge [sflag:s29], $0x1  }
0xb4: {  	[sflag:s29] =	ssyncadd.s32 $0xFFFFFFFF  }
0xb5: {  	_ =	strace $0x9000004B  }
0xb6: {  	_ =	sfence  }
0xb7: {  	s30 =	sld [smem:$0x0];
	_ =	sdelay $0x2  }
0xb8: {  	s31 =	sshll.u32 s1, $0xD;
	s1 =	sshrl.u32 s1, $0x2  }
0xb9: {  	s3 =	sand.u32 $0x4000, s31;
	s1 =	sadd.s32 s1, s30  }
0xba: {  	s0 =	sor.u32 s3, s0;
	s1 =	sshll.u32 s1, $0x11  }
0xbb: {  	s0 =	sor.u32 s1, s0  }
0xbc: {  	s0 =	sadd.s32 $0x8F2B, s0  }
0xbd: {  	[sflag:s0] =	ssyncadd.remote.s32 $0x1  }
0xbe: {  	_ =	sfence.sel $0xFFFF  }
0xbf: {  	[dreg:$0x0] =	wrdreg $0xFFFFFFFF;
	(pc) =	sbr.abs _section_cstart, $3  }
0xc0: {  	[dreg:$0x1] =	wrdreg $0xFFFFFFFF  }
0xc1: {  	_ =	task.clear_ibuf [dreg:s6], $0x2FFFF;
	_ =	strace $0x9FFFFFFF  }
0xc2: {  	(tm) =	ssettm $0x7FFFFFFF  }
0xc3: {  	_ =	shalt  }
tec
execute0_lowered:
.L_overlay_start_1:
0x0: {  	(tag) =	ssettag $0x1  }
0x1: {  	s4 =	rddreg [dreg:$0x0];
	s0 =	srdreg.scid  }
0x2: {  	s2 =	rddreg [dreg:$0x1];
	s1 =	stileid.u32;
	s3 =	simm.s32 $0x0  }
0x3: {  	s19 =	simm.s32 $0x1400;
	s20 =	simm.s32 $0x5400;
	s21 =	simm.s32 $0x1  }
0x4: {  	s22 =	simm.s32 $0x2;
	s23 =	simm.s32 $0x3;
	s6 =	smul.u32 $0x2800, s1  }
0x5: {  	s24 =	simm.s32 $0x4;
	s25 =	simm.s32 $0x0;
	s10 =	smul.u32 $0x50000, s1  }
0x6: {  	s9 =	sand.u32 $0x1, s0;
	s0 =	rddreg [dreg:$0x2];
	s13 =	smul.u32 $0x28000, s1  }
0x7: {  	[smem:$0x7FF] =	sst s3;
	s14 =	sadd.s32 $0x67400, s4;
	s17 =	smul.u32 $0x140000, s1  }
0x8: {  	s11 =	sshll.u32 s1, $0x6;
	s5 =	sshll.u32 s9, $0x4;
	s30 =	smul.u32 $0x280000, s9  }
0x9: {  	_ =	strace $0x8000004A;
	s15 =	smul.u32 $0x1400000, s9;
	s5 =	sor.u32 s1, s5  }
0xa: {  	s8 =	ssub.s32 $0x2, s9;
	s6 =	sadd.s32 s6, s4;
	s7 =	smul.u32 $0x2800, s5  }
0xb: {  	s26 =	sshrl.u32 s8, $0x1;
	s28 =	sshrl.u32 s10, $0x2;
	s29 =	smul.u32 $0x140000, s5  }
0xc: {  	s8 =	ssub.s32 s8, s26;
	s16 =	sadd.s32 s28, s2;
	s12 =	smul.u32 $0x28000, s5  }
0xd: {  	s5 =	sor.u32 $0x1C05, s11;
	s18 =	sadd.s32 s30, s14;
	s15 =	sadd.s32 s17, s15  }
0xe: {  	s17 =	simm.s32 $0x5;
	s8 =	smax.u32 s8, $0x1;
	s18 =	sadd.s32 s13, s18  }
0xf: {  	s15 =	sshrl.u32 s15, $0x3;
	s16 =	sshrl.u32 s16, $0x3;
	s7 =	sshrl.u32 s7, $0x3  }
0x10: {  	s10 =	sshrl.u32 s29, $0x3;
	s12 =	sadd.s32 s12, s14;
	s13 =	sadd.s32 $0x800, s18  }
0x11: {  	s7 =	sadd.s32 s7, s4;
	s4 =	sadd.s32 $0x3F400, s6;
	s31 =	sadd.s32 s14, s10  }
0x12: {  	s10 =	sadd.s32 $0x27000, s12;
	s11 =	sadd.s32 $0x27800, s12;
	s12 =	sadd.s32 $0x13800, s12  }
0x13: {  	s14 =	sadd.s32 s15, s14;
	s15 =	sadd.s32 $0x14800, s18;
	s18 =	simm.s32 $0x80  }
0x14: {  	s6 =	sadd.s32 $0xD400, s7;
	s7 =	sadd.s32 $0xD680, s7;
	s9 =	sadd.s32 $0x13000, s31  }
.LBB2_1:
0x15: {  	[spmem:s16], [sflag:s5] =	dma.local [hbm:s4], $0x2800  }
0x16: {  	_ =	swait.ge [sflag:s17], $0x2800  }
0x17: {  	[sflag:s17] =	ssyncset.done $0x0  }
0x18: {  	[sflag:s17] =	ssyncadd.s32 $0xFFFFD800  }
0x19: {  	[bflag:$0x0] =	sbarrier.arrive $0xFFFF  }
0x1a: {  	[tilespmem:s3], [sflag:$0x5] =	stream.linear.gather [hbm4b:s6+s3], $0x1400, $0x38;
	[tilespmem:$0x1D400] =	vst v63  }
0x1b: {  	_ =	swait.ge [sflag:s17], $0x1400  }
0x1c: {  	[sflag:s17] =	ssyncset.done $0x0  }
0x1d: {  	[sflag:s17] =	ssyncadd.s32 $0xFFFFEC00  }
0x1e: {  	[tilespmem:s19], [sflag:$0x1] =	stream.indirect.gather [spmem:s2], $0x80, s3, s18, $0xb8;
	[tilespmem:$0x1D400] =	vst v63  }
0x1f: {  	_ = 	snop  }
0x20: {  	[tilespmem:s20], [sflag:$0x2] =	stream.indirect.gather [spmem:s2], $0x80, s18, s18, $0xb8;
	[tilespmem:$0x1D400] =	vst v63  }
0x21: {  	_ =	swait.ge [sflag:s21], $0x4000  }
0x22: {  	[sflag:s21] =	ssyncset.done $0x0  }
0x23: {  	s26 =	sadd.s32 $0x0, s14;
	[sflag:s21] =	ssyncadd.s32 $0xFFFFC000  }
0x24: {  	[hbm4b:s26+s3] =	stream.linear.scatter [tilespmem:s19], [sflag:$0x3], $0x4000, $0x38;
	[tilespmem:$0x1D400] =	vst v63  }
0x25: {  	_ =	swait.ge [sflag:s22], $0x4000  }
0x26: {  	[sflag:s22] =	ssyncset.done $0x0  }
0x27: {  	s30 =	sadd.s32 $0x0, s13;
	[sflag:s22] =	ssyncadd.s32 $0xFFFFC000  }
0x28: {  	[hbm4b:s30+s3] =	stream.linear.scatter [tilespmem:s20], [sflag:$0x4], $0x4000, $0x38;
	[tilespmem:$0x1D400] =	vst v63  }
0x29: {  	_ =	swait.ge [sflag:s23], $0x4000  }
0x2a: {  	[sflag:s23] =	ssyncset.done $0x0  }
0x2b: {  	s31 =	simm.s32 $0x100;
	[sflag:s23] =	ssyncadd.s32 $0xFFFFC000  }
0x2c: {  	[tilespmem:s19], [sflag:$0x1] =	stream.indirect.gather [spmem:s2], $0x80, s31, s18, $0xb8;
	[tilespmem:$0x1D400] =	vst v63  }
0x2d: {  	_ =	swait.ge [sflag:s24], $0x4000  }
0x2e: {  	s28 =	simm.s32 $0x1000;
	[sflag:s24] =	ssyncset.done $0x0  }
0x2f: {  	s29 =	simm.s32 $0x280;
	s26 =	simm.s32 $0x180;
	[sflag:s24] =	ssyncadd.s32 $0xFFFFC000  }
.LBB2_2:
0x30: {  	[tilespmem:s20], [sflag:$0x2] =	stream.indirect.gather [spmem:s2], $0x80, s26, s18, $0xb8;
	[tilespmem:$0x1D400] =	vst v63  }
0x31: {  	s30 =	smov.u32 s28;
	s26 =	smov.u32 s29  }
0x32: {  	p0 =	sne.s32 s28, $0x12000;
	s28 =	sadd.s32 $0x1000, s28;
	_ =	swait.ge [sflag:s21], $0x4000  }
0x33: {  	[sflag:s21] =	ssyncset.done $0x0  }
0x34: {  	s31 =	sadd.s32 s30, s14;
	[sflag:s21] =	ssyncadd.s32 $0xFFFFC000  }
0x35: {  	[hbm4b:s31+s3] =	stream.linear.scatter [tilespmem:s19], [sflag:$0x3], $0x4000, $0x38;
	[tilespmem:$0x1D400] =	vst v63  }
0x36: {  	_ =	swait.ge [sflag:s22], $0x4000  }
0x37: {  	[sflag:s22] =	ssyncset.done $0x0  }
0x38: {  	s30 =	sadd.s32 s30, s13;
	[sflag:s22] =	ssyncadd.s32 $0xFFFFC000  }
0x39: {  	[hbm4b:s30+s3] =	stream.linear.scatter [tilespmem:s20], [sflag:$0x4], $0x4000, $0x38;
	[tilespmem:$0x1D400] =	vst v63  }
0x3a: {  	_ =	swait.ge [sflag:s23], $0x4000  }
0x3b: {  	[sflag:s23] =	ssyncset.done $0x0  }
.Ltmp0:
0x3c: {  	s30 =	sadd.s32 $0xFFFFFF80, s29;
	[sflag:s23] =	ssyncadd.s32 $0xFFFFC000;
	(pc) =	sbr.rel @p0 .LBB2_2-.Ltmp0, $4  }
0x3d: {  	[tilespmem:s19], [sflag:$0x1] =	stream.indirect.gather [spmem:s2], $0x80, s30, s18, $0xb8;
	[tilespmem:$0x1D400] =	vst v63  }
0x3e: {  	_ =	swait.ge [sflag:s24], $0x4000  }
0x3f: {  	[sflag:s24] =	ssyncset.done $0x0  }
0x40: {  	s29 =	sadd.s32 $0x100, s29;
	[sflag:s24] =	ssyncadd.s32 $0xFFFFC000  }
0x41: {  	[tilespmem:s20], [sflag:$0x2] =	stream.indirect.gather [spmem:s2], $0x80, s26, s18, $0xb8;
	[tilespmem:$0x1D400] =	vst v63  }
0x42: {  	_ =	swait.ge [sflag:s21], $0x4000  }
0x43: {  	[sflag:s21] =	ssyncset.done $0x0  }
0x44: {  	s31 =	simm.s32 $0x0;
	[sflag:s21] =	ssyncadd.s32 $0xFFFFC000  }
0x45: {  	[hbm4b:s9+s31] =	stream.linear.scatter [tilespmem:s19], [sflag:$0x3], $0x4000, $0x38;
	[tilespmem:$0x1D400] =	vst v63  }
0x46: {  	_ =	swait.ge [sflag:s22], $0x4000  }
0x47: {  	[sflag:s22] =	ssyncset.done $0x0  }
0x48: {  	[sflag:s22] =	ssyncadd.s32 $0xFFFFC000  }
0x49: {  	[hbm4b:s12+s31] =	stream.linear.scatter [tilespmem:s20], [sflag:$0x4], $0x4000, $0x38;
	[tilespmem:$0x1D400] =	vst v63  }
0x4a: {  	_ =	swait.ge [sflag:s23], $0x4000  }
0x4b: {  	[sflag:s23] =	ssyncset.done $0x0  }
0x4c: {  	[sflag:s23] =	ssyncadd.s32 $0xFFFFC000  }
0x4d: {  	_ =	swait.ge [sflag:s24], $0x4000  }
0x4e: {  	[sflag:s24] =	ssyncset.done $0x0  }
0x4f: {  	[sflag:s24] =	ssyncadd.s32 $0xFFFFC000  }
0x50: {  	[tilespmem:s31], [sflag:$0x5] =	stream.linear.gather [hbm4b:s7+s31], $0x1400, $0x38;
	[tilespmem:$0x1D400] =	vst v63  }
0x51: {  	_ =	swait.ge [sflag:s17], $0x1400  }
0x52: {  	[sflag:s17] =	ssyncset.done $0x0  }
0x53: {  	[sflag:s17] =	ssyncadd.s32 $0xFFFFEC00  }
0x54: {  	[tilespmem:s19], [sflag:$0x1] =	stream.indirect.gather [spmem:s2], $0x80, s31, s18, $0xb8;
	[tilespmem:$0x1D400] =	vst v63  }
0x55: {  	_ = 	snop  }
0x56: {  	[tilespmem:s20], [sflag:$0x2] =	stream.indirect.gather [spmem:s2], $0x80, s18, s18, $0xb8;
	[tilespmem:$0x1D400] =	vst v63  }
0x57: {  	_ =	swait.ge [sflag:s21], $0x4000  }
0x58: {  	[sflag:s21] =	ssyncset.done $0x0  }
0x59: {  	s30 =	sadd.s32 $0xFFFFF800, s15;
	[sflag:s21] =	ssyncadd.s32 $0xFFFFC000  }
0x5a: {  	[hbm4b:s30+s3] =	stream.linear.scatter [tilespmem:s19], [sflag:$0x3], $0x4000, $0x38;
	[tilespmem:$0x1D400] =	vst v63  }
0x5b: {  	_ =	swait.ge [sflag:s22], $0x4000  }
0x5c: {  	[sflag:s22] =	ssyncset.done $0x0  }
0x5d: {  	[sflag:s22] =	ssyncadd.s32 $0xFFFFC000  }
0x5e: {  	[hbm4b:s15+s3] =	stream.linear.scatter [tilespmem:s20], [sflag:$0x4], $0x4000, $0x38;
	[tilespmem:$0x1D400] =	vst v63  }
0x5f: {  	_ =	swait.ge [sflag:s23], $0x4000  }
0x60: {  	[sflag:s23] =	ssyncset.done $0x0  }
0x61: {  	s31 =	simm.s32 $0x100;
	[sflag:s23] =	ssyncadd.s32 $0xFFFFC000  }
0x62: {  	[tilespmem:s19], [sflag:$0x1] =	stream.indirect.gather [spmem:s2], $0x80, s31, s18, $0xb8;
	[tilespmem:$0x1D400] =	vst v63  }
0x63: {  	_ =	swait.ge [sflag:s24], $0x4000  }
0x64: {  	s26 =	simm.s32 $0x400;
	[sflag:s24] =	ssyncset.done $0x0  }
0x65: {  	s29 =	simm.s32 $0x180;
	s28 =	sadd.s32 $0x1000, s15;
	[sflag:s24] =	ssyncadd.s32 $0xFFFFC000  }
.LBB2_4:
0x66: {  	[tilespmem:s20], [sflag:$0x2] =	stream.indirect.gather [spmem:s2], $0x80, s29, s18, $0xb8;
	[tilespmem:$0x1D400] =	vst v63  }
0x67: {  	s29 =	smov.u32 s26  }
0x68: {  	p0 =	sne.s32 s26, $0x4800;
	s26 =	sadd.s32 $0x400, s26;
	_ =	swait.ge [sflag:s21], $0x4000  }
0x69: {  	[sflag:s21] =	ssyncset.done $0x0  }
0x6a: {  	s30 =	sadd.s32 $0xFFFFF800, s28;
	[sflag:s21] =	ssyncadd.s32 $0xFFFFC000  }
0x6b: {  	[hbm4b:s30+s3] =	stream.linear.scatter [tilespmem:s19], [sflag:$0x3], $0x4000, $0x38;
	[tilespmem:$0x1D400] =	vst v63  }
0x6c: {  	_ =	swait.ge [sflag:s22], $0x4000  }
0x6d: {  	[sflag:s22] =	ssyncset.done $0x0  }
0x6e: {  	[sflag:s22] =	ssyncadd.s32 $0xFFFFC000  }
0x6f: {  	[hbm4b:s28+s3] =	stream.linear.scatter [tilespmem:s20], [sflag:$0x4], $0x4000, $0x38;
	[tilespmem:$0x1D400] =	vst v63  }
0x70: {  	_ =	swait.ge [sflag:s23], $0x4000  }
0x71: {  	s29 =	sshra.s32 s29, $0x2;
	[sflag:s23] =	ssyncset.done $0x0  }
.Ltmp1:
0x72: {  	s30 =	sadd.s32 $0x100, s29;
	[sflag:s23] =	ssyncadd.s32 $0xFFFFC000;
	(pc) =	sbr.rel @p0 .LBB2_4-.Ltmp1, $4  }
0x73: {  	[tilespmem:s19], [sflag:$0x1] =	stream.indirect.gather [spmem:s2], $0x80, s30, s18, $0xb8;
	[tilespmem:$0x1D400] =	vst v63  }
0x74: {  	_ =	swait.ge [sflag:s24], $0x4000  }
0x75: {  	[sflag:s24] =	ssyncset.done $0x0  }
0x76: {  	s29 =	sadd.s32 $0x180, s29;
	s28 =	sadd.s32 $0x1000, s28;
	[sflag:s24] =	ssyncadd.s32 $0xFFFFC000  }
0x77: {  	[tilespmem:s20], [sflag:$0x2] =	stream.indirect.gather [spmem:s2], $0x80, s29, s18, $0xb8;
	[tilespmem:$0x1D400] =	vst v63  }
0x78: {  	_ =	swait.ge [sflag:s21], $0x4000  }
0x79: {  	[sflag:s21] =	ssyncset.done $0x0  }
0x7a: {  	[sflag:s21] =	ssyncadd.s32 $0xFFFFC000  }
0x7b: {  	[hbm4b:s10+s3] =	stream.linear.scatter [tilespmem:s19], [sflag:$0x3], $0x4000, $0x38;
	[tilespmem:$0x1D400] =	vst v63  }
0x7c: {  	_ =	swait.ge [sflag:s22], $0x4000  }
0x7d: {  	[sflag:s22] =	ssyncset.done $0x0  }
0x7e: {  	s25 =	sadd.s32 $0x1, s25;
	[sflag:s22] =	ssyncadd.s32 $0xFFFFC000  }
0x7f: {  	[hbm4b:s11+s3] =	stream.linear.scatter [tilespmem:s20], [sflag:$0x4], $0x4000, $0x38;
	[tilespmem:$0x1D400] =	vst v63  }
0x80: {  	p0 =	sne.s32 s25, s8;
	_ =	swait.ge [sflag:s23], $0x4000  }
.Ltmp2:
0x81: {  	[sflag:s23] =	ssyncset.done $0x0;
	(pc) =	sbr.rel @p0 .LBB2_1-.Ltmp2, $4  }
0x82: {  	[sflag:s23] =	ssyncadd.s32 $0xFFFFC000  }
0x83: {  	_ =	swait.ge [sflag:s24], $0x4000  }
0x84: {  	[sflag:s24] =	ssyncset.done $0x0  }
0x85: {  	[sflag:s24] =	ssyncadd.s32 $0xFFFFC000  }
0x86: {  	_ =	sfence.sel $0x180000  }
0x87: {  	[bflag:$0x0] =	sbarrier.arrive $0xFFFF  }
0x88: {  	p0 =	sne.s32 s1, $0x0;
	_ =	strace $0x9000004A  }
0x89: {  	s0 =	sadd.s32 @!p0 $0x100000, s0;
	[bflag:$0x2] =	sbarrier.arrive $0xFFFF  }
0x8a: {  	[sflag:s0] =	ssyncadd.tile.s32 @!p0 $0x1;
	_ =	shalt  }
.Lfunc_end2:
_tile_overlayer_lowered:
.L_overlay_start_2:
0x8b: {  	(tag) =	ssettag $0x2  }
0x8c: {  	s0 =	rddreg [dreg:$0x0];
	s2 =	stileid.u32  }
0x8d: {  	s1 =	rddreg [dreg:$0x1];
	p0 =	sne.s32 s2, $0x0  }
0x8e: {  	s3 =	rddreg [dreg:$0x2];
	[bflag:$0x3] =	sbarrier.arrive $0xFFFF;
	s2 =	simm.s32 @!p0 $0x1C05  }
0x8f: {  	[timem:s3], [sflag:s2] =	dma.local @!p0 [hbm:s0], s1  }
0x90: {  	s0 =	simm.s32 @!p0 $0x5  }
0x91: {  	_ =	swait.ge @!p0 [sflag:s0], s1  }
0x92: {  	s1 =	ssub.s32 @!p0 $0x0, s1;
	[sflag:s0] =	ssyncset.done @!p0 $0x0  }
0x93: {  	[sflag:s0] =	ssyncadd.s32 @!p0 s1  }
0x94: {  	[bflag:$0x3] =	sbarrier.arrive $0xFFFF  }
0x95: {  	_ =	shalt  }

// kernel: kernel.16.cloned.1.call-start
scs
__scs_entry_jumppad:
0x0: {  	(pc) =	sbr.rel $0x88, $3  }
0x1: {  	(tag) =	ssettag $0x0;
	lr =	simm.s32 $0x1  }
0x2: {  	[smem:$0x3F99] =	sst lr;
	_ =	strace $0xD0000000  }
0x3: {  	_ = 	snop  }
0x4: {  	_ = 	snop  }
0x5: {  	_ = 	snop  }
0x6: {  	_ = 	snop  }
0x7: {  	_ = 	snop  }
__scs_overlays_trampoline_lowered:
0x8: {  	[smem:$0x3FA8] =	sst s0  }
0x9: {  	[smem:$0x3FA9] =	sst s1  }
0xa: {  	[smem:$0x3FAA] =	sst s2  }
0xb: {  	[smem:$0x3FAB] =	sst s3  }
0xc: {  	[smem:$0x3FAC] =	sst s4  }
0xd: {  	[smem:$0x3FAD] =	sst s5  }
0xe: {  	[smem:$0x3FAE] =	sst s6  }
0xf: {  	[smem:$0x3FAF] =	sst s7  }
0x10: {  	[smem:$0x3FB0] =	sst s8  }
0x11: {  	[smem:$0x3FB1] =	sst s9;
	s0 =	simm.s32 @!p0 $0x0  }
0x12: {  	s1 =	sld [smem:$0x3F97];
	s0 =	simm.s32 @p0 $0x1  }
0x13: {  	[smem:$0x3FB2] =	sst s0;
	s0 =	simm.s32 @!p1 $0x0  }
0x14: {  	s2 =	sld [smem:$0x3F96];
	s0 =	simm.s32 @p1 $0x1  }
0x15: {  	[smem:$0x3FB3] =	sst s0;
	s0 =	simm.s32 @!p2 $0x0  }
0x16: {  	s3 =	sld [smem:$0x3FDB];
	s0 =	simm.s32 @p2 $0x1  }
0x17: {  	s4 =	simm.s32 $0x1BF5;
	[smem:$0x3FB5] =	sst s0  }
0x18: {  	s0 =	sld [smem:$0x3F98];
	_ =	swait.ge [sflag:s4], $0x0  }
0x19: {  	s7 =	sld [smem:$0x3F99]  }
0x1a: {  	s8 =	sadd.s32 $0xFFFFE003, lr  }
0x1b: {  	s9 =	sadd.s32 $0xFFFFFEF7, lr;
	s5 =	simm.s32 $0xFFFFFFFF;
	p2 =	slt.u32 s8, $0xFFFFF086  }
0x1c: {  	p1 =	slt.u32 s9, $0xF7A;
	s5 =	simm.s32 @!p2 $0x0  }
0x1d: {  	s5 =	simm.s32 @p1 $0x1;
	p0 =	seq.s32 s7, s2  }
0x1e: {  	s7 =	smul.u32 @!p0 $0xF7A, s2;
	p2 =	seq.s32 @!p0 s5, $0x0  }
0x1f: {  	s9 =	smul.u32 $0xF7A, s1;
	s8 =	simm.s32 @!p0 $0x1BF5;
	p2 =	por !p2, p0  }
0x20: {  	[sflag:s8] =	ssyncset.s32 @!p0 $0xFFFFF086;
	s6 =	sadd.s32 @!p0 s3, s7;
	s7 =	simm.s32 @!p0 $0x108  }
0x21: {  	s3 =	sadd.s32 s3, s9;
	s6 =	sadd.s32 @!p0 $0x88, s6;
	s7 =	simm.s32 @p2 $0x1082  }
0x22: {  	[simem:s7], [sflag:s8] =	dma.local @!p0 [hbm:s6], $0xF7A  }
0x23: {  	s9 =	sor.u32 $0xD0000000, s2;
	s6 =	simm.s32 $0x108;
	_ =	swait.ge @!p0 [sflag:s8], $0x0  }
0x24: {  	s3 =	sadd.s32 $0x88, s3;
	s6 =	simm.s32 @!p1 $0x1082;
	[sflag:s4] =	ssyncset.s32 $0xFFFFF086  }
0x25: {  	[simem:s6], [sflag:s4] =	dma.local [hbm:s3], $0xF7A  }
0x26: {  	[smem:$0x3F99] =	sst s1;
	(tag) =	ssettag s2;
	_ =	strace s9  }
0x27: {  	s1 =	sld [smem:$0x3FA9]  }
0x28: {  	s2 =	sld [smem:$0x3FAA]  }
0x29: {  	s4 =	sld [smem:$0x3FAC]  }
0x2a: {  	p0 =	seq.s32 s5, $0x0;
	s5 =	sld [smem:$0x3FAD]  }
0x2b: {  	s6 =	sld [smem:$0x3FAE]  }
0x2c: {  	s7 =	sld [smem:$0x3FAF]  }
0x2d: {  	s3 =	simm.s32 $0x108;
	s8 =	sld [smem:$0x3FB0]  }
0x2e: {  	s3 =	simm.s32 @!p0 $0x1082;
	s9 =	sld [smem:$0x3FB1]  }
0x2f: {  	lr =	sadd.s32 s0, s3;
	s0 =	sld [smem:$0x3FA8]  }
0x30: {  	s3 =	sld [smem:$0x3FAB]  }
0x31: {  	[smem:$0x3FB4] =	sst s10  }
0x32: {  	s10 =	sld [smem:$0x3FB2];
	_ =	sdelay $0x3  }
0x33: {  	p0 =	seq.s32 s10, $0x1;
	s10 =	sld [smem:$0x3FB4];
	_ =	sdelay $0x3  }
0x34: {  	[smem:$0x3FB4] =	sst s10  }
0x35: {  	s10 =	sld [smem:$0x3FB3];
	_ =	sdelay $0x3  }
0x36: {  	p1 =	seq.s32 s10, $0x1;
	s10 =	sld [smem:$0x3FB4];
	_ =	sdelay $0x3  }
0x37: {  	[smem:$0x3FB4] =	sst s10  }
0x38: {  	s10 =	sld [smem:$0x3FB5]  }
0x39: {  	_ = 	snop;
	(pc) =	sbr.ind lr, $3  }
0x3a: {  	_ = 	snop  }
0x3b: {  	_ = 	snop  }
0x3c: {  	p2 =	seq.s32 s10, $0x1;
	s10 =	sld [smem:$0x3FB4]  }
0x3d: {  	_ =	shalt  }
0x3e: {  	_ =	shalt  }
0x3f: {  	_ =	shalt  }
0x40: {  	_ =	shalt  }
0x41: {  	_ =	shalt  }
0x42: {  	_ =	shalt  }
0x43: {  	_ =	shalt  }
0x44: {  	_ =	shalt  }
0x45: {  	_ =	shalt  }
0x46: {  	_ =	shalt  }
0x47: {  	_ =	shalt  }
0x48: {  	_ =	shalt  }
0x49: {  	_ =	shalt  }
0x4a: {  	_ =	shalt  }
0x4b: {  	_ =	shalt  }
0x4c: {  	_ =	shalt  }
0x4d: {  	_ =	shalt  }
0x4e: {  	_ =	shalt  }
0x4f: {  	_ =	shalt  }
0x50: {  	_ =	shalt  }
0x51: {  	_ =	shalt  }
0x52: {  	_ =	shalt  }
0x53: {  	_ =	shalt  }
0x54: {  	_ =	shalt  }
0x55: {  	_ =	shalt  }
0x56: {  	_ =	shalt  }
0x57: {  	_ =	shalt  }
0x58: {  	_ =	shalt  }
0x59: {  	_ =	shalt  }
0x5a: {  	_ =	shalt  }
0x5b: {  	_ =	shalt  }
0x5c: {  	_ =	shalt  }
0x5d: {  	_ =	shalt  }
0x5e: {  	_ =	shalt  }
0x5f: {  	_ =	shalt  }
0x60: {  	_ =	shalt  }
0x61: {  	_ =	shalt  }
0x62: {  	_ =	shalt  }
0x63: {  	_ =	shalt  }
0x64: {  	_ =	shalt  }
0x65: {  	_ =	shalt  }
0x66: {  	_ =	shalt  }
0x67: {  	_ =	shalt  }
0x68: {  	_ =	shalt  }
0x69: {  	_ =	shalt  }
0x6a: {  	_ =	shalt  }
0x6b: {  	_ =	shalt  }
0x6c: {  	_ =	shalt  }
0x6d: {  	_ =	shalt  }
0x6e: {  	_ =	shalt  }
0x6f: {  	_ =	shalt  }
0x70: {  	_ =	shalt  }
0x71: {  	_ =	shalt  }
0x72: {  	_ =	shalt  }
0x73: {  	_ =	shalt  }
0x74: {  	_ =	shalt  }
0x75: {  	_ =	shalt  }
0x76: {  	_ =	shalt  }
0x77: {  	_ =	shalt  }
0x78: {  	_ =	shalt  }
0x79: {  	_ =	shalt  }
0x7a: {  	_ =	shalt  }
0x7b: {  	_ =	shalt  }
0x7c: {  	_ =	shalt  }
0x7d: {  	_ =	shalt  }
0x7e: {  	_ =	shalt  }
0x7f: {  	_ =	shalt  }
0x80: {  	_ =	shalt  }
0x81: {  	_ =	shalt  }
0x82: {  	_ =	shalt  }
0x83: {  	_ =	shalt  }
0x84: {  	_ =	shalt  }
0x85: {  	_ =	shalt  }
0x86: {  	_ =	shalt  }
0x87: {  	_ =	shalt  }
.Lfunc_end0:
.L_simem_size_0:
called_computation.2_lowered:
.L_overlay_start_0:
0x88: {  	s2 =	sld [smem:$0x3FD9]  }
0x89: {  	s3 =	sld [smem:$0x3FFE];
	_ =	sdelay $0x1  }
0x8a: {  	s1 =	srdreg.scid  }
0x8b: {  	s0 =	sand.u32 $0x1, s1  }
0x8c: {  	s16 =	sshll.u32 s0, $0xA;
	s2 =	sadd.s32 s3, s2  }
0x8d: {  	s2 =	sadd.s32 s2, s16  }
0x8e: {  	[smem:$0x3FC0] =	sst s2  }
0x8f: {  	_ = 	snop  }
0x90: {  	(tm) =	ssettm $0x1  }
0x91: {  	s17 =	sld [smem:$0x3FFB];
	_ =	sdelay $0x3  }
0x92: {  	_ =	strace s17  }
0x93: {  	s2 =	sld [smem:$0x3FFC];
	_ =	sdelay $0x3  }
0x94: {  	_ =	strace s2  }
0x95: {  	s2 =	sld [smem:$0x3FFD];
	_ =	sdelay $0x3  }
0x96: {  	_ =	strace s2  }
0x97: {  	_ =	strace $0x8FFFFFFF  }
0x98: {  	s18 =	sld [smem:$0x3FDB];
	_ =	sdelay $0x1  }
0x99: {  	s19 =	simm.s32 $_scs_section_size  }
0x9a: {  	s4 =	simm.s32 $_size__tile_overlayer_lowered;
	s5 =	simm.s32 $_tile_overlayer_lowered  }
0x9b: {  	s22 =	simm.s32 $0x1BFF;
	s21 =	sshll.u32 s5, $0x1;
	s2 =	sadd.s32 s19, s18  }
0x9c: {  	s6 =	simm.s32 $0x0;
	s20 =	sshll.u32 s4, $0x1;
	s4 =	sadd.s32 s21, s2  }
0x9d: {  	[timem:s6], [sflag:s22] =	dma.local [hbm:s4], s20  }
0x9e: {  	_ =	swait.ge [sflag:s22], s20  }
0x9f: {  	s3 =	ssub.s32 $0x0, s20;
	[sflag:s22] =	ssyncset.done $0x0  }
0xa0: {  	[sflag:s22] =	ssyncadd.s32 s3;
	_ =	sdelay $0x1  }
0xa1: {  	s23 =	simm.s32 $0x1B8B  }
0xa2: {  	_ =	swait.ge [sflag:s23], $0x1  }
0xa3: {  	[sflag:s23] =	ssyncset.done $0x0  }
0xa4: {  	s25 =	simm.s32 $0x1B8E;
	s24 =	sld [smem:$0x3FFE];
	[sflag:s23] =	ssyncadd.s32 $0xFFFFFFFF  }
0xa5: {  	s26 =	simm.s32 $execute0_lowered;
	[smem:$0x3FD2] =	sst s25  }
0xa6: {  	s4 =	sshll.u32 s26, $0x1;
	_ =	strace $0x8000004C;
	[dreg:$0x1] =	wrdreg $0xFFFFFFFF  }
0xa7: {  	s28 =	simm.s32 $_size_execute0_lowered;
	s2 =	sadd.s32 s2, s4;
	[dreg:$0x0] =	wrdreg $0x0  }
0xa8: {  	s4 =	sshll.u32 s28, $0x1;
	[dreg:$0x2] =	wrdreg s2  }
0xa9: {  	[dreg:$0x3] =	wrdreg s4  }
0xaa: {  	[dreg:$0x4] =	wrdreg $0xC0  }
0xab: {  	_ =	task [dreg:s6], $0x5FFFF  }
0xac: {  	[dreg:$0x1] =	wrdreg $0xFFFFFFFF  }
0xad: {  	[dreg:$0x0] =	wrdreg $0x60  }
0xae: {  	[dreg:$0x2] =	wrdreg s24  }
0xaf: {  	[dreg:$0x3] =	wrdreg $0x94000  }
0xb0: {  	[dreg:$0x4] =	wrdreg $0x9  }
0xb1: {  	_ =	task.clear_ibuf [dreg:s6], $0x5FFFF;
	_ =	strace $0x9000004C  }
0xb2: {  	s29 =	simm.s32 $0x9;
	_ =	strace $0x8000004E  }
0xb3: {  	_ =	swait.ge [sflag:s29], $0x1  }
0xb4: {  	[sflag:s29] =	ssyncadd.s32 $0xFFFFFFFF  }
0xb5: {  	_ =	strace $0x9000004E  }
0xb6: {  	_ =	sfence  }
0xb7: {  	s30 =	sld [smem:$0x0];
	_ =	sdelay $0x2  }
0xb8: {  	s31 =	sshll.u32 s1, $0xD;
	s1 =	sshrl.u32 s1, $0x2  }
0xb9: {  	s3 =	sand.u32 $0x4000, s31;
	s1 =	sadd.s32 s1, s30  }
0xba: {  	s0 =	sor.u32 s3, s0;
	s1 =	sshll.u32 s1, $0x11  }
0xbb: {  	s0 =	sor.u32 s1, s0  }
0xbc: {  	s0 =	sadd.s32 $0x8F2B, s0  }
0xbd: {  	[sflag:s0] =	ssyncadd.remote.s32 $0x1  }
0xbe: {  	_ =	sfence.sel $0xFFFF  }
0xbf: {  	[dreg:$0x0] =	wrdreg $0xFFFFFFFF;
	(pc) =	sbr.abs _section_cstart, $3  }
0xc0: {  	[dreg:$0x1] =	wrdreg $0xFFFFFFFF  }
0xc1: {  	_ =	task.clear_ibuf [dreg:s6], $0x2FFFF;
	_ =	strace $0x9FFFFFFF  }
0xc2: {  	(tm) =	ssettm $0x7FFFFFFF  }
0xc3: {  	_ =	shalt  }
tec
execute0_lowered:
.L_overlay_start_1:
0x0: {  	(tag) =	ssettag $0x1  }
0x1: {  	s5 =	rddreg [dreg:$0x0]  }
0x2: {  	s1 =	rddreg [dreg:$0x1];
	s3 =	simm.s32 $0x0;
	s2 =	srdreg.scid  }
0x3: {  	s18 =	simm.s32 $0x1400;
	[smem:$0x7FF] =	sst s3;
	s10 =	sand.u32 $0x1, s2  }
0x4: {  	s28 =	simm.s32 $0x0;
	s2 =	stileid.u32;
	s6 =	smul.u32 $0x140000, s10  }
0x5: {  	s11 =	sadd.s32 $0x67400, s5;
	s9 =	sadd.s32 $0x3000, s5;
	s7 =	smul.u32 $0x14000, s2  }
0x6: {  	s4 =	sadd.s32 $0x3F400, s5;
	_ =	strace $0x8000004D;
	s8 =	smul.u32 $0x50000, s2  }
0x7: {  	s19 =	sshll.u32 s10, $0x4;
	s12 =	ssub.s32 $0x2, s10;
	s25 =	smul.u32 $0x280000, s10  }
0x8: {  	s21 =	sshll.u32 s2, $0x6;
	s30 =	smul.u32 $0x28000, s2;
	s13 =	sor.u32 s2, s19  }
0x9: {  	s20 =	sshrl.u32 s12, $0x1;
	s19 =	simm.s32 $0x5400;
	s14 =	smul.u32 $0x2800, s13  }
0xa: {  	s6 =	sadd.s32 s7, s6;
	s8 =	sshrl.u32 s8, $0x2;
	s23 =	smul.u32 $0x28000, s13  }
0xb: {  	s16 =	ssub.s32 s12, s20;
	s13 =	smul.u32 $0x140000, s13;
	s6 =	sshrl.u32 s6, $0x3  }
0xc: {  	s20 =	simm.s32 $0x1;
	s17 =	sadd.s32 s8, s1;
	s15 =	sadd.s32 s6, s5  }
0xd: {  	s22 =	sshrl.u32 s14, $0x3;
	s5 =	sor.u32 $0x1C05, s21;
	s24 =	sadd.s32 $0x1400, s14  }
0xe: {  	s7 =	sadd.s32 s11, s23;
	s29 =	sshrl.u32 s13, $0x3;
	s13 =	smax.u32 s16, $0x1  }
0xf: {  	s16 =	sshrl.u32 s17, $0x3;
	s17 =	simm.s32 $0x5;
	s21 =	simm.s32 $0x80  }
0x10: {  	s23 =	simm.s32 $0x3;
	s6 =	sadd.s32 s9, s22;
	s14 =	sshrl.u32 s24, $0x3  }
0x11: {  	s8 =	sadd.s32 $0x800, s7;
	s26 =	sshll.u32 s24, $0x4;
	s12 =	sadd.s32 s11, s29  }
0x12: {  	s22 =	simm.s32 $0x2;
	s24 =	simm.s32 $0x4;
	s9 =	sadd.s32 s9, s14  }
0x13: {  	s10 =	sadd.s32 s11, s26;
	s14 =	sadd.s32 s25, s11;
	s11 =	sadd.s32 $0x14800, s12  }
0x14: {  	s12 =	sadd.s32 $0x567400, s15;
	s25 =	simm.s32 $0x1300;
	s31 =	sadd.s32 s30, s14  }
0x15: {  	s26 =	simm.s32 $0x1380;
	s14 =	sadd.s32 $0x1800, s31;
	s15 =	sadd.s32 $0x15800, s31  }
.LBB2_1:
0x16: {  	[spmem:s16], [sflag:s5] =	dma.local [hbm:s4], $0x2800  }
0x17: {  	_ =	swait.ge [sflag:s17], $0x2800  }
0x18: {  	[sflag:s17] =	ssyncset.done $0x0  }
0x19: {  	[sflag:s17] =	ssyncadd.s32 $0xFFFFD800  }
0x1a: {  	[bflag:$0x0] =	sbarrier.arrive $0xFFFF  }
0x1b: {  	[tilespmem:s3], [sflag:$0x5] =	stream.linear.gather [hbm4b:s6+s3], $0x1400, $0x38;
	[tilespmem:$0x1D400] =	vst v63  }
0x1c: {  	_ =	swait.ge [sflag:s17], $0x1400  }
0x1d: {  	[sflag:s17] =	ssyncset.done $0x0  }
0x1e: {  	[sflag:s17] =	ssyncadd.s32 $0xFFFFEC00  }
0x1f: {  	[tilespmem:s18], [sflag:$0x1] =	stream.linear.gather [hbm4b:s7+s3], $0x4000, $0x38;
	[tilespmem:$0x1D400] =	vst v63  }
0x20: {  	_ = 	snop  }
0x21: {  	[tilespmem:s19], [sflag:$0x2] =	stream.linear.gather [hbm4b:s8+s3], $0x4000, $0x38;
	[tilespmem:$0x1D400] =	vst v63  }
0x22: {  	_ =	swait.ge [sflag:s20], $0x4000  }
0x23: {  	[sflag:s20] =	ssyncset.done $0x0  }
0x24: {  	s29 =	simm.s32 $0x0;
	[sflag:s20] =	ssyncadd.s32 $0xFFFFC000  }
0x25: {  	[spmem:s1] =	stream.indirect.scatter.add.f32 [tilespmem:s18], [sflag:$0x3], $0x80, s29, s21, $0xb8;
	[tilespmem:$0x1D400] =	vst v63  }
0x26: {  	_ =	swait.ge [sflag:s22], $0x4000  }
0x27: {  	[sflag:s22] =	ssyncset.done $0x0  }
0x28: {  	s29 =	simm.s32 $0x80;
	[sflag:s22] =	ssyncadd.s32 $0xFFFFC000  }
0x29: {  	[spmem:s1] =	stream.indirect.scatter.add.f32 [tilespmem:s19], [sflag:$0x4], $0x80, s29, s21, $0xb8;
	[tilespmem:$0x1D400] =	vst v63  }
0x2a: {  	_ =	swait.ge [sflag:s23], $0x4000  }
0x2b: {  	[sflag:s23] =	ssyncset.done $0x0  }
0x2c: {  	s29 =	sadd.s32 $0xFFFFF800, s14;
	[sflag:s23] =	ssyncadd.s32 $0xFFFFC000  }
0x2d: {  	[tilespmem:s18], [sflag:$0x1] =	stream.linear.gather [hbm4b:s29+s3], $0x4000, $0x38;
	[tilespmem:$0x1D400] =	vst v63  }
0x2e: {  	_ =	swait.ge [sflag:s24], $0x4000  }
0x2f: {  	s30 =	sadd.s32 $0x1000, s14;
	[sflag:s24] =	ssyncset.done $0x0  }
0x30: {  	s31 =	smov.u32 s14;
	s29 =	simm.s32 $0x400;
	[sflag:s24] =	ssyncadd.s32 $0xFFFFC000  }
.LBB2_2:
0x31: {  	[tilespmem:s19], [sflag:$0x2] =	stream.linear.gather [hbm4b:s31+s3], $0x4000, $0x38;
	[tilespmem:$0x1D400] =	vst v63  }
0x32: {  	s0 =	smov.u32 s29;
	s31 =	smov.u32 s30  }
0x33: {  	p0 =	sne.s32 s29, $0x4800;
	s29 =	sadd.s32 $0x400, s29;
	_ =	swait.ge [sflag:s20], $0x4000  }
0x34: {  	[sflag:s20] =	ssyncset.done $0x0  }
0x35: {  	s0 =	sshra.s32 s0, $0x2;
	[sflag:s20] =	ssyncadd.s32 $0xFFFFC000  }
0x36: {  	[spmem:s1] =	stream.indirect.scatter.add.f32 [tilespmem:s18], [sflag:$0x3], $0x80, s0, s21, $0xb8;
	[tilespmem:$0x1D400] =	vst v63  }
0x37: {  	_ =	swait.ge [sflag:s22], $0x4000  }
0x38: {  	[sflag:s22] =	ssyncset.done $0x0  }
0x39: {  	s0 =	sadd.s32 $0x80, s0;
	[sflag:s22] =	ssyncadd.s32 $0xFFFFC000  }
0x3a: {  	[spmem:s1] =	stream.indirect.scatter.add.f32 [tilespmem:s19], [sflag:$0x4], $0x80, s0, s21, $0xb8;
	[tilespmem:$0x1D400] =	vst v63  }
0x3b: {  	_ =	swait.ge [sflag:s23], $0x4000  }
0x3c: {  	[sflag:s23] =	ssyncset.done $0x0  }
.Ltmp0:
0x3d: {  	s0 =	sadd.s32 $0xFFFFF800, s30;
	[sflag:s23] =	ssyncadd.s32 $0xFFFFC000;
	(pc) =	sbr.rel @p0 .LBB2_2-.Ltmp0, $4  }
0x3e: {  	[tilespmem:s18], [sflag:$0x1] =	stream.linear.gather [hbm4b:s0+s3], $0x4000, $0x38;
	[tilespmem:$0x1D400] =	vst v63  }
0x3f: {  	_ =	swait.ge [sflag:s24], $0x4000  }
0x40: {  	[sflag:s24] =	ssyncset.done $0x0  }
0x41: {  	s30 =	sadd.s32 $0x1000, s30;
	[sflag:s24] =	ssyncadd.s32 $0xFFFFC000  }
0x42: {  	[tilespmem:s19], [sflag:$0x2] =	stream.linear.gather [hbm4b:s31+s3], $0x4000, $0x38;
	[tilespmem:$0x1D400] =	vst v63  }
0x43: {  	_ =	swait.ge [sflag:s20], $0x4000  }
0x44: {  	[sflag:s20] =	ssyncset.done $0x0  }
0x45: {  	[sflag:s20] =	ssyncadd.s32 $0xFFFFC000  }
0x46: {  	[spmem:s1] =	stream.indirect.scatter.add.f32 [tilespmem:s18], [sflag:$0x3], $0x80, s25, s21, $0xb8;
	[tilespmem:$0x1D400] =	vst v63  }
0x47: {  	_ =	swait.ge [sflag:s22], $0x4000  }
0x48: {  	[sflag:s22] =	ssyncset.done $0x0  }
0x49: {  	[sflag:s22] =	ssyncadd.s32 $0xFFFFC000  }
0x4a: {  	[spmem:s1] =	stream.indirect.scatter.add.f32 [tilespmem:s19], [sflag:$0x4], $0x80, s26, s21, $0xb8;
	[tilespmem:$0x1D400] =	vst v63  }
0x4b: {  	_ =	swait.ge [sflag:s23], $0x4000  }
0x4c: {  	[sflag:s23] =	ssyncset.done $0x0  }
0x4d: {  	[sflag:s23] =	ssyncadd.s32 $0xFFFFC000  }
0x4e: {  	_ =	swait.ge [sflag:s24], $0x4000  }
0x4f: {  	[sflag:s24] =	ssyncset.done $0x0  }
0x50: {  	s0 =	simm.s32 $0x0;
	[sflag:s24] =	ssyncadd.s32 $0xFFFFC000  }
0x51: {  	[tilespmem:s0], [sflag:$0x5] =	stream.linear.gather [hbm4b:s9+s0], $0x1400, $0x38;
	[tilespmem:$0x1D400] =	vst v63  }
0x52: {  	_ =	swait.ge [sflag:s17], $0x1400  }
0x53: {  	[sflag:s17] =	ssyncset.done $0x0  }
0x54: {  	[sflag:s17] =	ssyncadd.s32 $0xFFFFEC00  }
0x55: {  	[tilespmem:s18], [sflag:$0x1] =	stream.linear.gather [hbm4b:s10+s0], $0x4000, $0x38;
	[tilespmem:$0x1D400] =	vst v63  }
0x56: {  	_ = 	snop  }
0x57: {  	[tilespmem:s19], [sflag:$0x2] =	stream.linear.gather [hbm4b:s11+s0], $0x4000, $0x38;
	[tilespmem:$0x1D400] =	vst v63  }
0x58: {  	_ =	swait.ge [sflag:s20], $0x4000  }
0x59: {  	[sflag:s20] =	ssyncset.done $0x0  }
0x5a: {  	s0 =	simm.s32 $0x0;
	[sflag:s20] =	ssyncadd.s32 $0xFFFFC000  }
0x5b: {  	[spmem:s1] =	stream.indirect.scatter.add.f32 [tilespmem:s18], [sflag:$0x3], $0x80, s0, s21, $0xb8;
	[tilespmem:$0x1D400] =	vst v63  }
0x5c: {  	_ =	swait.ge [sflag:s22], $0x4000  }
0x5d: {  	[sflag:s22] =	ssyncset.done $0x0  }
0x5e: {  	s0 =	simm.s32 $0x80;
	[sflag:s22] =	ssyncadd.s32 $0xFFFFC000  }
0x5f: {  	[spmem:s1] =	stream.indirect.scatter.add.f32 [tilespmem:s19], [sflag:$0x4], $0x80, s0, s21, $0xb8;
	[tilespmem:$0x1D400] =	vst v63  }
0x60: {  	_ =	swait.ge [sflag:s23], $0x4000  }
0x61: {  	[sflag:s23] =	ssyncset.done $0x0  }
0x62: {  	s0 =	sadd.s32 $0xFFFFF800, s15;
	[sflag:s23] =	ssyncadd.s32 $0xFFFFC000  }
0x63: {  	[tilespmem:s18], [sflag:$0x1] =	stream.linear.gather [hbm4b:s0+s3], $0x4000, $0x38;
	[tilespmem:$0x1D400] =	vst v63  }
0x64: {  	_ =	swait.ge [sflag:s24], $0x4000  }
0x65: {  	s29 =	simm.s32 $0x400;
	[sflag:s24] =	ssyncset.done $0x0  }
0x66: {  	s30 =	sadd.s32 $0x1000, s15;
	s31 =	smov.u32 s15;
	[sflag:s24] =	ssyncadd.s32 $0xFFFFC000  }
.LBB2_4:
0x67: {  	[tilespmem:s19], [sflag:$0x2] =	stream.linear.gather [hbm4b:s31+s3], $0x4000, $0x38;
	[tilespmem:$0x1D400] =	vst v63  }
0x68: {  	s0 =	smov.u32 s29;
	s31 =	smov.u32 s30  }
0x69: {  	p0 =	sne.s32 s29, $0x4800;
	s29 =	sadd.s32 $0x400, s29;
	_ =	swait.ge [sflag:s20], $0x4000  }
0x6a: {  	[sflag:s20] =	ssyncset.done $0x0  }
0x6b: {  	s0 =	sshra.s32 s0, $0x2;
	[sflag:s20] =	ssyncadd.s32 $0xFFFFC000  }
0x6c: {  	[spmem:s1] =	stream.indirect.scatter.add.f32 [tilespmem:s18], [sflag:$0x3], $0x80, s0, s21, $0xb8;
	[tilespmem:$0x1D400] =	vst v63  }
0x6d: {  	_ =	swait.ge [sflag:s22], $0x4000  }
0x6e: {  	[sflag:s22] =	ssyncset.done $0x0  }
0x6f: {  	s0 =	sadd.s32 $0x80, s0;
	[sflag:s22] =	ssyncadd.s32 $0xFFFFC000  }
0x70: {  	[spmem:s1] =	stream.indirect.scatter.add.f32 [tilespmem:s19], [sflag:$0x4], $0x80, s0, s21, $0xb8;
	[tilespmem:$0x1D400] =	vst v63  }
0x71: {  	_ =	swait.ge [sflag:s23], $0x4000  }
0x72: {  	[sflag:s23] =	ssyncset.done $0x0  }
.Ltmp1:
0x73: {  	s0 =	sadd.s32 $0xFFFFF800, s30;
	[sflag:s23] =	ssyncadd.s32 $0xFFFFC000;
	(pc) =	sbr.rel @p0 .LBB2_4-.Ltmp1, $4  }
0x74: {  	[tilespmem:s18], [sflag:$0x1] =	stream.linear.gather [hbm4b:s0+s3], $0x4000, $0x38;
	[tilespmem:$0x1D400] =	vst v63  }
0x75: {  	_ =	swait.ge [sflag:s24], $0x4000  }
0x76: {  	[sflag:s24] =	ssyncset.done $0x0  }
0x77: {  	s30 =	sadd.s32 $0x1000, s30;
	[sflag:s24] =	ssyncadd.s32 $0xFFFFC000  }
0x78: {  	[tilespmem:s19], [sflag:$0x2] =	stream.linear.gather [hbm4b:s31+s3], $0x4000, $0x38;
	[tilespmem:$0x1D400] =	vst v63  }
0x79: {  	_ =	swait.ge [sflag:s20], $0x4000  }
0x7a: {  	[sflag:s20] =	ssyncset.done $0x0  }
0x7b: {  	[sflag:s20] =	ssyncadd.s32 $0xFFFFC000  }
0x7c: {  	[spmem:s1] =	stream.indirect.scatter.add.f32 [tilespmem:s18], [sflag:$0x3], $0x80, s25, s21, $0xb8;
	[tilespmem:$0x1D400] =	vst v63  }
0x7d: {  	_ =	swait.ge [sflag:s22], $0x4000  }
0x7e: {  	[sflag:s22] =	ssyncset.done $0x0  }
0x7f: {  	[sflag:s22] =	ssyncadd.s32 $0xFFFFC000  }
0x80: {  	[spmem:s1] =	stream.indirect.scatter.add.f32 [tilespmem:s19], [sflag:$0x4], $0x80, s26, s21, $0xb8;
	[tilespmem:$0x1D400] =	vst v63  }
0x81: {  	_ =	swait.ge [sflag:s23], $0x4000  }
0x82: {  	[sflag:s23] =	ssyncset.done $0x0  }
0x83: {  	[sflag:s23] =	ssyncadd.s32 $0xFFFFC000  }
0x84: {  	_ =	swait.ge [sflag:s24], $0x4000  }
0x85: {  	s28 =	sadd.s32 $0x1, s28;
	[sflag:s24] =	ssyncset.done $0x0  }
0x86: {  	p0 =	sne.s32 s28, s13;
	[sflag:s24] =	ssyncadd.s32 $0xFFFFC000  }
.Ltmp2:
0x87: {  	[bflag:$0x0] =	sbarrier.arrive $0xFFFF;
	(pc) =	sbr.rel @p0 .LBB2_1-.Ltmp2, $4  }
0x88: {  	[hbm:s12], [sflag:s5] =	dma.local [spmem:s16], $0x2800  }
0x89: {  	_ =	swait.ge [sflag:s17], $0x2800  }
0x8a: {  	[sflag:s17] =	ssyncset.done $0x0  }
0x8b: {  	[sflag:s17] =	ssyncadd.s32 $0xFFFFD800  }
0x8c: {  	_ =	sfence.sel $0x180000  }
0x8d: {  	[bflag:$0x0] =	sbarrier.arrive $0xFFFF  }
0x8e: {  	_ =	strace $0x9000004D  }
0x8f: {  	[bflag:$0x2] =	sbarrier.arrive $0xFFFF  }
0x90: {  	p0 =	sne.s32 s2, $0x0;
	s0 =	rddreg [dreg:$0x2]  }
0x91: {  	s0 =	sadd.s32 @!p0 $0x100000, s0  }
0x92: {  	[sflag:s0] =	ssyncadd.tile.s32 @!p0 $0x1;
	_ =	shalt  }
.Lfunc_end2:
_tile_overlayer_lowered:
.L_overlay_start_2:
0x93: {  	(tag) =	ssettag $0x2  }
0x94: {  	s0 =	rddreg [dreg:$0x0];
	s2 =	stileid.u32  }
0x95: {  	s1 =	rddreg [dreg:$0x1];
	p0 =	sne.s32 s2, $0x0  }
0x96: {  	s3 =	rddreg [dreg:$0x2];
	[bflag:$0x3] =	sbarrier.arrive $0xFFFF;
	s2 =	simm.s32 @!p0 $0x1C05  }
0x97: {  	[timem:s3], [sflag:s2] =	dma.local @!p0 [hbm:s0], s1  }
0x98: {  	s0 =	simm.s32 @!p0 $0x5  }
0x99: {  	_ =	swait.ge @!p0 [sflag:s0], s1  }
0x9a: {  	s1 =	ssub.s32 @!p0 $0x0, s1;
	[sflag:s0] =	ssyncset.done @!p0 $0x0  }
0x9b: {  	[sflag:s0] =	ssyncadd.s32 @!p0 s1  }
0x9c: {  	[bflag:$0x3] =	sbarrier.arrive $0xFFFF  }
0x9d: {  	_ =	shalt  }

// kernel: kernel.19.cloned.1.call-start
scs
__scs_entry_jumppad:
0x0: {  	(pc) =	sbr.rel $0x88, $3  }
0x1: {  	(tag) =	ssettag $0x0;
	lr =	simm.s32 $0x1  }
0x2: {  	[smem:$0x3F99] =	sst lr;
	_ =	strace $0xD0000000  }
0x3: {  	_ = 	snop  }
0x4: {  	_ = 	snop  }
0x5: {  	_ = 	snop  }
0x6: {  	_ = 	snop  }
0x7: {  	_ = 	snop  }
__scs_overlays_trampoline_lowered:
0x8: {  	[smem:$0x3FA8] =	sst s0  }
0x9: {  	[smem:$0x3FA9] =	sst s1  }
0xa: {  	[smem:$0x3FAA] =	sst s2  }
0xb: {  	[smem:$0x3FAB] =	sst s3  }
0xc: {  	[smem:$0x3FAC] =	sst s4  }
0xd: {  	[smem:$0x3FAD] =	sst s5  }
0xe: {  	[smem:$0x3FAE] =	sst s6  }
0xf: {  	[smem:$0x3FAF] =	sst s7  }
0x10: {  	[smem:$0x3FB0] =	sst s8  }
0x11: {  	[smem:$0x3FB1] =	sst s9;
	s0 =	simm.s32 @!p0 $0x0  }
0x12: {  	s1 =	sld [smem:$0x3F97];
	s0 =	simm.s32 @p0 $0x1  }
0x13: {  	[smem:$0x3FB2] =	sst s0;
	s0 =	simm.s32 @!p1 $0x0  }
0x14: {  	s2 =	sld [smem:$0x3F96];
	s0 =	simm.s32 @p1 $0x1  }
0x15: {  	[smem:$0x3FB3] =	sst s0;
	s0 =	simm.s32 @!p2 $0x0  }
0x16: {  	s3 =	sld [smem:$0x3FDB];
	s0 =	simm.s32 @p2 $0x1  }
0x17: {  	s4 =	simm.s32 $0x1BF5;
	[smem:$0x3FB5] =	sst s0  }
0x18: {  	s0 =	sld [smem:$0x3F98];
	_ =	swait.ge [sflag:s4], $0x0  }
0x19: {  	s7 =	sld [smem:$0x3F99]  }
0x1a: {  	s8 =	sadd.s32 $0xFFFFE003, lr  }
0x1b: {  	s9 =	sadd.s32 $0xFFFFFEF7, lr;
	s5 =	simm.s32 $0xFFFFFFFF;
	p2 =	slt.u32 s8, $0xFFFFF086  }
0x1c: {  	p1 =	slt.u32 s9, $0xF7A;
	s5 =	simm.s32 @!p2 $0x0  }
0x1d: {  	s5 =	simm.s32 @p1 $0x1;
	p0 =	seq.s32 s7, s2  }
0x1e: {  	s7 =	smul.u32 @!p0 $0xF7A, s2;
	p2 =	seq.s32 @!p0 s5, $0x0  }
0x1f: {  	s9 =	smul.u32 $0xF7A, s1;
	s8 =	simm.s32 @!p0 $0x1BF5;
	p2 =	por !p2, p0  }
0x20: {  	[sflag:s8] =	ssyncset.s32 @!p0 $0xFFFFF086;
	s6 =	sadd.s32 @!p0 s3, s7;
	s7 =	simm.s32 @!p0 $0x108  }
0x21: {  	s3 =	sadd.s32 s3, s9;
	s6 =	sadd.s32 @!p0 $0x88, s6;
	s7 =	simm.s32 @p2 $0x1082  }
0x22: {  	[simem:s7], [sflag:s8] =	dma.local @!p0 [hbm:s6], $0xF7A  }
0x23: {  	s9 =	sor.u32 $0xD0000000, s2;
	s6 =	simm.s32 $0x108;
	_ =	swait.ge @!p0 [sflag:s8], $0x0  }
0x24: {  	s3 =	sadd.s32 $0x88, s3;
	s6 =	simm.s32 @!p1 $0x1082;
	[sflag:s4] =	ssyncset.s32 $0xFFFFF086  }
0x25: {  	[simem:s6], [sflag:s4] =	dma.local [hbm:s3], $0xF7A  }
0x26: {  	[smem:$0x3F99] =	sst s1;
	(tag) =	ssettag s2;
	_ =	strace s9  }
0x27: {  	s1 =	sld [smem:$0x3FA9]  }
0x28: {  	s2 =	sld [smem:$0x3FAA]  }
0x29: {  	s4 =	sld [smem:$0x3FAC]  }
0x2a: {  	p0 =	seq.s32 s5, $0x0;
	s5 =	sld [smem:$0x3FAD]  }
0x2b: {  	s6 =	sld [smem:$0x3FAE]  }
0x2c: {  	s7 =	sld [smem:$0x3FAF]  }
0x2d: {  	s3 =	simm.s32 $0x108;
	s8 =	sld [smem:$0x3FB0]  }
0x2e: {  	s3 =	simm.s32 @!p0 $0x1082;
	s9 =	sld [smem:$0x3FB1]  }
0x2f: {  	lr =	sadd.s32 s0, s3;
	s0 =	sld [smem:$0x3FA8]  }
0x30: {  	s3 =	sld [smem:$0x3FAB]  }
0x31: {  	[smem:$0x3FB4] =	sst s10  }
0x32: {  	s10 =	sld [smem:$0x3FB2];
	_ =	sdelay $0x3  }
0x33: {  	p0 =	seq.s32 s10, $0x1;
	s10 =	sld [smem:$0x3FB4];
	_ =	sdelay $0x3  }
0x34: {  	[smem:$0x3FB4] =	sst s10  }
0x35: {  	s10 =	sld [smem:$0x3FB3];
	_ =	sdelay $0x3  }
0x36: {  	p1 =	seq.s32 s10, $0x1;
	s10 =	sld [smem:$0x3FB4];
	_ =	sdelay $0x3  }
0x37: {  	[smem:$0x3FB4] =	sst s10  }
0x38: {  	s10 =	sld [smem:$0x3FB5]  }
0x39: {  	_ = 	snop;
	(pc) =	sbr.ind lr, $3  }
0x3a: {  	_ = 	snop  }
0x3b: {  	_ = 	snop  }
0x3c: {  	p2 =	seq.s32 s10, $0x1;
	s10 =	sld [smem:$0x3FB4]  }
0x3d: {  	_ =	shalt  }
0x3e: {  	_ =	shalt  }
0x3f: {  	_ =	shalt  }
0x40: {  	_ =	shalt  }
0x41: {  	_ =	shalt  }
0x42: {  	_ =	shalt  }
0x43: {  	_ =	shalt  }
0x44: {  	_ =	shalt  }
0x45: {  	_ =	shalt  }
0x46: {  	_ =	shalt  }
0x47: {  	_ =	shalt  }
0x48: {  	_ =	shalt  }
0x49: {  	_ =	shalt  }
0x4a: {  	_ =	shalt  }
0x4b: {  	_ =	shalt  }
0x4c: {  	_ =	shalt  }
0x4d: {  	_ =	shalt  }
0x4e: {  	_ =	shalt  }
0x4f: {  	_ =	shalt  }
0x50: {  	_ =	shalt  }
0x51: {  	_ =	shalt  }
0x52: {  	_ =	shalt  }
0x53: {  	_ =	shalt  }
0x54: {  	_ =	shalt  }
0x55: {  	_ =	shalt  }
0x56: {  	_ =	shalt  }
0x57: {  	_ =	shalt  }
0x58: {  	_ =	shalt  }
0x59: {  	_ =	shalt  }
0x5a: {  	_ =	shalt  }
0x5b: {  	_ =	shalt  }
0x5c: {  	_ =	shalt  }
0x5d: {  	_ =	shalt  }
0x5e: {  	_ =	shalt  }
0x5f: {  	_ =	shalt  }
0x60: {  	_ =	shalt  }
0x61: {  	_ =	shalt  }
0x62: {  	_ =	shalt  }
0x63: {  	_ =	shalt  }
0x64: {  	_ =	shalt  }
0x65: {  	_ =	shalt  }
0x66: {  	_ =	shalt  }
0x67: {  	_ =	shalt  }
0x68: {  	_ =	shalt  }
0x69: {  	_ =	shalt  }
0x6a: {  	_ =	shalt  }
0x6b: {  	_ =	shalt  }
0x6c: {  	_ =	shalt  }
0x6d: {  	_ =	shalt  }
0x6e: {  	_ =	shalt  }
0x6f: {  	_ =	shalt  }
0x70: {  	_ =	shalt  }
0x71: {  	_ =	shalt  }
0x72: {  	_ =	shalt  }
0x73: {  	_ =	shalt  }
0x74: {  	_ =	shalt  }
0x75: {  	_ =	shalt  }
0x76: {  	_ =	shalt  }
0x77: {  	_ =	shalt  }
0x78: {  	_ =	shalt  }
0x79: {  	_ =	shalt  }
0x7a: {  	_ =	shalt  }
0x7b: {  	_ =	shalt  }
0x7c: {  	_ =	shalt  }
0x7d: {  	_ =	shalt  }
0x7e: {  	_ =	shalt  }
0x7f: {  	_ =	shalt  }
0x80: {  	_ =	shalt  }
0x81: {  	_ =	shalt  }
0x82: {  	_ =	shalt  }
0x83: {  	_ =	shalt  }
0x84: {  	_ =	shalt  }
0x85: {  	_ =	shalt  }
0x86: {  	_ =	shalt  }
0x87: {  	_ =	shalt  }
.Lfunc_end0:
.L_simem_size_0:
called_computation.3_lowered:
.L_overlay_start_0:
0x88: {  	s2 =	sld [smem:$0x3FD9]  }
0x89: {  	s3 =	sld [smem:$0x3FFE];
	_ =	sdelay $0x1  }
0x8a: {  	s1 =	srdreg.scid  }
0x8b: {  	s0 =	sand.u32 $0x1, s1  }
0x8c: {  	s16 =	sshll.u32 s0, $0xA;
	s2 =	sadd.s32 s3, s2  }
0x8d: {  	s2 =	sadd.s32 s2, s16  }
0x8e: {  	[smem:$0x3FC0] =	sst s2  }
0x8f: {  	_ = 	snop  }
0x90: {  	(tm) =	ssettm $0x1  }
0x91: {  	s17 =	sld [smem:$0x3FFB];
	_ =	sdelay $0x3  }
0x92: {  	_ =	strace s17  }
0x93: {  	s2 =	sld [smem:$0x3FFC];
	_ =	sdelay $0x3  }
0x94: {  	_ =	strace s2  }
0x95: {  	s2 =	sld [smem:$0x3FFD];
	_ =	sdelay $0x3  }
0x96: {  	_ =	strace s2  }
0x97: {  	_ =	strace $0x8FFFFFFF  }
0x98: {  	s18 =	sld [smem:$0x3FDB];
	_ =	sdelay $0x1  }
0x99: {  	s19 =	simm.s32 $_scs_section_size  }
0x9a: {  	s4 =	simm.s32 $_size__tile_overlayer_lowered;
	s5 =	simm.s32 $_tile_overlayer_lowered  }
0x9b: {  	s22 =	simm.s32 $0x1BFF;
	s21 =	sshll.u32 s5, $0x1;
	s2 =	sadd.s32 s19, s18  }
0x9c: {  	s6 =	simm.s32 $0x0;
	s20 =	sshll.u32 s4, $0x1;
	s4 =	sadd.s32 s21, s2  }
0x9d: {  	[timem:s6], [sflag:s22] =	dma.local [hbm:s4], s20  }
0x9e: {  	_ =	swait.ge [sflag:s22], s20  }
0x9f: {  	s3 =	ssub.s32 $0x0, s20;
	[sflag:s22] =	ssyncset.done $0x0  }
0xa0: {  	[sflag:s22] =	ssyncadd.s32 s3;
	_ =	sdelay $0x1  }
0xa1: {  	s23 =	simm.s32 $0x1B8B  }
0xa2: {  	_ =	swait.ge [sflag:s23], $0x1  }
0xa3: {  	[sflag:s23] =	ssyncset.done $0x0  }
0xa4: {  	s25 =	simm.s32 $0x1B8E;
	s24 =	sld [smem:$0x3FFE];
	[sflag:s23] =	ssyncadd.s32 $0xFFFFFFFF  }
0xa5: {  	s26 =	simm.s32 $execute0_lowered;
	[smem:$0x3FD2] =	sst s25  }
0xa6: {  	s4 =	sshll.u32 s26, $0x1;
	_ =	strace $0x8000004F;
	[dreg:$0x1] =	wrdreg $0xFFFFFFFF  }
0xa7: {  	s28 =	simm.s32 $_size_execute0_lowered;
	s2 =	sadd.s32 s2, s4;
	[dreg:$0x0] =	wrdreg $0x0  }
0xa8: {  	s4 =	sshll.u32 s28, $0x1;
	[dreg:$0x2] =	wrdreg s2  }
0xa9: {  	[dreg:$0x3] =	wrdreg s4  }
0xaa: {  	[dreg:$0x4] =	wrdreg $0xC0  }
0xab: {  	_ =	task [dreg:s6], $0x5FFFF  }
0xac: {  	[dreg:$0x1] =	wrdreg $0xFFFFFFFF  }
0xad: {  	[dreg:$0x0] =	wrdreg $0x60  }
0xae: {  	[dreg:$0x2] =	wrdreg s24  }
0xaf: {  	[dreg:$0x3] =	wrdreg $0x94000  }
0xb0: {  	[dreg:$0x4] =	wrdreg $0x9  }
0xb1: {  	_ =	task.clear_ibuf [dreg:s6], $0x5FFFF;
	_ =	strace $0x9000004F  }
0xb2: {  	s29 =	simm.s32 $0x9;
	_ =	strace $0x80000051  }
0xb3: {  	_ =	swait.ge [sflag:s29], $0x1  }
0xb4: {  	[sflag:s29] =	ssyncadd.s32 $0xFFFFFFFF  }
0xb5: {  	_ =	strace $0x90000051  }
0xb6: {  	_ =	sfence  }
0xb7: {  	s30 =	sld [smem:$0x0];
	_ =	sdelay $0x2  }
0xb8: {  	s31 =	sshll.u32 s1, $0xD;
	s1 =	sshrl.u32 s1, $0x2  }
0xb9: {  	s3 =	sand.u32 $0x4000, s31;
	s1 =	sadd.s32 s1, s30  }
0xba: {  	s0 =	sor.u32 s3, s0;
	s1 =	sshll.u32 s1, $0x11  }
0xbb: {  	s0 =	sor.u32 s1, s0  }
0xbc: {  	s0 =	sadd.s32 $0x8F2B, s0  }
0xbd: {  	[sflag:s0] =	ssyncadd.remote.s32 $0x1  }
0xbe: {  	_ =	sfence.sel $0xFFFF  }
0xbf: {  	[dreg:$0x0] =	wrdreg $0xFFFFFFFF;
	(pc) =	sbr.abs _section_cstart, $3  }
0xc0: {  	[dreg:$0x1] =	wrdreg $0xFFFFFFFF  }
0xc1: {  	_ =	task.clear_ibuf [dreg:s6], $0x2FFFF;
	_ =	strace $0x9FFFFFFF  }
0xc2: {  	(tm) =	ssettm $0x7FFFFFFF  }
0xc3: {  	_ =	shalt  }
tec
execute0_lowered:
.L_overlay_start_1:
0x0: {  	(tag) =	ssettag $0x1  }
0x1: {  	s4 =	rddreg [dreg:$0x0];
	s0 =	srdreg.scid  }
0x2: {  	s2 =	rddreg [dreg:$0x1];
	s1 =	stileid.u32;
	s3 =	simm.s32 $0x0  }
0x3: {  	s19 =	simm.s32 $0x1400;
	s20 =	simm.s32 $0x5400;
	s21 =	simm.s32 $0x1  }
0x4: {  	s22 =	simm.s32 $0x2;
	s23 =	simm.s32 $0x3;
	s6 =	smul.u32 $0x2800, s1  }
0x5: {  	s24 =	simm.s32 $0x4;
	s25 =	simm.s32 $0x0;
	s10 =	smul.u32 $0x50000, s1  }
0x6: {  	s9 =	sand.u32 $0x1, s0;
	s0 =	rddreg [dreg:$0x2];
	s13 =	smul.u32 $0x28000, s1  }
0x7: {  	[smem:$0x7FF] =	sst s3;
	s14 =	sadd.s32 $0x69C00, s4;
	s17 =	smul.u32 $0x140000, s1  }
0x8: {  	s11 =	sshll.u32 s1, $0x6;
	s5 =	sshll.u32 s9, $0x4;
	s30 =	smul.u32 $0x280000, s9  }
0x9: {  	_ =	strace $0x80000050;
	s15 =	smul.u32 $0x1400000, s9;
	s5 =	sor.u32 s1, s5  }
0xa: {  	s8 =	ssub.s32 $0x2, s9;
	s6 =	sadd.s32 s6, s4;
	s7 =	smul.u32 $0x2800, s5  }
0xb: {  	s26 =	sshrl.u32 s8, $0x1;
	s28 =	sshrl.u32 s10, $0x2;
	s29 =	smul.u32 $0x140000, s5  }
0xc: {  	s8 =	ssub.s32 s8, s26;
	s16 =	sadd.s32 s28, s2;
	s12 =	smul.u32 $0x28000, s5  }
0xd: {  	s5 =	sor.u32 $0x1C05, s11;
	s18 =	sadd.s32 s30, s14;
	s15 =	sadd.s32 s17, s15  }
0xe: {  	s17 =	simm.s32 $0x5;
	s8 =	smax.u32 s8, $0x1;
	s18 =	sadd.s32 s13, s18  }
0xf: {  	s15 =	sshrl.u32 s15, $0x3;
	s16 =	sshrl.u32 s16, $0x3;
	s7 =	sshrl.u32 s7, $0x3  }
0x10: {  	s10 =	sshrl.u32 s29, $0x3;
	s12 =	sadd.s32 s12, s14;
	s13 =	sadd.s32 $0x800, s18  }
0x11: {  	s7 =	sadd.s32 s7, s4;
	s4 =	sadd.s32 $0x41C00, s6;
	s31 =	sadd.s32 s14, s10  }
0x12: {  	s10 =	sadd.s32 $0x27000, s12;
	s11 =	sadd.s32 $0x27800, s12;
	s12 =	sadd.s32 $0x13800, s12  }
0x13: {  	s14 =	sadd.s32 s15, s14;
	s15 =	sadd.s32 $0x14800, s18;
	s18 =	simm.s32 $0x80  }
0x14: {  	s6 =	sadd.s32 $0xD400, s7;
	s7 =	sadd.s32 $0xD680, s7;
	s9 =	sadd.s32 $0x13000, s31  }
.LBB2_1:
0x15: {  	[spmem:s16], [sflag:s5] =	dma.local [hbm:s4], $0x2800  }
0x16: {  	_ =	swait.ge [sflag:s17], $0x2800  }
0x17: {  	[sflag:s17] =	ssyncset.done $0x0  }
0x18: {  	[sflag:s17] =	ssyncadd.s32 $0xFFFFD800  }
0x19: {  	[bflag:$0x0] =	sbarrier.arrive $0xFFFF  }
0x1a: {  	[tilespmem:s3], [sflag:$0x5] =	stream.linear.gather [hbm4b:s6+s3], $0x1400, $0x38;
	[tilespmem:$0x1D400] =	vst v63  }
0x1b: {  	_ =	swait.ge [sflag:s17], $0x1400  }
0x1c: {  	[sflag:s17] =	ssyncset.done $0x0  }
0x1d: {  	[sflag:s17] =	ssyncadd.s32 $0xFFFFEC00  }
0x1e: {  	[tilespmem:s19], [sflag:$0x1] =	stream.indirect.gather [spmem:s2], $0x80, s3, s18, $0xb8;
	[tilespmem:$0x1D400] =	vst v63  }
0x1f: {  	_ = 	snop  }
0x20: {  	[tilespmem:s20], [sflag:$0x2] =	stream.indirect.gather [spmem:s2], $0x80, s18, s18, $0xb8;
	[tilespmem:$0x1D400] =	vst v63  }
0x21: {  	_ =	swait.ge [sflag:s21], $0x4000  }
0x22: {  	[sflag:s21] =	ssyncset.done $0x0  }
0x23: {  	s26 =	sadd.s32 $0x0, s14;
	[sflag:s21] =	ssyncadd.s32 $0xFFFFC000  }
0x24: {  	[hbm4b:s26+s3] =	stream.linear.scatter [tilespmem:s19], [sflag:$0x3], $0x4000, $0x38;
	[tilespmem:$0x1D400] =	vst v63  }
0x25: {  	_ =	swait.ge [sflag:s22], $0x4000  }
0x26: {  	[sflag:s22] =	ssyncset.done $0x0  }
0x27: {  	s30 =	sadd.s32 $0x0, s13;
	[sflag:s22] =	ssyncadd.s32 $0xFFFFC000  }
0x28: {  	[hbm4b:s30+s3] =	stream.linear.scatter [tilespmem:s20], [sflag:$0x4], $0x4000, $0x38;
	[tilespmem:$0x1D400] =	vst v63  }
0x29: {  	_ =	swait.ge [sflag:s23], $0x4000  }
0x2a: {  	[sflag:s23] =	ssyncset.done $0x0  }
0x2b: {  	s31 =	simm.s32 $0x100;
	[sflag:s23] =	ssyncadd.s32 $0xFFFFC000  }
0x2c: {  	[tilespmem:s19], [sflag:$0x1] =	stream.indirect.gather [spmem:s2], $0x80, s31, s18, $0xb8;
	[tilespmem:$0x1D400] =	vst v63  }
0x2d: {  	_ =	swait.ge [sflag:s24], $0x4000  }
0x2e: {  	s28 =	simm.s32 $0x1000;
	[sflag:s24] =	ssyncset.done $0x0  }
0x2f: {  	s29 =	simm.s32 $0x280;
	s26 =	simm.s32 $0x180;
	[sflag:s24] =	ssyncadd.s32 $0xFFFFC000  }
.LBB2_2:
0x30: {  	[tilespmem:s20], [sflag:$0x2] =	stream.indirect.gather [spmem:s2], $0x80, s26, s18, $0xb8;
	[tilespmem:$0x1D400] =	vst v63  }
0x31: {  	s30 =	smov.u32 s28;
	s26 =	smov.u32 s29  }
0x32: {  	p0 =	sne.s32 s28, $0x12000;
	s28 =	sadd.s32 $0x1000, s28;
	_ =	swait.ge [sflag:s21], $0x4000  }
0x33: {  	[sflag:s21] =	ssyncset.done $0x0  }
0x34: {  	s31 =	sadd.s32 s30, s14;
	[sflag:s21] =	ssyncadd.s32 $0xFFFFC000  }
0x35: {  	[hbm4b:s31+s3] =	stream.linear.scatter [tilespmem:s19], [sflag:$0x3], $0x4000, $0x38;
	[tilespmem:$0x1D400] =	vst v63  }
0x36: {  	_ =	swait.ge [sflag:s22], $0x4000  }
0x37: {  	[sflag:s22] =	ssyncset.done $0x0  }
0x38: {  	s30 =	sadd.s32 s30, s13;
	[sflag:s22] =	ssyncadd.s32 $0xFFFFC000  }
0x39: {  	[hbm4b:s30+s3] =	stream.linear.scatter [tilespmem:s20], [sflag:$0x4], $0x4000, $0x38;
	[tilespmem:$0x1D400] =	vst v63  }
0x3a: {  	_ =	swait.ge [sflag:s23], $0x4000  }
0x3b: {  	[sflag:s23] =	ssyncset.done $0x0  }
.Ltmp0:
0x3c: {  	s30 =	sadd.s32 $0xFFFFFF80, s29;
	[sflag:s23] =	ssyncadd.s32 $0xFFFFC000;
	(pc) =	sbr.rel @p0 .LBB2_2-.Ltmp0, $4  }
0x3d: {  	[tilespmem:s19], [sflag:$0x1] =	stream.indirect.gather [spmem:s2], $0x80, s30, s18, $0xb8;
	[tilespmem:$0x1D400] =	vst v63  }
0x3e: {  	_ =	swait.ge [sflag:s24], $0x4000  }
0x3f: {  	[sflag:s24] =	ssyncset.done $0x0  }
0x40: {  	s29 =	sadd.s32 $0x100, s29;
	[sflag:s24] =	ssyncadd.s32 $0xFFFFC000  }
0x41: {  	[tilespmem:s20], [sflag:$0x2] =	stream.indirect.gather [spmem:s2], $0x80, s26, s18, $0xb8;
	[tilespmem:$0x1D400] =	vst v63  }
0x42: {  	_ =	swait.ge [sflag:s21], $0x4000  }
0x43: {  	[sflag:s21] =	ssyncset.done $0x0  }
0x44: {  	s31 =	simm.s32 $0x0;
	[sflag:s21] =	ssyncadd.s32 $0xFFFFC000  }
0x45: {  	[hbm4b:s9+s31] =	stream.linear.scatter [tilespmem:s19], [sflag:$0x3], $0x4000, $0x38;
	[tilespmem:$0x1D400] =	vst v63  }
0x46: {  	_ =	swait.ge [sflag:s22], $0x4000  }
0x47: {  	[sflag:s22] =	ssyncset.done $0x0  }
0x48: {  	[sflag:s22] =	ssyncadd.s32 $0xFFFFC000  }
0x49: {  	[hbm4b:s12+s31] =	stream.linear.scatter [tilespmem:s20], [sflag:$0x4], $0x4000, $0x38;
	[tilespmem:$0x1D400] =	vst v63  }
0x4a: {  	_ =	swait.ge [sflag:s23], $0x4000  }
0x4b: {  	[sflag:s23] =	ssyncset.done $0x0  }
0x4c: {  	[sflag:s23] =	ssyncadd.s32 $0xFFFFC000  }
0x4d: {  	_ =	swait.ge [sflag:s24], $0x4000  }
0x4e: {  	[sflag:s24] =	ssyncset.done $0x0  }
0x4f: {  	[sflag:s24] =	ssyncadd.s32 $0xFFFFC000  }
0x50: {  	[tilespmem:s31], [sflag:$0x5] =	stream.linear.gather [hbm4b:s7+s31], $0x1400, $0x38;
	[tilespmem:$0x1D400] =	vst v63  }
0x51: {  	_ =	swait.ge [sflag:s17], $0x1400  }
0x52: {  	[sflag:s17] =	ssyncset.done $0x0  }
0x53: {  	[sflag:s17] =	ssyncadd.s32 $0xFFFFEC00  }
0x54: {  	[tilespmem:s19], [sflag:$0x1] =	stream.indirect.gather [spmem:s2], $0x80, s31, s18, $0xb8;
	[tilespmem:$0x1D400] =	vst v63  }
0x55: {  	_ = 	snop  }
0x56: {  	[tilespmem:s20], [sflag:$0x2] =	stream.indirect.gather [spmem:s2], $0x80, s18, s18, $0xb8;
	[tilespmem:$0x1D400] =	vst v63  }
0x57: {  	_ =	swait.ge [sflag:s21], $0x4000  }
0x58: {  	[sflag:s21] =	ssyncset.done $0x0  }
0x59: {  	s30 =	sadd.s32 $0xFFFFF800, s15;
	[sflag:s21] =	ssyncadd.s32 $0xFFFFC000  }
0x5a: {  	[hbm4b:s30+s3] =	stream.linear.scatter [tilespmem:s19], [sflag:$0x3], $0x4000, $0x38;
	[tilespmem:$0x1D400] =	vst v63  }
0x5b: {  	_ =	swait.ge [sflag:s22], $0x4000  }
0x5c: {  	[sflag:s22] =	ssyncset.done $0x0  }
0x5d: {  	[sflag:s22] =	ssyncadd.s32 $0xFFFFC000  }
0x5e: {  	[hbm4b:s15+s3] =	stream.linear.scatter [tilespmem:s20], [sflag:$0x4], $0x4000, $0x38;
	[tilespmem:$0x1D400] =	vst v63  }
0x5f: {  	_ =	swait.ge [sflag:s23], $0x4000  }
0x60: {  	[sflag:s23] =	ssyncset.done $0x0  }
0x61: {  	s31 =	simm.s32 $0x100;
	[sflag:s23] =	ssyncadd.s32 $0xFFFFC000  }
0x62: {  	[tilespmem:s19], [sflag:$0x1] =	stream.indirect.gather [spmem:s2], $0x80, s31, s18, $0xb8;
	[tilespmem:$0x1D400] =	vst v63  }
0x63: {  	_ =	swait.ge [sflag:s24], $0x4000  }
0x64: {  	s26 =	simm.s32 $0x400;
	[sflag:s24] =	ssyncset.done $0x0  }
0x65: {  	s29 =	simm.s32 $0x180;
	s28 =	sadd.s32 $0x1000, s15;
	[sflag:s24] =	ssyncadd.s32 $0xFFFFC000  }
.LBB2_4:
0x66: {  	[tilespmem:s20], [sflag:$0x2] =	stream.indirect.gather [spmem:s2], $0x80, s29, s18, $0xb8;
	[tilespmem:$0x1D400] =	vst v63  }
0x67: {  	s29 =	smov.u32 s26  }
0x68: {  	p0 =	sne.s32 s26, $0x4800;
	s26 =	sadd.s32 $0x400, s26;
	_ =	swait.ge [sflag:s21], $0x4000  }
0x69: {  	[sflag:s21] =	ssyncset.done $0x0  }
0x6a: {  	s30 =	sadd.s32 $0xFFFFF800, s28;
	[sflag:s21] =	ssyncadd.s32 $0xFFFFC000  }
0x6b: {  	[hbm4b:s30+s3] =	stream.linear.scatter [tilespmem:s19], [sflag:$0x3], $0x4000, $0x38;
	[tilespmem:$0x1D400] =	vst v63  }
0x6c: {  	_ =	swait.ge [sflag:s22], $0x4000  }
0x6d: {  	[sflag:s22] =	ssyncset.done $0x0  }
0x6e: {  	[sflag:s22] =	ssyncadd.s32 $0xFFFFC000  }
0x6f: {  	[hbm4b:s28+s3] =	stream.linear.scatter [tilespmem:s20], [sflag:$0x4], $0x4000, $0x38;
	[tilespmem:$0x1D400] =	vst v63  }
0x70: {  	_ =	swait.ge [sflag:s23], $0x4000  }
0x71: {  	s29 =	sshra.s32 s29, $0x2;
	[sflag:s23] =	ssyncset.done $0x0  }
.Ltmp1:
0x72: {  	s30 =	sadd.s32 $0x100, s29;
	[sflag:s23] =	ssyncadd.s32 $0xFFFFC000;
	(pc) =	sbr.rel @p0 .LBB2_4-.Ltmp1, $4  }
0x73: {  	[tilespmem:s19], [sflag:$0x1] =	stream.indirect.gather [spmem:s2], $0x80, s30, s18, $0xb8;
	[tilespmem:$0x1D400] =	vst v63  }
0x74: {  	_ =	swait.ge [sflag:s24], $0x4000  }
0x75: {  	[sflag:s24] =	ssyncset.done $0x0  }
0x76: {  	s29 =	sadd.s32 $0x180, s29;
	s28 =	sadd.s32 $0x1000, s28;
	[sflag:s24] =	ssyncadd.s32 $0xFFFFC000  }
0x77: {  	[tilespmem:s20], [sflag:$0x2] =	stream.indirect.gather [spmem:s2], $0x80, s29, s18, $0xb8;
	[tilespmem:$0x1D400] =	vst v63  }
0x78: {  	_ =	swait.ge [sflag:s21], $0x4000  }
0x79: {  	[sflag:s21] =	ssyncset.done $0x0  }
0x7a: {  	[sflag:s21] =	ssyncadd.s32 $0xFFFFC000  }
0x7b: {  	[hbm4b:s10+s3] =	stream.linear.scatter [tilespmem:s19], [sflag:$0x3], $0x4000, $0x38;
	[tilespmem:$0x1D400] =	vst v63  }
0x7c: {  	_ =	swait.ge [sflag:s22], $0x4000  }
0x7d: {  	[sflag:s22] =	ssyncset.done $0x0  }
0x7e: {  	s25 =	sadd.s32 $0x1, s25;
	[sflag:s22] =	ssyncadd.s32 $0xFFFFC000  }
0x7f: {  	[hbm4b:s11+s3] =	stream.linear.scatter [tilespmem:s20], [sflag:$0x4], $0x4000, $0x38;
	[tilespmem:$0x1D400] =	vst v63  }
0x80: {  	p0 =	sne.s32 s25, s8;
	_ =	swait.ge [sflag:s23], $0x4000  }
.Ltmp2:
0x81: {  	[sflag:s23] =	ssyncset.done $0x0;
	(pc) =	sbr.rel @p0 .LBB2_1-.Ltmp2, $4  }
0x82: {  	[sflag:s23] =	ssyncadd.s32 $0xFFFFC000  }
0x83: {  	_ =	swait.ge [sflag:s24], $0x4000  }
0x84: {  	[sflag:s24] =	ssyncset.done $0x0  }
0x85: {  	[sflag:s24] =	ssyncadd.s32 $0xFFFFC000  }
0x86: {  	_ =	sfence.sel $0x180000  }
0x87: {  	[bflag:$0x0] =	sbarrier.arrive $0xFFFF  }
0x88: {  	p0 =	sne.s32 s1, $0x0;
	_ =	strace $0x90000050  }
0x89: {  	s0 =	sadd.s32 @!p0 $0x100000, s0;
	[bflag:$0x2] =	sbarrier.arrive $0xFFFF  }
0x8a: {  	[sflag:s0] =	ssyncadd.tile.s32 @!p0 $0x1;
	_ =	shalt  }
.Lfunc_end2:
_tile_overlayer_lowered:
.L_overlay_start_2:
0x8b: {  	(tag) =	ssettag $0x2  }
0x8c: {  	s0 =	rddreg [dreg:$0x0];
	s2 =	stileid.u32  }
0x8d: {  	s1 =	rddreg [dreg:$0x1];
	p0 =	sne.s32 s2, $0x0  }
0x8e: {  	s3 =	rddreg [dreg:$0x2];
	[bflag:$0x3] =	sbarrier.arrive $0xFFFF;
	s2 =	simm.s32 @!p0 $0x1C05  }
0x8f: {  	[timem:s3], [sflag:s2] =	dma.local @!p0 [hbm:s0], s1  }
0x90: {  	s0 =	simm.s32 @!p0 $0x5  }
0x91: {  	_ =	swait.ge @!p0 [sflag:s0], s1  }
0x92: {  	s1 =	ssub.s32 @!p0 $0x0, s1;
	[sflag:s0] =	ssyncset.done @!p0 $0x0  }
0x93: {  	[sflag:s0] =	ssyncadd.s32 @!p0 s1  }
0x94: {  	[bflag:$0x3] =	sbarrier.arrive $0xFFFF  }
0x95: {  	_ =	shalt  }

// kernel: kernel.22.cloned.1.call-start
scs
__scs_entry_jumppad:
0x0: {  	(pc) =	sbr.rel $0x88, $3  }
0x1: {  	(tag) =	ssettag $0x0;
	lr =	simm.s32 $0x1  }
0x2: {  	[smem:$0x3F99] =	sst lr;
	_ =	strace $0xD0000000  }
0x3: {  	_ = 	snop  }
0x4: {  	_ = 	snop  }
0x5: {  	_ = 	snop  }
0x6: {  	_ = 	snop  }
0x7: {  	_ = 	snop  }
__scs_overlays_trampoline_lowered:
0x8: {  	[smem:$0x3FA8] =	sst s0  }
0x9: {  	[smem:$0x3FA9] =	sst s1  }
0xa: {  	[smem:$0x3FAA] =	sst s2  }
0xb: {  	[smem:$0x3FAB] =	sst s3  }
0xc: {  	[smem:$0x3FAC] =	sst s4  }
0xd: {  	[smem:$0x3FAD] =	sst s5  }
0xe: {  	[smem:$0x3FAE] =	sst s6  }
0xf: {  	[smem:$0x3FAF] =	sst s7  }
0x10: {  	[smem:$0x3FB0] =	sst s8  }
0x11: {  	[smem:$0x3FB1] =	sst s9;
	s0 =	simm.s32 @!p0 $0x0  }
0x12: {  	s1 =	sld [smem:$0x3F97];
	s0 =	simm.s32 @p0 $0x1  }
0x13: {  	[smem:$0x3FB2] =	sst s0;
	s0 =	simm.s32 @!p1 $0x0  }
0x14: {  	s2 =	sld [smem:$0x3F96];
	s0 =	simm.s32 @p1 $0x1  }
0x15: {  	[smem:$0x3FB3] =	sst s0;
	s0 =	simm.s32 @!p2 $0x0  }
0x16: {  	s3 =	sld [smem:$0x3FDB];
	s0 =	simm.s32 @p2 $0x1  }
0x17: {  	s4 =	simm.s32 $0x1BF5;
	[smem:$0x3FB5] =	sst s0  }
0x18: {  	s0 =	sld [smem:$0x3F98];
	_ =	swait.ge [sflag:s4], $0x0  }
0x19: {  	s7 =	sld [smem:$0x3F99]  }
0x1a: {  	s8 =	sadd.s32 $0xFFFFE003, lr  }
0x1b: {  	s9 =	sadd.s32 $0xFFFFFEF7, lr;
	s5 =	simm.s32 $0xFFFFFFFF;
	p2 =	slt.u32 s8, $0xFFFFF086  }
0x1c: {  	p1 =	slt.u32 s9, $0xF7A;
	s5 =	simm.s32 @!p2 $0x0  }
0x1d: {  	s5 =	simm.s32 @p1 $0x1;
	p0 =	seq.s32 s7, s2  }
0x1e: {  	s7 =	smul.u32 @!p0 $0xF7A, s2;
	p2 =	seq.s32 @!p0 s5, $0x0  }
0x1f: {  	s9 =	smul.u32 $0xF7A, s1;
	s8 =	simm.s32 @!p0 $0x1BF5;
	p2 =	por !p2, p0  }
0x20: {  	[sflag:s8] =	ssyncset.s32 @!p0 $0xFFFFF086;
	s6 =	sadd.s32 @!p0 s3, s7;
	s7 =	simm.s32 @!p0 $0x108  }
0x21: {  	s3 =	sadd.s32 s3, s9;
	s6 =	sadd.s32 @!p0 $0x88, s6;
	s7 =	simm.s32 @p2 $0x1082  }
0x22: {  	[simem:s7], [sflag:s8] =	dma.local @!p0 [hbm:s6], $0xF7A  }
0x23: {  	s9 =	sor.u32 $0xD0000000, s2;
	s6 =	simm.s32 $0x108;
	_ =	swait.ge @!p0 [sflag:s8], $0x0  }
0x24: {  	s3 =	sadd.s32 $0x88, s3;
	s6 =	simm.s32 @!p1 $0x1082;
	[sflag:s4] =	ssyncset.s32 $0xFFFFF086  }
0x25: {  	[simem:s6], [sflag:s4] =	dma.local [hbm:s3], $0xF7A  }
0x26: {  	[smem:$0x3F99] =	sst s1;
	(tag) =	ssettag s2;
	_ =	strace s9  }
0x27: {  	s1 =	sld [smem:$0x3FA9]  }
0x28: {  	s2 =	sld [smem:$0x3FAA]  }
0x29: {  	s4 =	sld [smem:$0x3FAC]  }
0x2a: {  	p0 =	seq.s32 s5, $0x0;
	s5 =	sld [smem:$0x3FAD]  }
0x2b: {  	s6 =	sld [smem:$0x3FAE]  }
0x2c: {  	s7 =	sld [smem:$0x3FAF]  }
0x2d: {  	s3 =	simm.s32 $0x108;
	s8 =	sld [smem:$0x3FB0]  }
0x2e: {  	s3 =	simm.s32 @!p0 $0x1082;
	s9 =	sld [smem:$0x3FB1]  }
0x2f: {  	lr =	sadd.s32 s0, s3;
	s0 =	sld [smem:$0x3FA8]  }
0x30: {  	s3 =	sld [smem:$0x3FAB]  }
0x31: {  	[smem:$0x3FB4] =	sst s10  }
0x32: {  	s10 =	sld [smem:$0x3FB2];
	_ =	sdelay $0x3  }
0x33: {  	p0 =	seq.s32 s10, $0x1;
	s10 =	sld [smem:$0x3FB4];
	_ =	sdelay $0x3  }
0x34: {  	[smem:$0x3FB4] =	sst s10  }
0x35: {  	s10 =	sld [smem:$0x3FB3];
	_ =	sdelay $0x3  }
0x36: {  	p1 =	seq.s32 s10, $0x1;
	s10 =	sld [smem:$0x3FB4];
	_ =	sdelay $0x3  }
0x37: {  	[smem:$0x3FB4] =	sst s10  }
0x38: {  	s10 =	sld [smem:$0x3FB5]  }
0x39: {  	_ = 	snop;
	(pc) =	sbr.ind lr, $3  }
0x3a: {  	_ = 	snop  }
0x3b: {  	_ = 	snop  }
0x3c: {  	p2 =	seq.s32 s10, $0x1;
	s10 =	sld [smem:$0x3FB4]  }
0x3d: {  	_ =	shalt  }
0x3e: {  	_ =	shalt  }
0x3f: {  	_ =	shalt  }
0x40: {  	_ =	shalt  }
0x41: {  	_ =	shalt  }
0x42: {  	_ =	shalt  }
0x43: {  	_ =	shalt  }
0x44: {  	_ =	shalt  }
0x45: {  	_ =	shalt  }
0x46: {  	_ =	shalt  }
0x47: {  	_ =	shalt  }
0x48: {  	_ =	shalt  }
0x49: {  	_ =	shalt  }
0x4a: {  	_ =	shalt  }
0x4b: {  	_ =	shalt  }
0x4c: {  	_ =	shalt  }
0x4d: {  	_ =	shalt  }
0x4e: {  	_ =	shalt  }
0x4f: {  	_ =	shalt  }
0x50: {  	_ =	shalt  }
0x51: {  	_ =	shalt  }
0x52: {  	_ =	shalt  }
0x53: {  	_ =	shalt  }
0x54: {  	_ =	shalt  }
0x55: {  	_ =	shalt  }
0x56: {  	_ =	shalt  }
0x57: {  	_ =	shalt  }
0x58: {  	_ =	shalt  }
0x59: {  	_ =	shalt  }
0x5a: {  	_ =	shalt  }
0x5b: {  	_ =	shalt  }
0x5c: {  	_ =	shalt  }
0x5d: {  	_ =	shalt  }
0x5e: {  	_ =	shalt  }
0x5f: {  	_ =	shalt  }
0x60: {  	_ =	shalt  }
0x61: {  	_ =	shalt  }
0x62: {  	_ =	shalt  }
0x63: {  	_ =	shalt  }
0x64: {  	_ =	shalt  }
0x65: {  	_ =	shalt  }
0x66: {  	_ =	shalt  }
0x67: {  	_ =	shalt  }
0x68: {  	_ =	shalt  }
0x69: {  	_ =	shalt  }
0x6a: {  	_ =	shalt  }
0x6b: {  	_ =	shalt  }
0x6c: {  	_ =	shalt  }
0x6d: {  	_ =	shalt  }
0x6e: {  	_ =	shalt  }
0x6f: {  	_ =	shalt  }
0x70: {  	_ =	shalt  }
0x71: {  	_ =	shalt  }
0x72: {  	_ =	shalt  }
0x73: {  	_ =	shalt  }
0x74: {  	_ =	shalt  }
0x75: {  	_ =	shalt  }
0x76: {  	_ =	shalt  }
0x77: {  	_ =	shalt  }
0x78: {  	_ =	shalt  }
0x79: {  	_ =	shalt  }
0x7a: {  	_ =	shalt  }
0x7b: {  	_ =	shalt  }
0x7c: {  	_ =	shalt  }
0x7d: {  	_ =	shalt  }
0x7e: {  	_ =	shalt  }
0x7f: {  	_ =	shalt  }
0x80: {  	_ =	shalt  }
0x81: {  	_ =	shalt  }
0x82: {  	_ =	shalt  }
0x83: {  	_ =	shalt  }
0x84: {  	_ =	shalt  }
0x85: {  	_ =	shalt  }
0x86: {  	_ =	shalt  }
0x87: {  	_ =	shalt  }
.Lfunc_end0:
.L_simem_size_0:
called_computation.4_lowered:
.L_overlay_start_0:
0x88: {  	s2 =	sld [smem:$0x3FD9]  }
0x89: {  	s3 =	sld [smem:$0x3FFE];
	_ =	sdelay $0x1  }
0x8a: {  	s1 =	srdreg.scid  }
0x8b: {  	s0 =	sand.u32 $0x1, s1  }
0x8c: {  	s16 =	sshll.u32 s0, $0xA;
	s2 =	sadd.s32 s3, s2  }
0x8d: {  	s2 =	sadd.s32 s2, s16  }
0x8e: {  	[smem:$0x3FC0] =	sst s2  }
0x8f: {  	_ = 	snop  }
0x90: {  	(tm) =	ssettm $0x1  }
0x91: {  	s17 =	sld [smem:$0x3FFB];
	_ =	sdelay $0x3  }
0x92: {  	_ =	strace s17  }
0x93: {  	s2 =	sld [smem:$0x3FFC];
	_ =	sdelay $0x3  }
0x94: {  	_ =	strace s2  }
0x95: {  	s2 =	sld [smem:$0x3FFD];
	_ =	sdelay $0x3  }
0x96: {  	_ =	strace s2  }
0x97: {  	_ =	strace $0x8FFFFFFF  }
0x98: {  	s18 =	sld [smem:$0x3FDB];
	_ =	sdelay $0x1  }
0x99: {  	s19 =	simm.s32 $_scs_section_size  }
0x9a: {  	s4 =	simm.s32 $_size__tile_overlayer_lowered;
	s5 =	simm.s32 $_tile_overlayer_lowered  }
0x9b: {  	s22 =	simm.s32 $0x1BFF;
	s21 =	sshll.u32 s5, $0x1;
	s2 =	sadd.s32 s19, s18  }
0x9c: {  	s6 =	simm.s32 $0x0;
	s20 =	sshll.u32 s4, $0x1;
	s4 =	sadd.s32 s21, s2  }
0x9d: {  	[timem:s6], [sflag:s22] =	dma.local [hbm:s4], s20  }
0x9e: {  	_ =	swait.ge [sflag:s22], s20  }
0x9f: {  	s3 =	ssub.s32 $0x0, s20;
	[sflag:s22] =	ssyncset.done $0x0  }
0xa0: {  	[sflag:s22] =	ssyncadd.s32 s3;
	_ =	sdelay $0x1  }
0xa1: {  	s23 =	simm.s32 $0x1B8B  }
0xa2: {  	_ =	swait.ge [sflag:s23], $0x1  }
0xa3: {  	[sflag:s23] =	ssyncset.done $0x0  }
0xa4: {  	s25 =	simm.s32 $0x1B8E;
	s24 =	sld [smem:$0x3FFE];
	[sflag:s23] =	ssyncadd.s32 $0xFFFFFFFF  }
0xa5: {  	s26 =	simm.s32 $execute0_lowered;
	[smem:$0x3FD2] =	sst s25  }
0xa6: {  	s4 =	sshll.u32 s26, $0x1;
	_ =	strace $0x80000052;
	[dreg:$0x1] =	wrdreg $0xFFFFFFFF  }
0xa7: {  	s28 =	simm.s32 $_size_execute0_lowered;
	s2 =	sadd.s32 s2, s4;
	[dreg:$0x0] =	wrdreg $0x0  }
0xa8: {  	s4 =	sshll.u32 s28, $0x1;
	[dreg:$0x2] =	wrdreg s2  }
0xa9: {  	[dreg:$0x3] =	wrdreg s4  }
0xaa: {  	[dreg:$0x4] =	wrdreg $0xC0  }
0xab: {  	_ =	task [dreg:s6], $0x5FFFF  }
0xac: {  	[dreg:$0x1] =	wrdreg $0xFFFFFFFF  }
0xad: {  	[dreg:$0x0] =	wrdreg $0x60  }
0xae: {  	[dreg:$0x2] =	wrdreg s24  }
0xaf: {  	[dreg:$0x3] =	wrdreg $0x94000  }
0xb0: {  	[dreg:$0x4] =	wrdreg $0x9  }
0xb1: {  	_ =	task.clear_ibuf [dreg:s6], $0x5FFFF;
	_ =	strace $0x90000052  }
0xb2: {  	s29 =	simm.s32 $0x9;
	_ =	strace $0x80000054  }
0xb3: {  	_ =	swait.ge [sflag:s29], $0x1  }
0xb4: {  	[sflag:s29] =	ssyncadd.s32 $0xFFFFFFFF  }
0xb5: {  	_ =	strace $0x90000054  }
0xb6: {  	_ =	sfence  }
0xb7: {  	s30 =	sld [smem:$0x0];
	_ =	sdelay $0x2  }
0xb8: {  	s31 =	sshll.u32 s1, $0xD;
	s1 =	sshrl.u32 s1, $0x2  }
0xb9: {  	s3 =	sand.u32 $0x4000, s31;
	s1 =	sadd.s32 s1, s30  }
0xba: {  	s0 =	sor.u32 s3, s0;
	s1 =	sshll.u32 s1, $0x11  }
0xbb: {  	s0 =	sor.u32 s1, s0  }
0xbc: {  	s0 =	sadd.s32 $0x8F2B, s0  }
0xbd: {  	[sflag:s0] =	ssyncadd.remote.s32 $0x1  }
0xbe: {  	_ =	sfence.sel $0xFFFF  }
0xbf: {  	[dreg:$0x0] =	wrdreg $0xFFFFFFFF;
	(pc) =	sbr.abs _section_cstart, $3  }
0xc0: {  	[dreg:$0x1] =	wrdreg $0xFFFFFFFF  }
0xc1: {  	_ =	task.clear_ibuf [dreg:s6], $0x2FFFF;
	_ =	strace $0x9FFFFFFF  }
0xc2: {  	(tm) =	ssettm $0x7FFFFFFF  }
0xc3: {  	_ =	shalt  }
tec
execute0_lowered:
.L_overlay_start_1:
0x0: {  	(tag) =	ssettag $0x1  }
0x1: {  	s5 =	rddreg [dreg:$0x0]  }
0x2: {  	s1 =	rddreg [dreg:$0x1];
	s3 =	simm.s32 $0x0;
	s2 =	srdreg.scid  }
0x3: {  	s18 =	simm.s32 $0x1400;
	[smem:$0x7FF] =	sst s3;
	s10 =	sand.u32 $0x1, s2  }
0x4: {  	s28 =	simm.s32 $0x0;
	s2 =	stileid.u32;
	s6 =	smul.u32 $0x140000, s10  }
0x5: {  	s11 =	sadd.s32 $0x69C00, s5;
	s9 =	sadd.s32 $0x3000, s5;
	s7 =	smul.u32 $0x14000, s2  }
0x6: {  	s4 =	sadd.s32 $0x3F400, s5;
	_ =	strace $0x80000053;
	s8 =	smul.u32 $0x50000, s2  }
0x7: {  	s19 =	sshll.u32 s10, $0x4;
	s12 =	ssub.s32 $0x2, s10;
	s25 =	smul.u32 $0x280000, s10  }
0x8: {  	s21 =	sshll.u32 s2, $0x6;
	s30 =	smul.u32 $0x28000, s2;
	s13 =	sor.u32 s2, s19  }
0x9: {  	s20 =	sshrl.u32 s12, $0x1;
	s19 =	simm.s32 $0x5400;
	s14 =	smul.u32 $0x2800, s13  }
0xa: {  	s6 =	sadd.s32 s7, s6;
	s8 =	sshrl.u32 s8, $0x2;
	s23 =	smul.u32 $0x28000, s13  }
0xb: {  	s16 =	ssub.s32 s12, s20;
	s13 =	smul.u32 $0x140000, s13;
	s6 =	sshrl.u32 s6, $0x3  }
0xc: {  	s20 =	simm.s32 $0x1;
	s17 =	sadd.s32 s8, s1;
	s15 =	sadd.s32 s6, s5  }
0xd: {  	s22 =	sshrl.u32 s14, $0x3;
	s5 =	sor.u32 $0x1C05, s21;
	s24 =	sadd.s32 $0x1400, s14  }
0xe: {  	s7 =	sadd.s32 s11, s23;
	s29 =	sshrl.u32 s13, $0x3;
	s13 =	smax.u32 s16, $0x1  }
0xf: {  	s16 =	sshrl.u32 s17, $0x3;
	s17 =	simm.s32 $0x5;
	s21 =	simm.s32 $0x80  }
0x10: {  	s23 =	simm.s32 $0x3;
	s6 =	sadd.s32 s9, s22;
	s14 =	sshrl.u32 s24, $0x3  }
0x11: {  	s8 =	sadd.s32 $0x800, s7;
	s26 =	sshll.u32 s24, $0x4;
	s12 =	sadd.s32 s11, s29  }
0x12: {  	s22 =	simm.s32 $0x2;
	s24 =	simm.s32 $0x4;
	s9 =	sadd.s32 s9, s14  }
0x13: {  	s10 =	sadd.s32 s11, s26;
	s14 =	sadd.s32 s25, s11;
	s11 =	sadd.s32 $0x14800, s12  }
0x14: {  	s12 =	sadd.s32 $0x569C00, s15;
	s25 =	simm.s32 $0x1300;
	s31 =	sadd.s32 s30, s14  }
0x15: {  	s26 =	simm.s32 $0x1380;
	s14 =	sadd.s32 $0x1800, s31;
	s15 =	sadd.s32 $0x15800, s31  }
.LBB2_1:
0x16: {  	[spmem:s16], [sflag:s5] =	dma.local [hbm:s4], $0x2800  }
0x17: {  	_ =	swait.ge [sflag:s17], $0x2800  }
0x18: {  	[sflag:s17] =	ssyncset.done $0x0  }
0x19: {  	[sflag:s17] =	ssyncadd.s32 $0xFFFFD800  }
0x1a: {  	[bflag:$0x0] =	sbarrier.arrive $0xFFFF  }
0x1b: {  	[tilespmem:s3], [sflag:$0x5] =	stream.linear.gather [hbm4b:s6+s3], $0x1400, $0x38;
	[tilespmem:$0x1D400] =	vst v63  }
0x1c: {  	_ =	swait.ge [sflag:s17], $0x1400  }
0x1d: {  	[sflag:s17] =	ssyncset.done $0x0  }
0x1e: {  	[sflag:s17] =	ssyncadd.s32 $0xFFFFEC00  }
0x1f: {  	[tilespmem:s18], [sflag:$0x1] =	stream.linear.gather [hbm4b:s7+s3], $0x4000, $0x38;
	[tilespmem:$0x1D400] =	vst v63  }
0x20: {  	_ = 	snop  }
0x21: {  	[tilespmem:s19], [sflag:$0x2] =	stream.linear.gather [hbm4b:s8+s3], $0x4000, $0x38;
	[tilespmem:$0x1D400] =	vst v63  }
0x22: {  	_ =	swait.ge [sflag:s20], $0x4000  }
0x23: {  	[sflag:s20] =	ssyncset.done $0x0  }
0x24: {  	s29 =	simm.s32 $0x0;
	[sflag:s20] =	ssyncadd.s32 $0xFFFFC000  }
0x25: {  	[spmem:s1] =	stream.indirect.scatter.add.f32 [tilespmem:s18], [sflag:$0x3], $0x80, s29, s21, $0xb8;
	[tilespmem:$0x1D400] =	vst v63  }
0x26: {  	_ =	swait.ge [sflag:s22], $0x4000  }
0x27: {  	[sflag:s22] =	ssyncset.done $0x0  }
0x28: {  	s29 =	simm.s32 $0x80;
	[sflag:s22] =	ssyncadd.s32 $0xFFFFC000  }
0x29: {  	[spmem:s1] =	stream.indirect.scatter.add.f32 [tilespmem:s19], [sflag:$0x4], $0x80, s29, s21, $0xb8;
	[tilespmem:$0x1D400] =	vst v63  }
0x2a: {  	_ =	swait.ge [sflag:s23], $0x4000  }
0x2b: {  	[sflag:s23] =	ssyncset.done $0x0  }
0x2c: {  	s29 =	sadd.s32 $0xFFFFF800, s14;
	[sflag:s23] =	ssyncadd.s32 $0xFFFFC000  }
0x2d: {  	[tilespmem:s18], [sflag:$0x1] =	stream.linear.gather [hbm4b:s29+s3], $0x4000, $0x38;
	[tilespmem:$0x1D400] =	vst v63  }
0x2e: {  	_ =	swait.ge [sflag:s24], $0x4000  }
0x2f: {  	s30 =	sadd.s32 $0x1000, s14;
	[sflag:s24] =	ssyncset.done $0x0  }
0x30: {  	s31 =	smov.u32 s14;
	s29 =	simm.s32 $0x400;
	[sflag:s24] =	ssyncadd.s32 $0xFFFFC000  }
.LBB2_2:
0x31: {  	[tilespmem:s19], [sflag:$0x2] =	stream.linear.gather [hbm4b:s31+s3], $0x4000, $0x38;
	[tilespmem:$0x1D400] =	vst v63  }
0x32: {  	s0 =	smov.u32 s29;
	s31 =	smov.u32 s30  }
0x33: {  	p0 =	sne.s32 s29, $0x4800;
	s29 =	sadd.s32 $0x400, s29;
	_ =	swait.ge [sflag:s20], $0x4000  }
0x34: {  	[sflag:s20] =	ssyncset.done $0x0  }
0x35: {  	s0 =	sshra.s32 s0, $0x2;
	[sflag:s20] =	ssyncadd.s32 $0xFFFFC000  }
0x36: {  	[spmem:s1] =	stream.indirect.scatter.add.f32 [tilespmem:s18], [sflag:$0x3], $0x80, s0, s21, $0xb8;
	[tilespmem:$0x1D400] =	vst v63  }
0x37: {  	_ =	swait.ge [sflag:s22], $0x4000  }
0x38: {  	[sflag:s22] =	ssyncset.done $0x0  }
0x39: {  	s0 =	sadd.s32 $0x80, s0;
	[sflag:s22] =	ssyncadd.s32 $0xFFFFC000  }
0x3a: {  	[spmem:s1] =	stream.indirect.scatter.add.f32 [tilespmem:s19], [sflag:$0x4], $0x80, s0, s21, $0xb8;
	[tilespmem:$0x1D400] =	vst v63  }
0x3b: {  	_ =	swait.ge [sflag:s23], $0x4000  }
0x3c: {  	[sflag:s23] =	ssyncset.done $0x0  }
.Ltmp0:
0x3d: {  	s0 =	sadd.s32 $0xFFFFF800, s30;
	[sflag:s23] =	ssyncadd.s32 $0xFFFFC000;
	(pc) =	sbr.rel @p0 .LBB2_2-.Ltmp0, $4  }
0x3e: {  	[tilespmem:s18], [sflag:$0x1] =	stream.linear.gather [hbm4b:s0+s3], $0x4000, $0x38;
	[tilespmem:$0x1D400] =	vst v63  }
0x3f: {  	_ =	swait.ge [sflag:s24], $0x4000  }
0x40: {  	[sflag:s24] =	ssyncset.done $0x0  }
0x41: {  	s30 =	sadd.s32 $0x1000, s30;
	[sflag:s24] =	ssyncadd.s32 $0xFFFFC000  }
0x42: {  	[tilespmem:s19], [sflag:$0x2] =	stream.linear.gather [hbm4b:s31+s3], $0x4000, $0x38;
	[tilespmem:$0x1D400] =	vst v63  }
0x43: {  	_ =	swait.ge [sflag:s20], $0x4000  }
0x44: {  	[sflag:s20] =	ssyncset.done $0x0  }
0x45: {  	[sflag:s20] =	ssyncadd.s32 $0xFFFFC000  }
0x46: {  	[spmem:s1] =	stream.indirect.scatter.add.f32 [tilespmem:s18], [sflag:$0x3], $0x80, s25, s21, $0xb8;
	[tilespmem:$0x1D400] =	vst v63  }
0x47: {  	_ =	swait.ge [sflag:s22], $0x4000  }
0x48: {  	[sflag:s22] =	ssyncset.done $0x0  }
0x49: {  	[sflag:s22] =	ssyncadd.s32 $0xFFFFC000  }
0x4a: {  	[spmem:s1] =	stream.indirect.scatter.add.f32 [tilespmem:s19], [sflag:$0x4], $0x80, s26, s21, $0xb8;
	[tilespmem:$0x1D400] =	vst v63  }
0x4b: {  	_ =	swait.ge [sflag:s23], $0x4000  }
0x4c: {  	[sflag:s23] =	ssyncset.done $0x0  }
0x4d: {  	[sflag:s23] =	ssyncadd.s32 $0xFFFFC000  }
0x4e: {  	_ =	swait.ge [sflag:s24], $0x4000  }
0x4f: {  	[sflag:s24] =	ssyncset.done $0x0  }
0x50: {  	s0 =	simm.s32 $0x0;
	[sflag:s24] =	ssyncadd.s32 $0xFFFFC000  }
0x51: {  	[tilespmem:s0], [sflag:$0x5] =	stream.linear.gather [hbm4b:s9+s0], $0x1400, $0x38;
	[tilespmem:$0x1D400] =	vst v63  }
0x52: {  	_ =	swait.ge [sflag:s17], $0x1400  }
0x53: {  	[sflag:s17] =	ssyncset.done $0x0  }
0x54: {  	[sflag:s17] =	ssyncadd.s32 $0xFFFFEC00  }
0x55: {  	[tilespmem:s18], [sflag:$0x1] =	stream.linear.gather [hbm4b:s10+s0], $0x4000, $0x38;
	[tilespmem:$0x1D400] =	vst v63  }
0x56: {  	_ = 	snop  }
0x57: {  	[tilespmem:s19], [sflag:$0x2] =	stream.linear.gather [hbm4b:s11+s0], $0x4000, $0x38;
	[tilespmem:$0x1D400] =	vst v63  }
0x58: {  	_ =	swait.ge [sflag:s20], $0x4000  }
0x59: {  	[sflag:s20] =	ssyncset.done $0x0  }
0x5a: {  	s0 =	simm.s32 $0x0;
	[sflag:s20] =	ssyncadd.s32 $0xFFFFC000  }
0x5b: {  	[spmem:s1] =	stream.indirect.scatter.add.f32 [tilespmem:s18], [sflag:$0x3], $0x80, s0, s21, $0xb8;
	[tilespmem:$0x1D400] =	vst v63  }
0x5c: {  	_ =	swait.ge [sflag:s22], $0x4000  }
0x5d: {  	[sflag:s22] =	ssyncset.done $0x0  }
0x5e: {  	s0 =	simm.s32 $0x80;
	[sflag:s22] =	ssyncadd.s32 $0xFFFFC000  }
0x5f: {  	[spmem:s1] =	stream.indirect.scatter.add.f32 [tilespmem:s19], [sflag:$0x4], $0x80, s0, s21, $0xb8;
	[tilespmem:$0x1D400] =	vst v63  }
0x60: {  	_ =	swait.ge [sflag:s23], $0x4000  }
0x61: {  	[sflag:s23] =	ssyncset.done $0x0  }
0x62: {  	s0 =	sadd.s32 $0xFFFFF800, s15;
	[sflag:s23] =	ssyncadd.s32 $0xFFFFC000  }
0x63: {  	[tilespmem:s18], [sflag:$0x1] =	stream.linear.gather [hbm4b:s0+s3], $0x4000, $0x38;
	[tilespmem:$0x1D400] =	vst v63  }
0x64: {  	_ =	swait.ge [sflag:s24], $0x4000  }
0x65: {  	s29 =	simm.s32 $0x400;
	[sflag:s24] =	ssyncset.done $0x0  }
0x66: {  	s30 =	sadd.s32 $0x1000, s15;
	s31 =	smov.u32 s15;
	[sflag:s24] =	ssyncadd.s32 $0xFFFFC000  }
.LBB2_4:
0x67: {  	[tilespmem:s19], [sflag:$0x2] =	stream.linear.gather [hbm4b:s31+s3], $0x4000, $0x38;
	[tilespmem:$0x1D400] =	vst v63  }
0x68: {  	s0 =	smov.u32 s29;
	s31 =	smov.u32 s30  }
0x69: {  	p0 =	sne.s32 s29, $0x4800;
	s29 =	sadd.s32 $0x400, s29;
	_ =	swait.ge [sflag:s20], $0x4000  }
0x6a: {  	[sflag:s20] =	ssyncset.done $0x0  }
0x6b: {  	s0 =	sshra.s32 s0, $0x2;
	[sflag:s20] =	ssyncadd.s32 $0xFFFFC000  }
0x6c: {  	[spmem:s1] =	stream.indirect.scatter.add.f32 [tilespmem:s18], [sflag:$0x3], $0x80, s0, s21, $0xb8;
	[tilespmem:$0x1D400] =	vst v63  }
0x6d: {  	_ =	swait.ge [sflag:s22], $0x4000  }
0x6e: {  	[sflag:s22] =	ssyncset.done $0x0  }
0x6f: {  	s0 =	sadd.s32 $0x80, s0;
	[sflag:s22] =	ssyncadd.s32 $0xFFFFC000  }
0x70: {  	[spmem:s1] =	stream.indirect.scatter.add.f32 [tilespmem:s19], [sflag:$0x4], $0x80, s0, s21, $0xb8;
	[tilespmem:$0x1D400] =	vst v63  }
0x71: {  	_ =	swait.ge [sflag:s23], $0x4000  }
0x72: {  	[sflag:s23] =	ssyncset.done $0x0  }
.Ltmp1:
0x73: {  	s0 =	sadd.s32 $0xFFFFF800, s30;
	[sflag:s23] =	ssyncadd.s32 $0xFFFFC000;
	(pc) =	sbr.rel @p0 .LBB2_4-.Ltmp1, $4  }
0x74: {  	[tilespmem:s18], [sflag:$0x1] =	stream.linear.gather [hbm4b:s0+s3], $0x4000, $0x38;
	[tilespmem:$0x1D400] =	vst v63  }
0x75: {  	_ =	swait.ge [sflag:s24], $0x4000  }
0x76: {  	[sflag:s24] =	ssyncset.done $0x0  }
0x77: {  	s30 =	sadd.s32 $0x1000, s30;
	[sflag:s24] =	ssyncadd.s32 $0xFFFFC000  }
0x78: {  	[tilespmem:s19], [sflag:$0x2] =	stream.linear.gather [hbm4b:s31+s3], $0x4000, $0x38;
	[tilespmem:$0x1D400] =	vst v63  }
0x79: {  	_ =	swait.ge [sflag:s20], $0x4000  }
0x7a: {  	[sflag:s20] =	ssyncset.done $0x0  }
0x7b: {  	[sflag:s20] =	ssyncadd.s32 $0xFFFFC000  }
0x7c: {  	[spmem:s1] =	stream.indirect.scatter.add.f32 [tilespmem:s18], [sflag:$0x3], $0x80, s25, s21, $0xb8;
	[tilespmem:$0x1D400] =	vst v63  }
0x7d: {  	_ =	swait.ge [sflag:s22], $0x4000  }
0x7e: {  	[sflag:s22] =	ssyncset.done $0x0  }
0x7f: {  	[sflag:s22] =	ssyncadd.s32 $0xFFFFC000  }
0x80: {  	[spmem:s1] =	stream.indirect.scatter.add.f32 [tilespmem:s19], [sflag:$0x4], $0x80, s26, s21, $0xb8;
	[tilespmem:$0x1D400] =	vst v63  }
0x81: {  	_ =	swait.ge [sflag:s23], $0x4000  }
0x82: {  	[sflag:s23] =	ssyncset.done $0x0  }
0x83: {  	[sflag:s23] =	ssyncadd.s32 $0xFFFFC000  }
0x84: {  	_ =	swait.ge [sflag:s24], $0x4000  }
0x85: {  	s28 =	sadd.s32 $0x1, s28;
	[sflag:s24] =	ssyncset.done $0x0  }
0x86: {  	p0 =	sne.s32 s28, s13;
	[sflag:s24] =	ssyncadd.s32 $0xFFFFC000  }
.Ltmp2:
0x87: {  	[bflag:$0x0] =	sbarrier.arrive $0xFFFF;
	(pc) =	sbr.rel @p0 .LBB2_1-.Ltmp2, $4  }
0x88: {  	[hbm:s12], [sflag:s5] =	dma.local [spmem:s16], $0x2800  }
0x89: {  	_ =	swait.ge [sflag:s17], $0x2800  }
0x8a: {  	[sflag:s17] =	ssyncset.done $0x0  }
0x8b: {  	[sflag:s17] =	ssyncadd.s32 $0xFFFFD800  }
0x8c: {  	_ =	sfence.sel $0x180000  }
0x8d: {  	[bflag:$0x0] =	sbarrier.arrive $0xFFFF  }
0x8e: {  	_ =	strace $0x90000053  }
0x8f: {  	[bflag:$0x2] =	sbarrier.arrive $0xFFFF  }
0x90: {  	p0 =	sne.s32 s2, $0x0;
	s0 =	rddreg [dreg:$0x2]  }
0x91: {  	s0 =	sadd.s32 @!p0 $0x100000, s0  }
0x92: {  	[sflag:s0] =	ssyncadd.tile.s32 @!p0 $0x1;
	_ =	shalt  }
.Lfunc_end2:
_tile_overlayer_lowered:
.L_overlay_start_2:
0x93: {  	(tag) =	ssettag $0x2  }
0x94: {  	s0 =	rddreg [dreg:$0x0];
	s2 =	stileid.u32  }
0x95: {  	s1 =	rddreg [dreg:$0x1];
	p0 =	sne.s32 s2, $0x0  }
0x96: {  	s3 =	rddreg [dreg:$0x2];
	[bflag:$0x3] =	sbarrier.arrive $0xFFFF;
	s2 =	simm.s32 @!p0 $0x1C05  }
0x97: {  	[timem:s3], [sflag:s2] =	dma.local @!p0 [hbm:s0], s1  }
0x98: {  	s0 =	simm.s32 @!p0 $0x5  }
0x99: {  	_ =	swait.ge @!p0 [sflag:s0], s1  }
0x9a: {  	s1 =	ssub.s32 @!p0 $0x0, s1;
	[sflag:s0] =	ssyncset.done @!p0 $0x0  }
0x9b: {  	[sflag:s0] =	ssyncadd.s32 @!p0 s1  }
0x9c: {  	[bflag:$0x3] =	sbarrier.arrive $0xFFFF  }
0x9d: {  	_ =	shalt  }

</sc_bundles>
